<compile_context>
chip_gen: v7x
topology: tpu7x:2x2x1
jax: 0.10.2.dev20260603
libtpu: 0.0.44.dev20260713+nightly
codegen_flags: <defaults>
</compile_context>

<pallas_src>
import jax
import jax.numpy as jnp
from jax import lax
from jax.experimental import pallas as pl
from jax.experimental.pallas import tpu as pltpu
from jax.experimental.pallas import tpu_sc as plsc

BATCH = 16
HEIGHT = 90
LENGTH = 16384
NC = 2
NS = 16
LANES = 16

ROWS_PER_W = HEIGHT // NC
NBUF = 3
UNROLL = 8
NACC = 4
SUBL = LENGTH // (UNROLL * LANES)

assert ROWS_PER_W % NBUF == 0


def _accumulate_chunk(cs_b, csp_b, mask_v, accs, cnts):

    def inner(i, carry):
        acc, cnt = carry
        acc = list(acc)
        cnt = list(cnt)
        for u in range(UNROLL):
            j = u % NACC
            a = cs_b[pl.ds(i * (UNROLL * LANES) + u * LANES, LANES)]
            p = csp_b[i, pl.ds(u * LANES, LANES)]
            mf = mask_v[i, pl.ds(u * LANES, LANES)]
            notnan = a == a
            asafe = jnp.where(notnan, a, p)
            d = asafe - p
            dm = d * mf
            acc[j] = acc[j] + dm * d
            cnt[j] = cnt[j] + jnp.where(notnan, mf, 0.0)
        return (tuple(acc), tuple(cnt))

    return lax.fori_loop(0, SUBL, inner, (accs, cnts))


def _sc_body(cs_hbm, csp_hbm, mask_hbm, sumsq_out, cnt_out,
             mask_v, cs0, cs1, cs2, csp0, csp1, csp2, stage_v,
             sem0, sem1, sem2):
    c = lax.axis_index("c")
    s = lax.axis_index("s")
    batch = s
    half = c
    row0 = half * ROWS_PER_W

    pltpu.sync_copy(mask_hbm.at[batch], mask_v)

    def mask_body16(i, _):
        for u in range(UNROLL):
            sl = pl.ds(u * LANES, LANES)
            m = mask_v[i, sl]
            mask_v[i, sl] = jnp.where(m > 0.0, 1.0, 0.0)
        return 0

    lax.fori_loop(0, SUBL, mask_body16, 0)

    bufs = ((cs0, csp0, sem0), (cs1, csp1, sem1), (cs2, csp2, sem2))

    def start(j, b):
        cs_b, csp_b, sem = bufs[b]
        pltpu.async_copy(cs_hbm.at[batch, row0 + j], cs_b, sem)
        pltpu.async_copy(csp_hbm.at[batch, row0 + j], csp_b, sem)

    def wait(b):
        cs_b, csp_b, sem = bufs[b]
        pltpu.make_async_copy(cs_hbm.at[batch, row0], cs_b, sem).wait()
        pltpu.make_async_copy(csp_hbm.at[batch, row0], csp_b, sem).wait()

    for b in range(NBUF):
        start(b, b)

    def body3(k, carry):
        accs, cnts = carry
        for b in range(NBUF):
            wait(b)
            accs, cnts = _accumulate_chunk(bufs[b][0], bufs[b][1], mask_v,
                                           accs, cnts)
            start(NBUF * k + b + NBUF, b)
        return (accs, cnts)

    zero = jnp.zeros((LANES,), jnp.float32)
    init = (tuple(zero for _ in range(NACC)), tuple(zero for _ in range(NACC)))
    accs, cnts = lax.fori_loop(0, ROWS_PER_W // NBUF - 1, body3, init)

    for b in range(NBUF):
        wait(b)
        accs, cnts = _accumulate_chunk(bufs[b][0], bufs[b][1], mask_v,
                                       accs, cnts)

    stage_v[...] = (accs[0] + accs[1]) + (accs[2] + accs[3])
    pltpu.sync_copy(stage_v, sumsq_out.at[half, batch])
    stage_v[...] = (cnts[0] + cnts[1]) + (cnts[2] + cnts[3])
    pltpu.sync_copy(stage_v, cnt_out.at[half, batch])


def _sc_partials(cs3d, csp4d, mask3d):
    mesh = plsc.VectorSubcoreMesh(core_axis_name="c", subcore_axis_name="s")
    kern = pl.kernel(
        _sc_body,
        out_type=(
            jax.ShapeDtypeStruct((NC, BATCH, LANES), jnp.float32),
            jax.ShapeDtypeStruct((NC, BATCH, LANES), jnp.float32),
        ),
        mesh=mesh,
        scratch_types=[
            pltpu.VMEM((SUBL, UNROLL * LANES), jnp.float32),
            pltpu.VMEM((LENGTH,), jnp.float32),
            pltpu.VMEM((LENGTH,), jnp.float32),
            pltpu.VMEM((LENGTH,), jnp.float32),
            pltpu.VMEM((SUBL, UNROLL * LANES), jnp.float32),
            pltpu.VMEM((SUBL, UNROLL * LANES), jnp.float32),
            pltpu.VMEM((SUBL, UNROLL * LANES), jnp.float32),
            pltpu.VMEM((LANES,), jnp.float32),
            pltpu.SemaphoreType.DMA,
            pltpu.SemaphoreType.DMA,
            pltpu.SemaphoreType.DMA,
        ],
    )
    return kern(cs3d, csp4d, mask3d)


def _finalize_body(sumsq_ref, cnt_ref, out_ref):
    ssq = sumsq_ref[0] + sumsq_ref[1]
    cnt = cnt_ref[0] + cnt_ref[1]
    ssq_b = jnp.sum(ssq, axis=1)
    cnt_b = jnp.sum(cnt, axis=1)
    mse = ssq_b / cnt_b
    psnr = jnp.where(mse == 0.0, jnp.inf,
                     20.0 * jnp.log10(2.0 / jnp.sqrt(mse)))
    out_ref[...] = (jnp.sum(psnr) / BATCH).reshape(1, 1)


def _finalize(sumsq, cnt):
    return pl.pallas_call(
        _finalize_body,
        out_shape=jax.ShapeDtypeStruct((1, 1), jnp.float32),
    )(sumsq, cnt)


def kernel(cs, cs_p, overpass_mask):
    assert cs.shape == (BATCH, HEIGHT, LENGTH)
    sumsq, cnt = _sc_partials(cs, cs_p, overpass_mask)
    return _finalize(sumsq, cnt)[0, 0]

# --- scband reference (transcript-rebuilt; emitter-appended) ---
"""Pipeline reference for scband-psnrmetric-68994354643178 (READ-ONLY COPY).

The authoritative reference and input builder live on the scoring server;
editing this copy changes nothing except your own understanding.
"""

import jax, jax.numpy as jnp
import numpy as np


def setup_inputs(seed: int = 0) -> dict:
    key = jax.random.key(seed)
    k1, k2 = jax.random.split(key)
    cs = jax.random.normal(k1, (16, 90, 16384), dtype=jnp.float32)
    cs_p = jax.random.normal(k2, (16, 90, 128, 128), dtype=jnp.float32)
    overpass_mask = jnp.ones((16, 128, 128), dtype=jnp.float32)
    return {"cs": cs, "cs_p": cs_p, "overpass_mask": overpass_mask}


def reference(cs, cs_p, overpass_mask):
    # Faithful translation of PSNRMetric.forward + get_profiles.
    batch, height, length = cs.shape
    pixel_max = 2.0
    psnr_vals = []
    for i in range(batch):
        cs_i = cs[i]                      # (H, padded_length)
        cs_p_i = cs_p[i]                  # (H, W, L)
        mask_i = overpass_mask[i] > 0     # (W, L)
        mask_e = jnp.broadcast_to(mask_i[None, :, :], (height,) + mask_i.shape)
        # profile extraction: drop NaN-padded columns of cs, gather overpass
        # pixels of cs_p (row-major, mask identical across height rows)
        valid_cs = ~jnp.isnan(cs_i)                       # (H, padded_length)
        valid_p = mask_e.reshape(height, -1)              # (H, W*L)
        cs_profile = jnp.where(valid_cs, cs_i, 0.0)
        cs_p_profile = jnp.where(valid_p, cs_p_i.reshape(height, -1), 0.0)
        valid = valid_cs & valid_p
        sq = jnp.where(valid, (cs_profile - cs_p_profile) ** 2, 0.0)
        mse = jnp.sum(sq) / jnp.sum(valid)
        psnr = jnp.where(mse == 0, jnp.inf,
                         20.0 * jnp.log10(pixel_max / jnp.sqrt(mse)))
        psnr_vals.append(psnr)
    return jnp.mean(jnp.stack(psnr_vals))

if __name__ == "__main__":
    import jax
    _d = setup_inputs()
    print(jax.jit(kernel)(*tuple(_d.values())))

</pallas_src>

<mosaic_0001>
#map = affine_map<(d0, d1) -> (0, 0, 0)>
#map1 = affine_map<(d0, d1) -> (0, 0, 0, 0)>
module attributes {stable_mosaic.version = 14 : i64} {
  func.func @_sc_body(%arg0: i32, %arg1: i32, %arg2: memref<16x90x16384xf32, #tpu.memory_space<hbm>>, %arg3: memref<16x90x128x128xf32, #tpu.memory_space<hbm>>, %arg4: memref<16x128x128xf32, #tpu.memory_space<hbm>>, %arg5: memref<2x16x16xf32, #tpu.memory_space<hbm>>, %arg6: memref<2x16x16xf32, #tpu.memory_space<hbm>>, %arg7: memref<128x128xf32, #tpu.memory_space<vmem>>, %arg8: memref<16384xf32, #tpu.memory_space<vmem>>, %arg9: memref<16384xf32, #tpu.memory_space<vmem>>, %arg10: memref<16384xf32, #tpu.memory_space<vmem>>, %arg11: memref<128x128xf32, #tpu.memory_space<vmem>>, %arg12: memref<128x128xf32, #tpu.memory_space<vmem>>, %arg13: memref<128x128xf32, #tpu.memory_space<vmem>>, %arg14: memref<16xf32, #tpu.memory_space<vmem>>, %arg15: memref<!tpu.dma_semaphore, #tpu.memory_space<semaphore_mem>>, %arg16: memref<!tpu.dma_semaphore, #tpu.memory_space<semaphore_mem>>, %arg17: memref<!tpu.dma_semaphore, #tpu.memory_space<semaphore_mem>>) attributes {dimension_semantics = [#tpu.dimension_semantics<core_parallel>, #tpu.dimension_semantics<subcore_parallel>], iteration_bounds = array<i64: 2, 16>, scalar_prefetch = 0 : i64, scratch_operands = 11 : i64, tpu.core_type = #tpu.core_type<sc_vector_subcore>, window_params = [{transform_indices = #map}, {transform_indices = #map1}, {transform_indices = #map}, {transform_indices = #map}, {transform_indices = #map}]} {
    %mul3A = arith.constant 45 : i32
    %mul3A_0 = arith.muli %arg0, %mul3A : i32
    "tpu.region"() ({
      %run_scoped3A = tpu.sem_alloc : memref<!tpu.dma_semaphore, #tpu.memory_space<semaphore_mem>>
      %dma_start3A_138 = arith.constant 0 : i32
      %dma_start3A_139 = arith.constant 0 : i32
      %dma_start3A_140 = tpu.memref_slice %arg4[%arg1, %dma_start3A_138, %dma_start3A_139] : memref<16x128x128xf32, #tpu.memory_space<hbm>> -> memref<1x128x128xf32, #tpu.memory_space<hbm>>
      %dma_start3A_141 = tpu.memref_squeeze %dma_start3A_140 : memref<1x128x128xf32, #tpu.memory_space<hbm>> -> memref<128x128xf32, #tpu.memory_space<hbm>>
      %dma_start3A_142 = arith.constant 0 : i32
      %dma_start3A_143 = arith.constant 0 : i32
      %dma_start3A_144 = tpu.memref_slice %arg4[%arg1, %dma_start3A_142, %dma_start3A_143] : memref<16x128x128xf32, #tpu.memory_space<hbm>> -> memref<1x128x128xf32, #tpu.memory_space<hbm>>
      %dma_start3A_145 = tpu.memref_squeeze %dma_start3A_144 : memref<1x128x128xf32, #tpu.memory_space<hbm>> -> memref<128x128xf32, #tpu.memory_space<hbm>>
      tpu.enqueue_dma source(%dma_start3A_145 : memref<128x128xf32, #tpu.memory_space<hbm>>) target(%arg7 : memref<128x128xf32, #tpu.memory_space<vmem>>) target_semaphore(%run_scoped3A : memref<!tpu.dma_semaphore, #tpu.memory_space<semaphore_mem>>)
      %dma_wait3A_146 = arith.constant 0 : i32
      %dma_wait3A_147 = arith.constant 0 : i32
      %dma_wait3A_148 = tpu.memref_slice %arg4[%arg1, %dma_wait3A_146, %dma_wait3A_147] : memref<16x128x128xf32, #tpu.memory_space<hbm>> -> memref<1x128x128xf32, #tpu.memory_space<hbm>>
      %dma_wait3A_149 = tpu.memref_squeeze %dma_wait3A_148 : memref<1x128x128xf32, #tpu.memory_space<hbm>> -> memref<128x128xf32, #tpu.memory_space<hbm>>
      %dma_wait3A_150 = arith.constant 0 : i32
      %dma_wait3A_151 = arith.constant 0 : i32
      %dma_wait3A_152 = tpu.memref_slice %arg4[%arg1, %dma_wait3A_150, %dma_wait3A_151] : memref<16x128x128xf32, #tpu.memory_space<hbm>> -> memref<1x128x128xf32, #tpu.memory_space<hbm>>
      %dma_wait3A_153 = tpu.memref_squeeze %dma_wait3A_152 : memref<1x128x128xf32, #tpu.memory_space<hbm>> -> memref<128x128xf32, #tpu.memory_space<hbm>>
      tpu.wait_dma2 semaphore(%run_scoped3A : memref<!tpu.dma_semaphore, #tpu.memory_space<semaphore_mem>>) src(%dma_wait3A_153 : memref<128x128xf32, #tpu.memory_space<hbm>>) dst(%arg7 : memref<128x128xf32, #tpu.memory_space<vmem>>)
      tpu.yield
    }) : () -> ()
    %scan3A = arith.constant 0 : i32
    %scan3A_1 = arith.constant 0 : i32
    %scan3A_2 = arith.constant 128 : i32
    %scan3A_3 = arith.addi %scan3A_1, %scan3A_2 : i32
    %scan3A_4 = arith.constant 1 : i32
    %scan3A_5 = scf.for %scan3A_138 = %scan3A_1 to %scan3A_3 step %scan3A_4 iter_args(%scan3A_139 = %scan3A) -> (i32)  : i32 {
      %get3A = arith.index_cast %scan3A_138 : i32 to index
      %get3A_140 = arith.constant 0 : index
      %get3A_141 = tpu.vector_load %arg7[%get3A, %get3A_140] {strides = array<i32>} : memref<128x128xf32, #tpu.memory_space<vmem>>, vector<1x16xf32>,
      %get3A_142 = vector.shape_cast %get3A_141 : vector<1x16xf32> to vector<16xf32>
      %gt3A = arith.constant 0.000000e+00 : f32
      %gt3A_143 = vector.broadcast %gt3A : f32 to vector<16xf32>
      %gt3A_144 = arith.cmpf ogt, %get3A_142, %gt3A_143 : vector<16xf32>
      %jit3A = arith.constant 1.000000e+00 : f32
      %jit3A_145 = arith.constant 0.000000e+00 : f32
      %broadcast_in_dim3A_146 = vector.broadcast %jit3A : f32 to vector<16xf32>
      %broadcast_in_dim3A_147 = vector.broadcast %jit3A_145 : f32 to vector<16xf32>
      %select_n3A = arith.select %gt3A_144, %broadcast_in_dim3A_146, %broadcast_in_dim3A_147 : vector<16xi1>, vector<16xf32>
      %swap3A_148 = arith.index_cast %scan3A_138 : i32 to index
      %swap3A_149 = arith.constant 0 : index
      %swap3A_150 = tpu.vector_load %arg7[%swap3A_148, %swap3A_149] {strides = array<i32>} : memref<128x128xf32, #tpu.memory_space<vmem>>, vector<1x16xf32>,
      %swap3A_151 = vector.shape_cast %swap3A_150 : vector<1x16xf32> to vector<16xf32>
      %swap3A_152 = vector.shape_cast %select_n3A : vector<16xf32> to vector<1x16xf32>
      tpu.vector_store %arg7[%swap3A_148, %swap3A_149], %swap3A_152 {strides = array<i32>} : memref<128x128xf32, #tpu.memory_space<vmem>>, vector<1x16xf32>,
      %get3A_153 = arith.index_cast %scan3A_138 : i32 to index
      %get3A_154 = arith.constant 16 : index
      %get3A_155 = tpu.vector_load %arg7[%get3A_153, %get3A_154] {strides = array<i32>} : memref<128x128xf32, #tpu.memory_space<vmem>>, vector<1x16xf32>,
      %get3A_156 = vector.shape_cast %get3A_155 : vector<1x16xf32> to vector<16xf32>
      %gt3A_157 = arith.constant 0.000000e+00 : f32
      %gt3A_158 = vector.broadcast %gt3A_157 : f32 to vector<16xf32>
      %gt3A_159 = arith.cmpf ogt, %get3A_156, %gt3A_158 : vector<16xf32>
      %jit3A_160 = arith.constant 1.000000e+00 : f32
      %jit3A_161 = arith.constant 0.000000e+00 : f32
      %broadcast_in_dim3A_162 = vector.broadcast %jit3A_160 : f32 to vector<16xf32>
      %broadcast_in_dim3A_163 = vector.broadcast %jit3A_161 : f32 to vector<16xf32>
      %select_n3A_164 = arith.select %gt3A_159, %broadcast_in_dim3A_162, %broadcast_in_dim3A_163 : vector<16xi1>, vector<16xf32>
      %swap3A_165 = arith.index_cast %scan3A_138 : i32 to index
      %swap3A_166 = arith.constant 16 : index
      %swap3A_167 = tpu.vector_load %arg7[%swap3A_165, %swap3A_166] {strides = array<i32>} : memref<128x128xf32, #tpu.memory_space<vmem>>, vector<1x16xf32>,
      %swap3A_168 = vector.shape_cast %swap3A_167 : vector<1x16xf32> to vector<16xf32>
      %swap3A_169 = vector.shape_cast %select_n3A_164 : vector<16xf32> to vector<1x16xf32>
      tpu.vector_store %arg7[%swap3A_165, %swap3A_166], %swap3A_169 {strides = array<i32>} : memref<128x128xf32, #tpu.memory_space<vmem>>, vector<1x16xf32>,
      %get3A_170 = arith.index_cast %scan3A_138 : i32 to index
      %get3A_171 = arith.constant 32 : index
      %get3A_172 = tpu.vector_load %arg7[%get3A_170, %get3A_171] {strides = array<i32>} : memref<128x128xf32, #tpu.memory_space<vmem>>, vector<1x16xf32>,
      %get3A_173 = vector.shape_cast %get3A_172 : vector<1x16xf32> to vector<16xf32>
      %gt3A_174 = arith.constant 0.000000e+00 : f32
      %gt3A_175 = vector.broadcast %gt3A_174 : f32 to vector<16xf32>
      %gt3A_176 = arith.cmpf ogt, %get3A_173, %gt3A_175 : vector<16xf32>
      %jit3A_177 = arith.constant 1.000000e+00 : f32
      %jit3A_178 = arith.constant 0.000000e+00 : f32
      %broadcast_in_dim3A_179 = vector.broadcast %jit3A_177 : f32 to vector<16xf32>
      %broadcast_in_dim3A_180 = vector.broadcast %jit3A_178 : f32 to vector<16xf32>
      %select_n3A_181 = arith.select %gt3A_176, %broadcast_in_dim3A_179, %broadcast_in_dim3A_180 : vector<16xi1>, vector<16xf32>
      %swap3A_182 = arith.index_cast %scan3A_138 : i32 to index
      %swap3A_183 = arith.constant 32 : index
      %swap3A_184 = tpu.vector_load %arg7[%swap3A_182, %swap3A_183] {strides = array<i32>} : memref<128x128xf32, #tpu.memory_space<vmem>>, vector<1x16xf32>,
      %swap3A_185 = vector.shape_cast %swap3A_184 : vector<1x16xf32> to vector<16xf32>
      %swap3A_186 = vector.shape_cast %select_n3A_181 : vector<16xf32> to vector<1x16xf32>
      tpu.vector_store %arg7[%swap3A_182, %swap3A_183], %swap3A_186 {strides = array<i32>} : memref<128x128xf32, #tpu.memory_space<vmem>>, vector<1x16xf32>,
      %get3A_187 = arith.index_cast %scan3A_138 : i32 to index
      %get3A_188 = arith.constant 48 : index
      %get3A_189 = tpu.vector_load %arg7[%get3A_187, %get3A_188] {strides = array<i32>} : memref<128x128xf32, #tpu.memory_space<vmem>>, vector<1x16xf32>,
      %get3A_190 = vector.shape_cast %get3A_189 : vector<1x16xf32> to vector<16xf32>
      %gt3A_191 = arith.constant 0.000000e+00 : f32
      %gt3A_192 = vector.broadcast %gt3A_191 : f32 to vector<16xf32>
      %gt3A_193 = arith.cmpf ogt, %get3A_190, %gt3A_192 : vector<16xf32>
      %jit3A_194 = arith.constant 1.000000e+00 : f32
      %jit3A_195 = arith.constant 0.000000e+00 : f32
      %broadcast_in_dim3A_196 = vector.broadcast %jit3A_194 : f32 to vector<16xf32>
      %broadcast_in_dim3A_197 = vector.broadcast %jit3A_195 : f32 to vector<16xf32>
      %select_n3A_198 = arith.select %gt3A_193, %broadcast_in_dim3A_196, %broadcast_in_dim3A_197 : vector<16xi1>, vector<16xf32>
      %swap3A_199 = arith.index_cast %scan3A_138 : i32 to index
      %swap3A_200 = arith.constant 48 : index
      %swap3A_201 = tpu.vector_load %arg7[%swap3A_199, %swap3A_200] {strides = array<i32>} : memref<128x128xf32, #tpu.memory_space<vmem>>, vector<1x16xf32>,
      %swap3A_202 = vector.shape_cast %swap3A_201 : vector<1x16xf32> to vector<16xf32>
      %swap3A_203 = vector.shape_cast %select_n3A_198 : vector<16xf32> to vector<1x16xf32>
      tpu.vector_store %arg7[%swap3A_199, %swap3A_200], %swap3A_203 {strides = array<i32>} : memref<128x128xf32, #tpu.memory_space<vmem>>, vector<1x16xf32>,
      %get3A_204 = arith.index_cast %scan3A_138 : i32 to index
      %get3A_205 = arith.constant 64 : index
      %get3A_206 = tpu.vector_load %arg7[%get3A_204, %get3A_205] {strides = array<i32>} : memref<128x128xf32, #tpu.memory_space<vmem>>, vector<1x16xf32>,
      %get3A_207 = vector.shape_cast %get3A_206 : vector<1x16xf32> to vector<16xf32>
      %gt3A_208 = arith.constant 0.000000e+00 : f32
      %gt3A_209 = vector.broadcast %gt3A_208 : f32 to vector<16xf32>
      %gt3A_210 = arith.cmpf ogt, %get3A_207, %gt3A_209 : vector<16xf32>
      %jit3A_211 = arith.constant 1.000000e+00 : f32
      %jit3A_212 = arith.constant 0.000000e+00 : f32
      %broadcast_in_dim3A_213 = vector.broadcast %jit3A_211 : f32 to vector<16xf32>
      %broadcast_in_dim3A_214 = vector.broadcast %jit3A_212 : f32 to vector<16xf32>
      %select_n3A_215 = arith.select %gt3A_210, %broadcast_in_dim3A_213, %broadcast_in_dim3A_214 : vector<16xi1>, vector<16xf32>
      %swap3A_216 = arith.index_cast %scan3A_138 : i32 to index
      %swap3A_217 = arith.constant 64 : index
      %swap3A_218 = tpu.vector_load %arg7[%swap3A_216, %swap3A_217] {strides = array<i32>} : memref<128x128xf32, #tpu.memory_space<vmem>>, vector<1x16xf32>,
      %swap3A_219 = vector.shape_cast %swap3A_218 : vector<1x16xf32> to vector<16xf32>
      %swap3A_220 = vector.shape_cast %select_n3A_215 : vector<16xf32> to vector<1x16xf32>
      tpu.vector_store %arg7[%swap3A_216, %swap3A_217], %swap3A_220 {strides = array<i32>} : memref<128x128xf32, #tpu.memory_space<vmem>>, vector<1x16xf32>,
      %get3A_221 = arith.index_cast %scan3A_138 : i32 to index
      %get3A_222 = arith.constant 80 : index
      %get3A_223 = tpu.vector_load %arg7[%get3A_221, %get3A_222] {strides = array<i32>} : memref<128x128xf32, #tpu.memory_space<vmem>>, vector<1x16xf32>,
      %get3A_224 = vector.shape_cast %get3A_223 : vector<1x16xf32> to vector<16xf32>
      %gt3A_225 = arith.constant 0.000000e+00 : f32
      %gt3A_226 = vector.broadcast %gt3A_225 : f32 to vector<16xf32>
      %gt3A_227 = arith.cmpf ogt, %get3A_224, %gt3A_226 : vector<16xf32>
      %jit3A_228 = arith.constant 1.000000e+00 : f32
      %jit3A_229 = arith.constant 0.000000e+00 : f32
      %broadcast_in_dim3A_230 = vector.broadcast %jit3A_228 : f32 to vector<16xf32>
      %broadcast_in_dim3A_231 = vector.broadcast %jit3A_229 : f32 to vector<16xf32>
      %select_n3A_232 = arith.select %gt3A_227, %broadcast_in_dim3A_230, %broadcast_in_dim3A_231 : vector<16xi1>, vector<16xf32>
      %swap3A_233 = arith.index_cast %scan3A_138 : i32 to index
      %swap3A_234 = arith.constant 80 : index
      %swap3A_235 = tpu.vector_load %arg7[%swap3A_233, %swap3A_234] {strides = array<i32>} : memref<128x128xf32, #tpu.memory_space<vmem>>, vector<1x16xf32>,
      %swap3A_236 = vector.shape_cast %swap3A_235 : vector<1x16xf32> to vector<16xf32>
      %swap3A_237 = vector.shape_cast %select_n3A_232 : vector<16xf32> to vector<1x16xf32>
      tpu.vector_store %arg7[%swap3A_233, %swap3A_234], %swap3A_237 {strides = array<i32>} : memref<128x128xf32, #tpu.memory_space<vmem>>, vector<1x16xf32>,
      %get3A_238 = arith.index_cast %scan3A_138 : i32 to index
      %get3A_239 = arith.constant 96 : index
      %get3A_240 = tpu.vector_load %arg7[%get3A_238, %get3A_239] {strides = array<i32>} : memref<128x128xf32, #tpu.memory_space<vmem>>, vector<1x16xf32>,
      %get3A_241 = vector.shape_cast %get3A_240 : vector<1x16xf32> to vector<16xf32>
      %gt3A_242 = arith.constant 0.000000e+00 : f32
      %gt3A_243 = vector.broadcast %gt3A_242 : f32 to vector<16xf32>
      %gt3A_244 = arith.cmpf ogt, %get3A_241, %gt3A_243 : vector<16xf32>
      %jit3A_245 = arith.constant 1.000000e+00 : f32
      %jit3A_246 = arith.constant 0.000000e+00 : f32
      %broadcast_in_dim3A_247 = vector.broadcast %jit3A_245 : f32 to vector<16xf32>
      %broadcast_in_dim3A_248 = vector.broadcast %jit3A_246 : f32 to vector<16xf32>
      %select_n3A_249 = arith.select %gt3A_244, %broadcast_in_dim3A_247, %broadcast_in_dim3A_248 : vector<16xi1>, vector<16xf32>
      %swap3A_250 = arith.index_cast %scan3A_138 : i32 to index
      %swap3A_251 = arith.constant 96 : index
      %swap3A_252 = tpu.vector_load %arg7[%swap3A_250, %swap3A_251] {strides = array<i32>} : memref<128x128xf32, #tpu.memory_space<vmem>>, vector<1x16xf32>,
      %swap3A_253 = vector.shape_cast %swap3A_252 : vector<1x16xf32> to vector<16xf32>
      %swap3A_254 = vector.shape_cast %select_n3A_249 : vector<16xf32> to vector<1x16xf32>
      tpu.vector_store %arg7[%swap3A_250, %swap3A_251], %swap3A_254 {strides = array<i32>} : memref<128x128xf32, #tpu.memory_space<vmem>>, vector<1x16xf32>,
      %get3A_255 = arith.index_cast %scan3A_138 : i32 to index
      %get3A_256 = arith.constant 112 : index
      %get3A_257 = tpu.vector_load %arg7[%get3A_255, %get3A_256] {strides = array<i32>} : memref<128x128xf32, #tpu.memory_space<vmem>>, vector<1x16xf32>,
      %get3A_258 = vector.shape_cast %get3A_257 : vector<1x16xf32> to vector<16xf32>
      %gt3A_259 = arith.constant 0.000000e+00 : f32
      %gt3A_260 = vector.broadcast %gt3A_259 : f32 to vector<16xf32>
      %gt3A_261 = arith.cmpf ogt, %get3A_258, %gt3A_260 : vector<16xf32>
      %jit3A_262 = arith.constant 1.000000e+00 : f32
      %jit3A_263 = arith.constant 0.000000e+00 : f32
      %broadcast_in_dim3A_264 = vector.broadcast %jit3A_262 : f32 to vector<16xf32>
      %broadcast_in_dim3A_265 = vector.broadcast %jit3A_263 : f32 to vector<16xf32>
      %select_n3A_266 = arith.select %gt3A_261, %broadcast_in_dim3A_264, %broadcast_in_dim3A_265 : vector<16xi1>, vector<16xf32>
      %swap3A_267 = arith.index_cast %scan3A_138 : i32 to index
      %swap3A_268 = arith.constant 112 : index
      %swap3A_269 = tpu.vector_load %arg7[%swap3A_267, %swap3A_268] {strides = array<i32>} : memref<128x128xf32, #tpu.memory_space<vmem>>, vector<1x16xf32>,
      %swap3A_270 = vector.shape_cast %swap3A_269 : vector<1x16xf32> to vector<16xf32>
      %swap3A_271 = vector.shape_cast %select_n3A_266 : vector<16xf32> to vector<1x16xf32>
      tpu.vector_store %arg7[%swap3A_267, %swap3A_268], %swap3A_271 {strides = array<i32>} : memref<128x128xf32, #tpu.memory_space<vmem>>, vector<1x16xf32>,
      %scan3A_272 = arith.constant 0 : i32
      scf.yield %scan3A_272 : i32
    }
    %scan3A_6 = arith.constant 128 : i32
    %add3A = arith.constant 0 : i32
    %add3A_7 = arith.addi %mul3A_0, %add3A : i32
    %dma_start3A = arith.constant 0 : i32
    %dma_start3A_8 = tpu.memref_slice %arg2[%arg1, %add3A_7, %dma_start3A] : memref<16x90x16384xf32, #tpu.memory_space<hbm>> -> memref<1x1x16384xf32, #tpu.memory_space<hbm>>
    %dma_start3A_9 = tpu.memref_squeeze %dma_start3A_8 : memref<1x1x16384xf32, #tpu.memory_space<hbm>> -> memref<16384xf32, #tpu.memory_space<hbm>>
    %dma_start3A_10 = arith.constant 0 : i32
    %dma_start3A_11 = tpu.memref_slice %arg2[%arg1, %add3A_7, %dma_start3A_10] : memref<16x90x16384xf32, #tpu.memory_space<hbm>> -> memref<1x1x16384xf32, #tpu.memory_space<hbm>>
    %dma_start3A_12 = tpu.memref_squeeze %dma_start3A_11 : memref<1x1x16384xf32, #tpu.memory_space<hbm>> -> memref<16384xf32, #tpu.memory_space<hbm>>
    tpu.enqueue_dma source(%dma_start3A_12 : memref<16384xf32, #tpu.memory_space<hbm>>) target(%arg8 : memref<16384xf32, #tpu.memory_space<vmem>>) target_semaphore(%arg15 : memref<!tpu.dma_semaphore, #tpu.memory_space<semaphore_mem>>)
    %add3A_13 = arith.constant 0 : i32
    %add3A_14 = arith.addi %mul3A_0, %add3A_13 : i32
    %dma_start3A_15 = arith.constant 0 : i32
    %dma_start3A_16 = arith.constant 0 : i32
    %dma_start3A_17 = tpu.memref_slice %arg3[%arg1, %add3A_14, %dma_start3A_15, %dma_start3A_16] : memref<16x90x128x128xf32, #tpu.memory_space<hbm>> -> memref<1x1x128x128xf32, #tpu.memory_space<hbm>>
    %dma_start3A_18 = tpu.memref_squeeze %dma_start3A_17 : memref<1x1x128x128xf32, #tpu.memory_space<hbm>> -> memref<128x128xf32, #tpu.memory_space<hbm>>
    %dma_start3A_19 = arith.constant 0 : i32
    %dma_start3A_20 = arith.constant 0 : i32
    %dma_start3A_21 = tpu.memref_slice %arg3[%arg1, %add3A_14, %dma_start3A_19, %dma_start3A_20] : memref<16x90x128x128xf32, #tpu.memory_space<hbm>> -> memref<1x1x128x128xf32, #tpu.memory_space<hbm>>
    %dma_start3A_22 = tpu.memref_squeeze %dma_start3A_21 : memref<1x1x128x128xf32, #tpu.memory_space<hbm>> -> memref<128x128xf32, #tpu.memory_space<hbm>>
    tpu.enqueue_dma source(%dma_start3A_22 : memref<128x128xf32, #tpu.memory_space<hbm>>) target(%arg11 : memref<128x128xf32, #tpu.memory_space<vmem>>) target_semaphore(%arg15 : memref<!tpu.dma_semaphore, #tpu.memory_space<semaphore_mem>>)
    %add3A_23 = arith.constant 1 : i32
    %add3A_24 = arith.addi %mul3A_0, %add3A_23 : i32
    %dma_start3A_25 = arith.constant 0 : i32
    %dma_start3A_26 = tpu.memref_slice %arg2[%arg1, %add3A_24, %dma_start3A_25] : memref<16x90x16384xf32, #tpu.memory_space<hbm>> -> memref<1x1x16384xf32, #tpu.memory_space<hbm>>
    %dma_start3A_27 = tpu.memref_squeeze %dma_start3A_26 : memref<1x1x16384xf32, #tpu.memory_space<hbm>> -> memref<16384xf32, #tpu.memory_space<hbm>>
    %dma_start3A_28 = arith.constant 0 : i32
    %dma_start3A_29 = tpu.memref_slice %arg2[%arg1, %add3A_24, %dma_start3A_28] : memref<16x90x16384xf32, #tpu.memory_space<hbm>> -> memref<1x1x16384xf32, #tpu.memory_space<hbm>>
    %dma_start3A_30 = tpu.memref_squeeze %dma_start3A_29 : memref<1x1x16384xf32, #tpu.memory_space<hbm>> -> memref<16384xf32, #tpu.memory_space<hbm>>
    tpu.enqueue_dma source(%dma_start3A_30 : memref<16384xf32, #tpu.memory_space<hbm>>) target(%arg9 : memref<16384xf32, #tpu.memory_space<vmem>>) target_semaphore(%arg16 : memref<!tpu.dma_semaphore, #tpu.memory_space<semaphore_mem>>)
    %add3A_31 = arith.constant 1 : i32
    %add3A_32 = arith.addi %mul3A_0, %add3A_31 : i32
    %dma_start3A_33 = arith.constant 0 : i32
    %dma_start3A_34 = arith.constant 0 : i32
    %dma_start3A_35 = tpu.memref_slice %arg3[%arg1, %add3A_32, %dma_start3A_33, %dma_start3A_34] : memref<16x90x128x128xf32, #tpu.memory_space<hbm>> -> memref<1x1x128x128xf32, #tpu.memory_space<hbm>>
    %dma_start3A_36 = tpu.memref_squeeze %dma_start3A_35 : memref<1x1x128x128xf32, #tpu.memory_space<hbm>> -> memref<128x128xf32, #tpu.memory_space<hbm>>
    %dma_start3A_37 = arith.constant 0 : i32
    %dma_start3A_38 = arith.constant 0 : i32
    %dma_start3A_39 = tpu.memref_slice %arg3[%arg1, %add3A_32, %dma_start3A_37, %dma_start3A_38] : memref<16x90x128x128xf32, #tpu.memory_space<hbm>> -> memref<1x1x128x128xf32, #tpu.memory_space<hbm>>
    %dma_start3A_40 = tpu.memref_squeeze %dma_start3A_39 : memref<1x1x128x128xf32, #tpu.memory_space<hbm>> -> memref<128x128xf32, #tpu.memory_space<hbm>>
    tpu.enqueue_dma source(%dma_start3A_40 : memref<128x128xf32, #tpu.memory_space<hbm>>) target(%arg12 : memref<128x128xf32, #tpu.memory_space<vmem>>) target_semaphore(%arg16 : memref<!tpu.dma_semaphore, #tpu.memory_space<semaphore_mem>>)
    %add3A_41 = arith.constant 2 : i32
    %add3A_42 = arith.addi %mul3A_0, %add3A_41 : i32
    %dma_start3A_43 = arith.constant 0 : i32
    %dma_start3A_44 = tpu.memref_slice %arg2[%arg1, %add3A_42, %dma_start3A_43] : memref<16x90x16384xf32, #tpu.memory_space<hbm>> -> memref<1x1x16384xf32, #tpu.memory_space<hbm>>
    %dma_start3A_45 = tpu.memref_squeeze %dma_start3A_44 : memref<1x1x16384xf32, #tpu.memory_space<hbm>> -> memref<16384xf32, #tpu.memory_space<hbm>>
    %dma_start3A_46 = arith.constant 0 : i32
    %dma_start3A_47 = tpu.memref_slice %arg2[%arg1, %add3A_42, %dma_start3A_46] : memref<16x90x16384xf32, #tpu.memory_space<hbm>> -> memref<1x1x16384xf32, #tpu.memory_space<hbm>>
    %dma_start3A_48 = tpu.memref_squeeze %dma_start3A_47 : memref<1x1x16384xf32, #tpu.memory_space<hbm>> -> memref<16384xf32, #tpu.memory_space<hbm>>
    tpu.enqueue_dma source(%dma_start3A_48 : memref<16384xf32, #tpu.memory_space<hbm>>) target(%arg10 : memref<16384xf32, #tpu.memory_space<vmem>>) target_semaphore(%arg17 : memref<!tpu.dma_semaphore, #tpu.memory_space<semaphore_mem>>)
    %add3A_49 = arith.constant 2 : i32
    %add3A_50 = arith.addi %mul3A_0, %add3A_49 : i32
    %dma_start3A_51 = arith.constant 0 : i32
    %dma_start3A_52 = arith.constant 0 : i32
    %dma_start3A_53 = tpu.memref_slice %arg3[%arg1, %add3A_50, %dma_start3A_51, %dma_start3A_52] : memref<16x90x128x128xf32, #tpu.memory_space<hbm>> -> memref<1x1x128x128xf32, #tpu.memory_space<hbm>>
    %dma_start3A_54 = tpu.memref_squeeze %dma_start3A_53 : memref<1x1x128x128xf32, #tpu.memory_space<hbm>> -> memref<128x128xf32, #tpu.memory_space<hbm>>
    %dma_start3A_55 = arith.constant 0 : i32
    %dma_start3A_56 = arith.constant 0 : i32
    %dma_start3A_57 = tpu.memref_slice %arg3[%arg1, %add3A_50, %dma_start3A_55, %dma_start3A_56] : memref<16x90x128x128xf32, #tpu.memory_space<hbm>> -> memref<1x1x128x128xf32, #tpu.memory_space<hbm>>
    %dma_start3A_58 = tpu.memref_squeeze %dma_start3A_57 : memref<1x1x128x128xf32, #tpu.memory_space<hbm>> -> memref<128x128xf32, #tpu.memory_space<hbm>>
    tpu.enqueue_dma source(%dma_start3A_58 : memref<128x128xf32, #tpu.memory_space<hbm>>) target(%arg13 : memref<128x128xf32, #tpu.memory_space<vmem>>) target_semaphore(%arg17 : memref<!tpu.dma_semaphore, #tpu.memory_space<semaphore_mem>>)
    %broadcast_in_dim3A = arith.constant 0.000000e+00 : f32
    %broadcast_in_dim3A_59 = vector.broadcast %broadcast_in_dim3A : f32 to vector<16xf32>
    %scan3A_60 = arith.constant 0 : i32
    %scan3A_61 = arith.constant 14 : i32
    %scan3A_62 = arith.addi %scan3A_60, %scan3A_61 : i32
    %scan3A_63 = arith.constant 1 : i32
    %scan3A_64:8 = scf.for %scan3A_138 = %scan3A_60 to %scan3A_62 step %scan3A_63 iter_args(%scan3A_139 = %broadcast_in_dim3A_59, %scan3A_140 = %broadcast_in_dim3A_59, %scan3A_141 = %broadcast_in_dim3A_59, %scan3A_142 = %broadcast_in_dim3A_59, %scan3A_143 = %broadcast_in_dim3A_59, %scan3A_144 = %broadcast_in_dim3A_59, %scan3A_145 = %broadcast_in_dim3A_59, %scan3A_146 = %broadcast_in_dim3A_59) -> (vector<16xf32>, vector<16xf32>, vector<16xf32>, vector<16xf32>, vector<16xf32>, vector<16xf32>, vector<16xf32>, vector<16xf32>)  : i32 {
      %dma_wait3A_147 = arith.constant 0 : i32
      %dma_wait3A_148 = tpu.memref_slice %arg2[%arg1, %mul3A_0, %dma_wait3A_147] : memref<16x90x16384xf32, #tpu.memory_space<hbm>> -> memref<1x1x16384xf32, #tpu.memory_space<hbm>>
      %dma_wait3A_149 = tpu.memref_squeeze %dma_wait3A_148 : memref<1x1x16384xf32, #tpu.memory_space<hbm>> -> memref<16384xf32, #tpu.memory_space<hbm>>
      %dma_wait3A_150 = arith.constant 0 : i32
      %dma_wait3A_151 = tpu.memref_slice %arg2[%arg1, %mul3A_0, %dma_wait3A_150] : memref<16x90x16384xf32, #tpu.memory_space<hbm>> -> memref<1x1x16384xf32, #tpu.memory_space<hbm>>
      %dma_wait3A_152 = tpu.memref_squeeze %dma_wait3A_151 : memref<1x1x16384xf32, #tpu.memory_space<hbm>> -> memref<16384xf32, #tpu.memory_space<hbm>>
      tpu.wait_dma2 semaphore(%arg15 : memref<!tpu.dma_semaphore, #tpu.memory_space<semaphore_mem>>) src(%dma_wait3A_152 : memref<16384xf32, #tpu.memory_space<hbm>>) dst(%arg8 : memref<16384xf32, #tpu.memory_space<vmem>>)
      %dma_wait3A_153 = arith.constant 0 : i32
      %dma_wait3A_154 = arith.constant 0 : i32
      %dma_wait3A_155 = tpu.memref_slice %arg3[%arg1, %mul3A_0, %dma_wait3A_153, %dma_wait3A_154] : memref<16x90x128x128xf32, #tpu.memory_space<hbm>> -> memref<1x1x128x128xf32, #tpu.memory_space<hbm>>
      %dma_wait3A_156 = tpu.memref_squeeze %dma_wait3A_155 : memref<1x1x128x128xf32, #tpu.memory_space<hbm>> -> memref<128x128xf32, #tpu.memory_space<hbm>>
      %dma_wait3A_157 = arith.constant 0 : i32
      %dma_wait3A_158 = arith.constant 0 : i32
      %dma_wait3A_159 = tpu.memref_slice %arg3[%arg1, %mul3A_0, %dma_wait3A_157, %dma_wait3A_158] : memref<16x90x128x128xf32, #tpu.memory_space<hbm>> -> memref<1x1x128x128xf32, #tpu.memory_space<hbm>>
      %dma_wait3A_160 = tpu.memref_squeeze %dma_wait3A_159 : memref<1x1x128x128xf32, #tpu.memory_space<hbm>> -> memref<128x128xf32, #tpu.memory_space<hbm>>
      tpu.wait_dma2 semaphore(%arg15 : memref<!tpu.dma_semaphore, #tpu.memory_space<semaphore_mem>>) src(%dma_wait3A_160 : memref<128x128xf32, #tpu.memory_space<hbm>>) dst(%arg11 : memref<128x128xf32, #tpu.memory_space<vmem>>)
      %scan3A_161 = arith.constant 0 : i32
      %scan3A_162 = arith.constant 128 : i32
      %scan3A_163 = arith.addi %scan3A_161, %scan3A_162 : i32
      %scan3A_164 = arith.constant 1 : i32
      %scan3A_165:8 = scf.for %scan3A_273 = %scan3A_161 to %scan3A_163 step %scan3A_164 iter_args(%scan3A_274 = %scan3A_139, %scan3A_275 = %scan3A_140, %scan3A_276 = %scan3A_141, %scan3A_277 = %scan3A_142, %scan3A_278 = %scan3A_143, %scan3A_279 = %scan3A_144, %scan3A_280 = %scan3A_145, %scan3A_281 = %scan3A_146) -> (vector<16xf32>, vector<16xf32>, vector<16xf32>, vector<16xf32>, vector<16xf32>, vector<16xf32>, vector<16xf32>, vector<16xf32>)  : i32 {
        %mul3A_282 = arith.constant 128 : i32
        %mul3A_283 = arith.muli %scan3A_273, %mul3A_282 : i32
        %add3A_284 = arith.constant 0 : i32
        %add3A_285 = arith.addi %mul3A_283, %add3A_284 : i32
        %get3A = arith.index_cast %add3A_285 : i32 to index
        %get3A_286 = tpu.vector_load %arg8[%get3A] {strides = array<i32>} : memref<16384xf32, #tpu.memory_space<vmem>>, vector<16xf32>,
        %get3A_287 = vector.shape_cast %get3A_286 : vector<16xf32> to vector<16xf32>
        %get3A_288 = arith.index_cast %scan3A_273 : i32 to index
        %get3A_289 = arith.constant 0 : index
        %get3A_290 = tpu.vector_load %arg11[%get3A_288, %get3A_289] {strides = array<i32>} : memref<128x128xf32, #tpu.memory_space<vmem>>, vector<1x16xf32>,
        %get3A_291 = vector.shape_cast %get3A_290 : vector<1x16xf32> to vector<16xf32>
        %get3A_292 = arith.index_cast %scan3A_273 : i32 to index
        %get3A_293 = arith.constant 0 : index
        %get3A_294 = tpu.vector_load %arg7[%get3A_292, %get3A_293] {strides = array<i32>} : memref<128x128xf32, #tpu.memory_space<vmem>>, vector<1x16xf32>,
        %get3A_295 = vector.shape_cast %get3A_294 : vector<1x16xf32> to vector<16xf32>
        %eq3A = arith.cmpf oeq, %get3A_287, %get3A_287 : vector<16xf32>
        %select_n3A = arith.select %eq3A, %get3A_287, %get3A_291 : vector<16xi1>, vector<16xf32>
        %sub3A = arith.subf %select_n3A, %get3A_291 : vector<16xf32>
        %mul3A_296 = arith.mulf %sub3A, %get3A_295 : vector<16xf32>
        %mul3A_297 = arith.mulf %mul3A_296, %sub3A : vector<16xf32>
        %add3A_298 = arith.addf %scan3A_274, %mul3A_297 : vector<16xf32>
        %jit3A = arith.constant 0.000000e+00 : f32
        %broadcast_in_dim3A_299 = vector.broadcast %jit3A : f32 to vector<16xf32>
        %select_n3A_300 = arith.select %eq3A, %get3A_295, %broadcast_in_dim3A_299 : vector<16xi1>, vector<16xf32>
        %add3A_301 = arith.addf %scan3A_278, %select_n3A_300 : vector<16xf32>
        %mul3A_302 = arith.constant 128 : i32
        %mul3A_303 = arith.muli %scan3A_273, %mul3A_302 : i32
        %add3A_304 = arith.constant 16 : i32
        %add3A_305 = arith.addi %mul3A_303, %add3A_304 : i32
        %get3A_306 = arith.index_cast %add3A_305 : i32 to index
        %get3A_307 = tpu.vector_load %arg8[%get3A_306] {strides = array<i32>} : memref<16384xf32, #tpu.memory_space<vmem>>, vector<16xf32>,
        %get3A_308 = vector.shape_cast %get3A_307 : vector<16xf32> to vector<16xf32>
        %get3A_309 = arith.index_cast %scan3A_273 : i32 to index
        %get3A_310 = arith.constant 16 : index
        %get3A_311 = tpu.vector_load %arg11[%get3A_309, %get3A_310] {strides = array<i32>} : memref<128x128xf32, #tpu.memory_space<vmem>>, vector<1x16xf32>,
        %get3A_312 = vector.shape_cast %get3A_311 : vector<1x16xf32> to vector<16xf32>
        %get3A_313 = arith.index_cast %scan3A_273 : i32 to index
        %get3A_314 = arith.constant 16 : index
        %get3A_315 = tpu.vector_load %arg7[%get3A_313, %get3A_314] {strides = array<i32>} : memref<128x128xf32, #tpu.memory_space<vmem>>, vector<1x16xf32>,
        %get3A_316 = vector.shape_cast %get3A_315 : vector<1x16xf32> to vector<16xf32>
        %eq3A_317 = arith.cmpf oeq, %get3A_308, %get3A_308 : vector<16xf32>
        %select_n3A_318 = arith.select %eq3A_317, %get3A_308, %get3A_312 : vector<16xi1>, vector<16xf32>
        %sub3A_319 = arith.subf %select_n3A_318, %get3A_312 : vector<16xf32>
        %mul3A_320 = arith.mulf %sub3A_319, %get3A_316 : vector<16xf32>
        %mul3A_321 = arith.mulf %mul3A_320, %sub3A_319 : vector<16xf32>
        %add3A_322 = arith.addf %scan3A_275, %mul3A_321 : vector<16xf32>
        %jit3A_323 = arith.constant 0.000000e+00 : f32
        %broadcast_in_dim3A_324 = vector.broadcast %jit3A_323 : f32 to vector<16xf32>
        %select_n3A_325 = arith.select %eq3A_317, %get3A_316, %broadcast_in_dim3A_324 : vector<16xi1>, vector<16xf32>
        %add3A_326 = arith.addf %scan3A_279, %select_n3A_325 : vector<16xf32>
        %mul3A_327 = arith.constant 128 : i32
        %mul3A_328 = arith.muli %scan3A_273, %mul3A_327 : i32
        %add3A_329 = arith.constant 32 : i32
        %add3A_330 = arith.addi %mul3A_328, %add3A_329 : i32
        %get3A_331 = arith.index_cast %add3A_330 : i32 to index
        %get3A_332 = tpu.vector_load %arg8[%get3A_331] {strides = array<i32>} : memref<16384xf32, #tpu.memory_space<vmem>>, vector<16xf32>,
        %get3A_333 = vector.shape_cast %get3A_332 : vector<16xf32> to vector<16xf32>
        %get3A_334 = arith.index_cast %scan3A_273 : i32 to index
        %get3A_335 = arith.constant 32 : index
        %get3A_336 = tpu.vector_load %arg11[%get3A_334, %get3A_335] {strides = array<i32>} : memref<128x128xf32, #tpu.memory_space<vmem>>, vector<1x16xf32>,
        %get3A_337 = vector.shape_cast %get3A_336 : vector<1x16xf32> to vector<16xf32>
        %get3A_338 = arith.index_cast %scan3A_273 : i32 to index
        %get3A_339 = arith.constant 32 : index
        %get3A_340 = tpu.vector_load %arg7[%get3A_338, %get3A_339] {strides = array<i32>} : memref<128x128xf32, #tpu.memory_space<vmem>>, vector<1x16xf32>,
        %get3A_341 = vector.shape_cast %get3A_340 : vector<1x16xf32> to vector<16xf32>
        %eq3A_342 = arith.cmpf oeq, %get3A_333, %get3A_333 : vector<16xf32>
        %select_n3A_343 = arith.select %eq3A_342, %get3A_333, %get3A_337 : vector<16xi1>, vector<16xf32>
        %sub3A_344 = arith.subf %select_n3A_343, %get3A_337 : vector<16xf32>
        %mul3A_345 = arith.mulf %sub3A_344, %get3A_341 : vector<16xf32>
        %mul3A_346 = arith.mulf %mul3A_345, %sub3A_344 : vector<16xf32>
        %add3A_347 = arith.addf %scan3A_276, %mul3A_346 : vector<16xf32>
        %jit3A_348 = arith.constant 0.000000e+00 : f32
        %broadcast_in_dim3A_349 = vector.broadcast %jit3A_348 : f32 to vector<16xf32>
        %select_n3A_350 = arith.select %eq3A_342, %get3A_341, %broadcast_in_dim3A_349 : vector<16xi1>, vector<16xf32>
        %add3A_351 = arith.addf %scan3A_280, %select_n3A_350 : vector<16xf32>
        %mul3A_352 = arith.constant 128 : i32
        %mul3A_353 = arith.muli %scan3A_273, %mul3A_352 : i32
        %add3A_354 = arith.constant 48 : i32
        %add3A_355 = arith.addi %mul3A_353, %add3A_354 : i32
        %get3A_356 = arith.index_cast %add3A_355 : i32 to index
        %get3A_357 = tpu.vector_load %arg8[%get3A_356] {strides = array<i32>} : memref<16384xf32, #tpu.memory_space<vmem>>, vector<16xf32>,
        %get3A_358 = vector.shape_cast %get3A_357 : vector<16xf32> to vector<16xf32>
        %get3A_359 = arith.index_cast %scan3A_273 : i32 to index
        %get3A_360 = arith.constant 48 : index
        %get3A_361 = tpu.vector_load %arg11[%get3A_359, %get3A_360] {strides = array<i32>} : memref<128x128xf32, #tpu.memory_space<vmem>>, vector<1x16xf32>,
        %get3A_362 = vector.shape_cast %get3A_361 : vector<1x16xf32> to vector<16xf32>
        %get3A_363 = arith.index_cast %scan3A_273 : i32 to index
        %get3A_364 = arith.constant 48 : index
        %get3A_365 = tpu.vector_load %arg7[%get3A_363, %get3A_364] {strides = array<i32>} : memref<128x128xf32, #tpu.memory_space<vmem>>, vector<1x16xf32>,
        %get3A_366 = vector.shape_cast %get3A_365 : vector<1x16xf32> to vector<16xf32>
        %eq3A_367 = arith.cmpf oeq, %get3A_358, %get3A_358 : vector<16xf32>
        %select_n3A_368 = arith.select %eq3A_367, %get3A_358, %get3A_362 : vector<16xi1>, vector<16xf32>
        %sub3A_369 = arith.subf %select_n3A_368, %get3A_362 : vector<16xf32>
        %mul3A_370 = arith.mulf %sub3A_369, %get3A_366 : vector<16xf32>
        %mul3A_371 = arith.mulf %mul3A_370, %sub3A_369 : vector<16xf32>
        %add3A_372 = arith.addf %scan3A_277, %mul3A_371 : vector<16xf32>
        %jit3A_373 = arith.constant 0.000000e+00 : f32
        %broadcast_in_dim3A_374 = vector.broadcast %jit3A_373 : f32 to vector<16xf32>
        %select_n3A_375 = arith.select %eq3A_367, %get3A_366, %broadcast_in_dim3A_374 : vector<16xi1>, vector<16xf32>
        %add3A_376 = arith.addf %scan3A_281, %select_n3A_375 : vector<16xf32>
        %mul3A_377 = arith.constant 128 : i32
        %mul3A_378 = arith.muli %scan3A_273, %mul3A_377 : i32
        %add3A_379 = arith.constant 64 : i32
        %add3A_380 = arith.addi %mul3A_378, %add3A_379 : i32
        %get3A_381 = arith.index_cast %add3A_380 : i32 to index
        %get3A_382 = tpu.vector_load %arg8[%get3A_381] {strides = array<i32>} : memref<16384xf32, #tpu.memory_space<vmem>>, vector<16xf32>,
        %get3A_383 = vector.shape_cast %get3A_382 : vector<16xf32> to vector<16xf32>
        %get3A_384 = arith.index_cast %scan3A_273 : i32 to index
        %get3A_385 = arith.constant 64 : index
        %get3A_386 = tpu.vector_load %arg11[%get3A_384, %get3A_385] {strides = array<i32>} : memref<128x128xf32, #tpu.memory_space<vmem>>, vector<1x16xf32>,
        %get3A_387 = vector.shape_cast %get3A_386 : vector<1x16xf32> to vector<16xf32>
        %get3A_388 = arith.index_cast %scan3A_273 : i32 to index
        %get3A_389 = arith.constant 64 : index
        %get3A_390 = tpu.vector_load %arg7[%get3A_388, %get3A_389] {strides = array<i32>} : memref<128x128xf32, #tpu.memory_space<vmem>>, vector<1x16xf32>,
        %get3A_391 = vector.shape_cast %get3A_390 : vector<1x16xf32> to vector<16xf32>
        %eq3A_392 = arith.cmpf oeq, %get3A_383, %get3A_383 : vector<16xf32>
        %select_n3A_393 = arith.select %eq3A_392, %get3A_383, %get3A_387 : vector<16xi1>, vector<16xf32>
        %sub3A_394 = arith.subf %select_n3A_393, %get3A_387 : vector<16xf32>
        %mul3A_395 = arith.mulf %sub3A_394, %get3A_391 : vector<16xf32>
        %mul3A_396 = arith.mulf %mul3A_395, %sub3A_394 : vector<16xf32>
        %add3A_397 = arith.addf %add3A_298, %mul3A_396 : vector<16xf32>
        %jit3A_398 = arith.constant 0.000000e+00 : f32
        %broadcast_in_dim3A_399 = vector.broadcast %jit3A_398 : f32 to vector<16xf32>
        %select_n3A_400 = arith.select %eq3A_392, %get3A_391, %broadcast_in_dim3A_399 : vector<16xi1>, vector<16xf32>
        %add3A_401 = arith.addf %add3A_301, %select_n3A_400 : vector<16xf32>
        %mul3A_402 = arith.constant 128 : i32
        %mul3A_403 = arith.muli %scan3A_273, %mul3A_402 : i32
        %add3A_404 = arith.constant 80 : i32
        %add3A_405 = arith.addi %mul3A_403, %add3A_404 : i32
        %get3A_406 = arith.index_cast %add3A_405 : i32 to index
        %get3A_407 = tpu.vector_load %arg8[%get3A_406] {strides = array<i32>} : memref<16384xf32, #tpu.memory_space<vmem>>, vector<16xf32>,
        %get3A_408 = vector.shape_cast %get3A_407 : vector<16xf32> to vector<16xf32>
        %get3A_409 = arith.index_cast %scan3A_273 : i32 to index
        %get3A_410 = arith.constant 80 : index
        %get3A_411 = tpu.vector_load %arg11[%get3A_409, %get3A_410] {strides = array<i32>} : memref<128x128xf32, #tpu.memory_space<vmem>>, vector<1x16xf32>,
        %get3A_412 = vector.shape_cast %get3A_411 : vector<1x16xf32> to vector<16xf32>
        %get3A_413 = arith.index_cast %scan3A_273 : i32 to index
        %get3A_414 = arith.constant 80 : index
        %get3A_415 = tpu.vector_load %arg7[%get3A_413, %get3A_414] {strides = array<i32>} : memref<128x128xf32, #tpu.memory_space<vmem>>, vector<1x16xf32>,
        %get3A_416 = vector.shape_cast %get3A_415 : vector<1x16xf32> to vector<16xf32>
        %eq3A_417 = arith.cmpf oeq, %get3A_408, %get3A_408 : vector<16xf32>
        %select_n3A_418 = arith.select %eq3A_417, %get3A_408, %get3A_412 : vector<16xi1>, vector<16xf32>
        %sub3A_419 = arith.subf %select_n3A_418, %get3A_412 : vector<16xf32>
        %mul3A_420 = arith.mulf %sub3A_419, %get3A_416 : vector<16xf32>
        %mul3A_421 = arith.mulf %mul3A_420, %sub3A_419 : vector<16xf32>
        %add3A_422 = arith.addf %add3A_322, %mul3A_421 : vector<16xf32>
        %jit3A_423 = arith.constant 0.000000e+00 : f32
        %broadcast_in_dim3A_424 = vector.broadcast %jit3A_423 : f32 to vector<16xf32>
        %select_n3A_425 = arith.select %eq3A_417, %get3A_416, %broadcast_in_dim3A_424 : vector<16xi1>, vector<16xf32>
        %add3A_426 = arith.addf %add3A_326, %select_n3A_425 : vector<16xf32>
        %mul3A_427 = arith.constant 128 : i32
        %mul3A_428 = arith.muli %scan3A_273, %mul3A_427 : i32
        %add3A_429 = arith.constant 96 : i32
        %add3A_430 = arith.addi %mul3A_428, %add3A_429 : i32
        %get3A_431 = arith.index_cast %add3A_430 : i32 to index
        %get3A_432 = tpu.vector_load %arg8[%get3A_431] {strides = array<i32>} : memref<16384xf32, #tpu.memory_space<vmem>>, vector<16xf32>,
        %get3A_433 = vector.shape_cast %get3A_432 : vector<16xf32> to vector<16xf32>
        %get3A_434 = arith.index_cast %scan3A_273 : i32 to index
        %get3A_435 = arith.constant 96 : index
        %get3A_436 = tpu.vector_load %arg11[%get3A_434, %get3A_435] {strides = array<i32>} : memref<128x128xf32, #tpu.memory_space<vmem>>, vector<1x16xf32>,
        %get3A_437 = vector.shape_cast %get3A_436 : vector<1x16xf32> to vector<16xf32>
        %get3A_438 = arith.index_cast %scan3A_273 : i32 to index
        %get3A_439 = arith.constant 96 : index
        %get3A_440 = tpu.vector_load %arg7[%get3A_438, %get3A_439] {strides = array<i32>} : memref<128x128xf32, #tpu.memory_space<vmem>>, vector<1x16xf32>,
        %get3A_441 = vector.shape_cast %get3A_440 : vector<1x16xf32> to vector<16xf32>
        %eq3A_442 = arith.cmpf oeq, %get3A_433, %get3A_433 : vector<16xf32>
        %select_n3A_443 = arith.select %eq3A_442, %get3A_433, %get3A_437 : vector<16xi1>, vector<16xf32>
        %sub3A_444 = arith.subf %select_n3A_443, %get3A_437 : vector<16xf32>
        %mul3A_445 = arith.mulf %sub3A_444, %get3A_441 : vector<16xf32>
        %mul3A_446 = arith.mulf %mul3A_445, %sub3A_444 : vector<16xf32>
        %add3A_447 = arith.addf %add3A_347, %mul3A_446 : vector<16xf32>
        %jit3A_448 = arith.constant 0.000000e+00 : f32
        %broadcast_in_dim3A_449 = vector.broadcast %jit3A_448 : f32 to vector<16xf32>
        %select_n3A_450 = arith.select %eq3A_442, %get3A_441, %broadcast_in_dim3A_449 : vector<16xi1>, vector<16xf32>
        %add3A_451 = arith.addf %add3A_351, %select_n3A_450 : vector<16xf32>
        %mul3A_452 = arith.constant 128 : i32
        %mul3A_453 = arith.muli %scan3A_273, %mul3A_452 : i32
        %add3A_454 = arith.constant 112 : i32
        %add3A_455 = arith.addi %mul3A_453, %add3A_454 : i32
        %get3A_456 = arith.index_cast %add3A_455 : i32 to index
        %get3A_457 = tpu.vector_load %arg8[%get3A_456] {strides = array<i32>} : memref<16384xf32, #tpu.memory_space<vmem>>, vector<16xf32>,
        %get3A_458 = vector.shape_cast %get3A_457 : vector<16xf32> to vector<16xf32>
        %get3A_459 = arith.index_cast %scan3A_273 : i32 to index
        %get3A_460 = arith.constant 112 : index
        %get3A_461 = tpu.vector_load %arg11[%get3A_459, %get3A_460] {strides = array<i32>} : memref<128x128xf32, #tpu.memory_space<vmem>>, vector<1x16xf32>,
        %get3A_462 = vector.shape_cast %get3A_461 : vector<1x16xf32> to vector<16xf32>
        %get3A_463 = arith.index_cast %scan3A_273 : i32 to index
        %get3A_464 = arith.constant 112 : index
        %get3A_465 = tpu.vector_load %arg7[%get3A_463, %get3A_464] {strides = array<i32>} : memref<128x128xf32, #tpu.memory_space<vmem>>, vector<1x16xf32>,
        %get3A_466 = vector.shape_cast %get3A_465 : vector<1x16xf32> to vector<16xf32>
        %eq3A_467 = arith.cmpf oeq, %get3A_458, %get3A_458 : vector<16xf32>
        %select_n3A_468 = arith.select %eq3A_467, %get3A_458, %get3A_462 : vector<16xi1>, vector<16xf32>
        %sub3A_469 = arith.subf %select_n3A_468, %get3A_462 : vector<16xf32>
        %mul3A_470 = arith.mulf %sub3A_469, %get3A_466 : vector<16xf32>
        %mul3A_471 = arith.mulf %mul3A_470, %sub3A_469 : vector<16xf32>
        %add3A_472 = arith.addf %add3A_372, %mul3A_471 : vector<16xf32>
        %jit3A_473 = arith.constant 0.000000e+00 : f32
        %broadcast_in_dim3A_474 = vector.broadcast %jit3A_473 : f32 to vector<16xf32>
        %select_n3A_475 = arith.select %eq3A_467, %get3A_466, %broadcast_in_dim3A_474 : vector<16xi1>, vector<16xf32>
        %add3A_476 = arith.addf %add3A_376, %select_n3A_475 : vector<16xf32>
        scf.yield %add3A_397, %add3A_422, %add3A_447, %add3A_472, %add3A_401, %add3A_426, %add3A_451, %add3A_476 : vector<16xf32>, vector<16xf32>, vector<16xf32>, vector<16xf32>, vector<16xf32>, vector<16xf32>, vector<16xf32>, vector<16xf32>
      }
      %scan3A_166 = arith.constant 128 : i32
      %mul3A_167 = arith.constant 3 : i32
      %mul3A_168 = arith.muli %mul3A_167, %scan3A_138 : i32
      %add3A_169 = arith.constant 0 : i32
      %add3A_170 = arith.addi %mul3A_168, %add3A_169 : i32
      %add3A_171 = arith.constant 3 : i32
      %add3A_172 = arith.addi %add3A_170, %add3A_171 : i32
      %add3A_173 = arith.addi %mul3A_0, %add3A_172 : i32
      %dma_start3A_174 = arith.constant 0 : i32
      %dma_start3A_175 = tpu.memref_slice %arg2[%arg1, %add3A_173, %dma_start3A_174] : memref<16x90x16384xf32, #tpu.memory_space<hbm>> -> memref<1x1x16384xf32, #tpu.memory_space<hbm>>
      %dma_start3A_176 = tpu.memref_squeeze %dma_start3A_175 : memref<1x1x16384xf32, #tpu.memory_space<hbm>> -> memref<16384xf32, #tpu.memory_space<hbm>>
      %dma_start3A_177 = arith.constant 0 : i32
      %dma_start3A_178 = tpu.memref_slice %arg2[%arg1, %add3A_173, %dma_start3A_177] : memref<16x90x16384xf32, #tpu.memory_space<hbm>> -> memref<1x1x16384xf32, #tpu.memory_space<hbm>>
      %dma_start3A_179 = tpu.memref_squeeze %dma_start3A_178 : memref<1x1x16384xf32, #tpu.memory_space<hbm>> -> memref<16384xf32, #tpu.memory_space<hbm>>
      tpu.enqueue_dma source(%dma_start3A_179 : memref<16384xf32, #tpu.memory_space<hbm>>) target(%arg8 : memref<16384xf32, #tpu.memory_space<vmem>>) target_semaphore(%arg15 : memref<!tpu.dma_semaphore, #tpu.memory_space<semaphore_mem>>)
      %add3A_180 = arith.addi %mul3A_0, %add3A_172 : i32
      %dma_start3A_181 = arith.constant 0 : i32
      %dma_start3A_182 = arith.constant 0 : i32
      %dma_start3A_183 = tpu.memref_slice %arg3[%arg1, %add3A_180, %dma_start3A_181, %dma_start3A_182] : memref<16x90x128x128xf32, #tpu.memory_space<hbm>> -> memref<1x1x128x128xf32, #tpu.memory_space<hbm>>
      %dma_start3A_184 = tpu.memref_squeeze %dma_start3A_183 : memref<1x1x128x128xf32, #tpu.memory_space<hbm>> -> memref<128x128xf32, #tpu.memory_space<hbm>>
      %dma_start3A_185 = arith.constant 0 : i32
      %dma_start3A_186 = arith.constant 0 : i32
      %dma_start3A_187 = tpu.memref_slice %arg3[%arg1, %add3A_180, %dma_start3A_185, %dma_start3A_186] : memref<16x90x128x128xf32, #tpu.memory_space<hbm>> -> memref<1x1x128x128xf32, #tpu.memory_space<hbm>>
      %dma_start3A_188 = tpu.memref_squeeze %dma_start3A_187 : memref<1x1x128x128xf32, #tpu.memory_space<hbm>> -> memref<128x128xf32, #tpu.memory_space<hbm>>
      tpu.enqueue_dma source(%dma_start3A_188 : memref<128x128xf32, #tpu.memory_space<hbm>>) target(%arg11 : memref<128x128xf32, #tpu.memory_space<vmem>>) target_semaphore(%arg15 : memref<!tpu.dma_semaphore, #tpu.memory_space<semaphore_mem>>)
      %dma_wait3A_189 = arith.constant 0 : i32
      %dma_wait3A_190 = tpu.memref_slice %arg2[%arg1, %mul3A_0, %dma_wait3A_189] : memref<16x90x16384xf32, #tpu.memory_space<hbm>> -> memref<1x1x16384xf32, #tpu.memory_space<hbm>>
      %dma_wait3A_191 = tpu.memref_squeeze %dma_wait3A_190 : memref<1x1x16384xf32, #tpu.memory_space<hbm>> -> memref<16384xf32, #tpu.memory_space<hbm>>
      %dma_wait3A_192 = arith.constant 0 : i32
      %dma_wait3A_193 = tpu.memref_slice %arg2[%arg1, %mul3A_0, %dma_wait3A_192] : memref<16x90x16384xf32, #tpu.memory_space<hbm>> -> memref<1x1x16384xf32, #tpu.memory_space<hbm>>
      %dma_wait3A_194 = tpu.memref_squeeze %dma_wait3A_193 : memref<1x1x16384xf32, #tpu.memory_space<hbm>> -> memref<16384xf32, #tpu.memory_space<hbm>>
      tpu.wait_dma2 semaphore(%arg16 : memref<!tpu.dma_semaphore, #tpu.memory_space<semaphore_mem>>) src(%dma_wait3A_194 : memref<16384xf32, #tpu.memory_space<hbm>>) dst(%arg9 : memref<16384xf32, #tpu.memory_space<vmem>>)
      %dma_wait3A_195 = arith.constant 0 : i32
      %dma_wait3A_196 = arith.constant 0 : i32
      %dma_wait3A_197 = tpu.memref_slice %arg3[%arg1, %mul3A_0, %dma_wait3A_195, %dma_wait3A_196] : memref<16x90x128x128xf32, #tpu.memory_space<hbm>> -> memref<1x1x128x128xf32, #tpu.memory_space<hbm>>
      %dma_wait3A_198 = tpu.memref_squeeze %dma_wait3A_197 : memref<1x1x128x128xf32, #tpu.memory_space<hbm>> -> memref<128x128xf32, #tpu.memory_space<hbm>>
      %dma_wait3A_199 = arith.constant 0 : i32
      %dma_wait3A_200 = arith.constant 0 : i32
      %dma_wait3A_201 = tpu.memref_slice %arg3[%arg1, %mul3A_0, %dma_wait3A_199, %dma_wait3A_200] : memref<16x90x128x128xf32, #tpu.memory_space<hbm>> -> memref<1x1x128x128xf32, #tpu.memory_space<hbm>>
      %dma_wait3A_202 = tpu.memref_squeeze %dma_wait3A_201 : memref<1x1x128x128xf32, #tpu.memory_space<hbm>> -> memref<128x128xf32, #tpu.memory_space<hbm>>
      tpu.wait_dma2 semaphore(%arg16 : memref<!tpu.dma_semaphore, #tpu.memory_space<semaphore_mem>>) src(%dma_wait3A_202 : memref<128x128xf32, #tpu.memory_space<hbm>>) dst(%arg12 : memref<128x128xf32, #tpu.memory_space<vmem>>)
      %scan3A_203 = arith.constant 0 : i32
      %scan3A_204 = arith.constant 128 : i32
      %scan3A_205 = arith.addi %scan3A_203, %scan3A_204 : i32
      %scan3A_206 = arith.constant 1 : i32
      %scan3A_207:8 = scf.for %scan3A_273 = %scan3A_203 to %scan3A_205 step %scan3A_206 iter_args(%scan3A_274 = %scan3A_165#0, %scan3A_275 = %scan3A_165#1, %scan3A_276 = %scan3A_165#2, %scan3A_277 = %scan3A_165#3, %scan3A_278 = %scan3A_165#4, %scan3A_279 = %scan3A_165#5, %scan3A_280 = %scan3A_165#6, %scan3A_281 = %scan3A_165#7) -> (vector<16xf32>, vector<16xf32>, vector<16xf32>, vector<16xf32>, vector<16xf32>, vector<16xf32>, vector<16xf32>, vector<16xf32>)  : i32 {
        %mul3A_282 = arith.constant 128 : i32
        %mul3A_283 = arith.muli %scan3A_273, %mul3A_282 : i32
        %add3A_284 = arith.constant 0 : i32
        %add3A_285 = arith.addi %mul3A_283, %add3A_284 : i32
        %get3A = arith.index_cast %add3A_285 : i32 to index
        %get3A_286 = tpu.vector_load %arg9[%get3A] {strides = array<i32>} : memref<16384xf32, #tpu.memory_space<vmem>>, vector<16xf32>,
        %get3A_287 = vector.shape_cast %get3A_286 : vector<16xf32> to vector<16xf32>
        %get3A_288 = arith.index_cast %scan3A_273 : i32 to index
        %get3A_289 = arith.constant 0 : index
        %get3A_290 = tpu.vector_load %arg12[%get3A_288, %get3A_289] {strides = array<i32>} : memref<128x128xf32, #tpu.memory_space<vmem>>, vector<1x16xf32>,
        %get3A_291 = vector.shape_cast %get3A_290 : vector<1x16xf32> to vector<16xf32>
        %get3A_292 = arith.index_cast %scan3A_273 : i32 to index
        %get3A_293 = arith.constant 0 : index
        %get3A_294 = tpu.vector_load %arg7[%get3A_292, %get3A_293] {strides = array<i32>} : memref<128x128xf32, #tpu.memory_space<vmem>>, vector<1x16xf32>,
        %get3A_295 = vector.shape_cast %get3A_294 : vector<1x16xf32> to vector<16xf32>
        %eq3A = arith.cmpf oeq, %get3A_287, %get3A_287 : vector<16xf32>
        %select_n3A = arith.select %eq3A, %get3A_287, %get3A_291 : vector<16xi1>, vector<16xf32>
        %sub3A = arith.subf %select_n3A, %get3A_291 : vector<16xf32>
        %mul3A_296 = arith.mulf %sub3A, %get3A_295 : vector<16xf32>
        %mul3A_297 = arith.mulf %mul3A_296, %sub3A : vector<16xf32>
        %add3A_298 = arith.addf %scan3A_274, %mul3A_297 : vector<16xf32>
        %jit3A = arith.constant 0.000000e+00 : f32
        %broadcast_in_dim3A_299 = vector.broadcast %jit3A : f32 to vector<16xf32>
        %select_n3A_300 = arith.select %eq3A, %get3A_295, %broadcast_in_dim3A_299 : vector<16xi1>, vector<16xf32>
        %add3A_301 = arith.addf %scan3A_278, %select_n3A_300 : vector<16xf32>
        %mul3A_302 = arith.constant 128 : i32
        %mul3A_303 = arith.muli %scan3A_273, %mul3A_302 : i32
        %add3A_304 = arith.constant 16 : i32
        %add3A_305 = arith.addi %mul3A_303, %add3A_304 : i32
        %get3A_306 = arith.index_cast %add3A_305 : i32 to index
        %get3A_307 = tpu.vector_load %arg9[%get3A_306] {strides = array<i32>} : memref<16384xf32, #tpu.memory_space<vmem>>, vector<16xf32>,
        %get3A_308 = vector.shape_cast %get3A_307 : vector<16xf32> to vector<16xf32>
        %get3A_309 = arith.index_cast %scan3A_273 : i32 to index
        %get3A_310 = arith.constant 16 : index
        %get3A_311 = tpu.vector_load %arg12[%get3A_309, %get3A_310] {strides = array<i32>} : memref<128x128xf32, #tpu.memory_space<vmem>>, vector<1x16xf32>,
        %get3A_312 = vector.shape_cast %get3A_311 : vector<1x16xf32> to vector<16xf32>
        %get3A_313 = arith.index_cast %scan3A_273 : i32 to index
        %get3A_314 = arith.constant 16 : index
        %get3A_315 = tpu.vector_load %arg7[%get3A_313, %get3A_314] {strides = array<i32>} : memref<128x128xf32, #tpu.memory_space<vmem>>, vector<1x16xf32>,
        %get3A_316 = vector.shape_cast %get3A_315 : vector<1x16xf32> to vector<16xf32>
        %eq3A_317 = arith.cmpf oeq, %get3A_308, %get3A_308 : vector<16xf32>
        %select_n3A_318 = arith.select %eq3A_317, %get3A_308, %get3A_312 : vector<16xi1>, vector<16xf32>
        %sub3A_319 = arith.subf %select_n3A_318, %get3A_312 : vector<16xf32>
        %mul3A_320 = arith.mulf %sub3A_319, %get3A_316 : vector<16xf32>
        %mul3A_321 = arith.mulf %mul3A_320, %sub3A_319 : vector<16xf32>
        %add3A_322 = arith.addf %scan3A_275, %mul3A_321 : vector<16xf32>
        %jit3A_323 = arith.constant 0.000000e+00 : f32
        %broadcast_in_dim3A_324 = vector.broadcast %jit3A_323 : f32 to vector<16xf32>
        %select_n3A_325 = arith.select %eq3A_317, %get3A_316, %broadcast_in_dim3A_324 : vector<16xi1>, vector<16xf32>
        %add3A_326 = arith.addf %scan3A_279, %select_n3A_325 : vector<16xf32>
        %mul3A_327 = arith.constant 128 : i32
        %mul3A_328 = arith.muli %scan3A_273, %mul3A_327 : i32
        %add3A_329 = arith.constant 32 : i32
        %add3A_330 = arith.addi %mul3A_328, %add3A_329 : i32
        %get3A_331 = arith.index_cast %add3A_330 : i32 to index
        %get3A_332 = tpu.vector_load %arg9[%get3A_331] {strides = array<i32>} : memref<16384xf32, #tpu.memory_space<vmem>>, vector<16xf32>,
        %get3A_333 = vector.shape_cast %get3A_332 : vector<16xf32> to vector<16xf32>
        %get3A_334 = arith.index_cast %scan3A_273 : i32 to index
        %get3A_335 = arith.constant 32 : index
        %get3A_336 = tpu.vector_load %arg12[%get3A_334, %get3A_335] {strides = array<i32>} : memref<128x128xf32, #tpu.memory_space<vmem>>, vector<1x16xf32>,
        %get3A_337 = vector.shape_cast %get3A_336 : vector<1x16xf32> to vector<16xf32>
        %get3A_338 = arith.index_cast %scan3A_273 : i32 to index
        %get3A_339 = arith.constant 32 : index
        %get3A_340 = tpu.vector_load %arg7[%get3A_338, %get3A_339] {strides = array<i32>} : memref<128x128xf32, #tpu.memory_space<vmem>>, vector<1x16xf32>,
        %get3A_341 = vector.shape_cast %get3A_340 : vector<1x16xf32> to vector<16xf32>
        %eq3A_342 = arith.cmpf oeq, %get3A_333, %get3A_333 : vector<16xf32>
        %select_n3A_343 = arith.select %eq3A_342, %get3A_333, %get3A_337 : vector<16xi1>, vector<16xf32>
        %sub3A_344 = arith.subf %select_n3A_343, %get3A_337 : vector<16xf32>
        %mul3A_345 = arith.mulf %sub3A_344, %get3A_341 : vector<16xf32>
        %mul3A_346 = arith.mulf %mul3A_345, %sub3A_344 : vector<16xf32>
        %add3A_347 = arith.addf %scan3A_276, %mul3A_346 : vector<16xf32>
        %jit3A_348 = arith.constant 0.000000e+00 : f32
        %broadcast_in_dim3A_349 = vector.broadcast %jit3A_348 : f32 to vector<16xf32>
        %select_n3A_350 = arith.select %eq3A_342, %get3A_341, %broadcast_in_dim3A_349 : vector<16xi1>, vector<16xf32>
        %add3A_351 = arith.addf %scan3A_280, %select_n3A_350 : vector<16xf32>
        %mul3A_352 = arith.constant 128 : i32
        %mul3A_353 = arith.muli %scan3A_273, %mul3A_352 : i32
        %add3A_354 = arith.constant 48 : i32
        %add3A_355 = arith.addi %mul3A_353, %add3A_354 : i32
        %get3A_356 = arith.index_cast %add3A_355 : i32 to index
        %get3A_357 = tpu.vector_load %arg9[%get3A_356] {strides = array<i32>} : memref<16384xf32, #tpu.memory_space<vmem>>, vector<16xf32>,
        %get3A_358 = vector.shape_cast %get3A_357 : vector<16xf32> to vector<16xf32>
        %get3A_359 = arith.index_cast %scan3A_273 : i32 to index
        %get3A_360 = arith.constant 48 : index
        %get3A_361 = tpu.vector_load %arg12[%get3A_359, %get3A_360] {strides = array<i32>} : memref<128x128xf32, #tpu.memory_space<vmem>>, vector<1x16xf32>,
        %get3A_362 = vector.shape_cast %get3A_361 : vector<1x16xf32> to vector<16xf32>
        %get3A_363 = arith.index_cast %scan3A_273 : i32 to index
        %get3A_364 = arith.constant 48 : index
        %get3A_365 = tpu.vector_load %arg7[%get3A_363, %get3A_364] {strides = array<i32>} : memref<128x128xf32, #tpu.memory_space<vmem>>, vector<1x16xf32>,
        %get3A_366 = vector.shape_cast %get3A_365 : vector<1x16xf32> to vector<16xf32>
        %eq3A_367 = arith.cmpf oeq, %get3A_358, %get3A_358 : vector<16xf32>
        %select_n3A_368 = arith.select %eq3A_367, %get3A_358, %get3A_362 : vector<16xi1>, vector<16xf32>
        %sub3A_369 = arith.subf %select_n3A_368, %get3A_362 : vector<16xf32>
        %mul3A_370 = arith.mulf %sub3A_369, %get3A_366 : vector<16xf32>
        %mul3A_371 = arith.mulf %mul3A_370, %sub3A_369 : vector<16xf32>
        %add3A_372 = arith.addf %scan3A_277, %mul3A_371 : vector<16xf32>
        %jit3A_373 = arith.constant 0.000000e+00 : f32
        %broadcast_in_dim3A_374 = vector.broadcast %jit3A_373 : f32 to vector<16xf32>
        %select_n3A_375 = arith.select %eq3A_367, %get3A_366, %broadcast_in_dim3A_374 : vector<16xi1>, vector<16xf32>
        %add3A_376 = arith.addf %scan3A_281, %select_n3A_375 : vector<16xf32>
        %mul3A_377 = arith.constant 128 : i32
        %mul3A_378 = arith.muli %scan3A_273, %mul3A_377 : i32
        %add3A_379 = arith.constant 64 : i32
        %add3A_380 = arith.addi %mul3A_378, %add3A_379 : i32
        %get3A_381 = arith.index_cast %add3A_380 : i32 to index
        %get3A_382 = tpu.vector_load %arg9[%get3A_381] {strides = array<i32>} : memref<16384xf32, #tpu.memory_space<vmem>>, vector<16xf32>,
        %get3A_383 = vector.shape_cast %get3A_382 : vector<16xf32> to vector<16xf32>
        %get3A_384 = arith.index_cast %scan3A_273 : i32 to index
        %get3A_385 = arith.constant 64 : index
        %get3A_386 = tpu.vector_load %arg12[%get3A_384, %get3A_385] {strides = array<i32>} : memref<128x128xf32, #tpu.memory_space<vmem>>, vector<1x16xf32>,
        %get3A_387 = vector.shape_cast %get3A_386 : vector<1x16xf32> to vector<16xf32>
        %get3A_388 = arith.index_cast %scan3A_273 : i32 to index
        %get3A_389 = arith.constant 64 : index
        %get3A_390 = tpu.vector_load %arg7[%get3A_388, %get3A_389] {strides = array<i32>} : memref<128x128xf32, #tpu.memory_space<vmem>>, vector<1x16xf32>,
        %get3A_391 = vector.shape_cast %get3A_390 : vector<1x16xf32> to vector<16xf32>
        %eq3A_392 = arith.cmpf oeq, %get3A_383, %get3A_383 : vector<16xf32>
        %select_n3A_393 = arith.select %eq3A_392, %get3A_383, %get3A_387 : vector<16xi1>, vector<16xf32>
        %sub3A_394 = arith.subf %select_n3A_393, %get3A_387 : vector<16xf32>
        %mul3A_395 = arith.mulf %sub3A_394, %get3A_391 : vector<16xf32>
        %mul3A_396 = arith.mulf %mul3A_395, %sub3A_394 : vector<16xf32>
        %add3A_397 = arith.addf %add3A_298, %mul3A_396 : vector<16xf32>
        %jit3A_398 = arith.constant 0.000000e+00 : f32
        %broadcast_in_dim3A_399 = vector.broadcast %jit3A_398 : f32 to vector<16xf32>
        %select_n3A_400 = arith.select %eq3A_392, %get3A_391, %broadcast_in_dim3A_399 : vector<16xi1>, vector<16xf32>
        %add3A_401 = arith.addf %add3A_301, %select_n3A_400 : vector<16xf32>
        %mul3A_402 = arith.constant 128 : i32
        %mul3A_403 = arith.muli %scan3A_273, %mul3A_402 : i32
        %add3A_404 = arith.constant 80 : i32
        %add3A_405 = arith.addi %mul3A_403, %add3A_404 : i32
        %get3A_406 = arith.index_cast %add3A_405 : i32 to index
        %get3A_407 = tpu.vector_load %arg9[%get3A_406] {strides = array<i32>} : memref<16384xf32, #tpu.memory_space<vmem>>, vector<16xf32>,
        %get3A_408 = vector.shape_cast %get3A_407 : vector<16xf32> to vector<16xf32>
        %get3A_409 = arith.index_cast %scan3A_273 : i32 to index
        %get3A_410 = arith.constant 80 : index
        %get3A_411 = tpu.vector_load %arg12[%get3A_409, %get3A_410] {strides = array<i32>} : memref<128x128xf32, #tpu.memory_space<vmem>>, vector<1x16xf32>,
        %get3A_412 = vector.shape_cast %get3A_411 : vector<1x16xf32> to vector<16xf32>
        %get3A_413 = arith.index_cast %scan3A_273 : i32 to index
        %get3A_414 = arith.constant 80 : index
        %get3A_415 = tpu.vector_load %arg7[%get3A_413, %get3A_414] {strides = array<i32>} : memref<128x128xf32, #tpu.memory_space<vmem>>, vector<1x16xf32>,
        %get3A_416 = vector.shape_cast %get3A_415 : vector<1x16xf32> to vector<16xf32>
        %eq3A_417 = arith.cmpf oeq, %get3A_408, %get3A_408 : vector<16xf32>
        %select_n3A_418 = arith.select %eq3A_417, %get3A_408, %get3A_412 : vector<16xi1>, vector<16xf32>
        %sub3A_419 = arith.subf %select_n3A_418, %get3A_412 : vector<16xf32>
        %mul3A_420 = arith.mulf %sub3A_419, %get3A_416 : vector<16xf32>
        %mul3A_421 = arith.mulf %mul3A_420, %sub3A_419 : vector<16xf32>
        %add3A_422 = arith.addf %add3A_322, %mul3A_421 : vector<16xf32>
        %jit3A_423 = arith.constant 0.000000e+00 : f32
        %broadcast_in_dim3A_424 = vector.broadcast %jit3A_423 : f32 to vector<16xf32>
        %select_n3A_425 = arith.select %eq3A_417, %get3A_416, %broadcast_in_dim3A_424 : vector<16xi1>, vector<16xf32>
        %add3A_426 = arith.addf %add3A_326, %select_n3A_425 : vector<16xf32>
        %mul3A_427 = arith.constant 128 : i32
        %mul3A_428 = arith.muli %scan3A_273, %mul3A_427 : i32
        %add3A_429 = arith.constant 96 : i32
        %add3A_430 = arith.addi %mul3A_428, %add3A_429 : i32
        %get3A_431 = arith.index_cast %add3A_430 : i32 to index
        %get3A_432 = tpu.vector_load %arg9[%get3A_431] {strides = array<i32>} : memref<16384xf32, #tpu.memory_space<vmem>>, vector<16xf32>,
        %get3A_433 = vector.shape_cast %get3A_432 : vector<16xf32> to vector<16xf32>
        %get3A_434 = arith.index_cast %scan3A_273 : i32 to index
        %get3A_435 = arith.constant 96 : index
        %get3A_436 = tpu.vector_load %arg12[%get3A_434, %get3A_435] {strides = array<i32>} : memref<128x128xf32, #tpu.memory_space<vmem>>, vector<1x16xf32>,
        %get3A_437 = vector.shape_cast %get3A_436 : vector<1x16xf32> to vector<16xf32>
        %get3A_438 = arith.index_cast %scan3A_273 : i32 to index
        %get3A_439 = arith.constant 96 : index
        %get3A_440 = tpu.vector_load %arg7[%get3A_438, %get3A_439] {strides = array<i32>} : memref<128x128xf32, #tpu.memory_space<vmem>>, vector<1x16xf32>,
        %get3A_441 = vector.shape_cast %get3A_440 : vector<1x16xf32> to vector<16xf32>
        %eq3A_442 = arith.cmpf oeq, %get3A_433, %get3A_433 : vector<16xf32>
        %select_n3A_443 = arith.select %eq3A_442, %get3A_433, %get3A_437 : vector<16xi1>, vector<16xf32>
        %sub3A_444 = arith.subf %select_n3A_443, %get3A_437 : vector<16xf32>
        %mul3A_445 = arith.mulf %sub3A_444, %get3A_441 : vector<16xf32>
        %mul3A_446 = arith.mulf %mul3A_445, %sub3A_444 : vector<16xf32>
        %add3A_447 = arith.addf %add3A_347, %mul3A_446 : vector<16xf32>
        %jit3A_448 = arith.constant 0.000000e+00 : f32
        %broadcast_in_dim3A_449 = vector.broadcast %jit3A_448 : f32 to vector<16xf32>
        %select_n3A_450 = arith.select %eq3A_442, %get3A_441, %broadcast_in_dim3A_449 : vector<16xi1>, vector<16xf32>
        %add3A_451 = arith.addf %add3A_351, %select_n3A_450 : vector<16xf32>
        %mul3A_452 = arith.constant 128 : i32
        %mul3A_453 = arith.muli %scan3A_273, %mul3A_452 : i32
        %add3A_454 = arith.constant 112 : i32
        %add3A_455 = arith.addi %mul3A_453, %add3A_454 : i32
        %get3A_456 = arith.index_cast %add3A_455 : i32 to index
        %get3A_457 = tpu.vector_load %arg9[%get3A_456] {strides = array<i32>} : memref<16384xf32, #tpu.memory_space<vmem>>, vector<16xf32>,
        %get3A_458 = vector.shape_cast %get3A_457 : vector<16xf32> to vector<16xf32>
        %get3A_459 = arith.index_cast %scan3A_273 : i32 to index
        %get3A_460 = arith.constant 112 : index
        %get3A_461 = tpu.vector_load %arg12[%get3A_459, %get3A_460] {strides = array<i32>} : memref<128x128xf32, #tpu.memory_space<vmem>>, vector<1x16xf32>,
        %get3A_462 = vector.shape_cast %get3A_461 : vector<1x16xf32> to vector<16xf32>
        %get3A_463 = arith.index_cast %scan3A_273 : i32 to index
        %get3A_464 = arith.constant 112 : index
        %get3A_465 = tpu.vector_load %arg7[%get3A_463, %get3A_464] {strides = array<i32>} : memref<128x128xf32, #tpu.memory_space<vmem>>, vector<1x16xf32>,
        %get3A_466 = vector.shape_cast %get3A_465 : vector<1x16xf32> to vector<16xf32>
        %eq3A_467 = arith.cmpf oeq, %get3A_458, %get3A_458 : vector<16xf32>
        %select_n3A_468 = arith.select %eq3A_467, %get3A_458, %get3A_462 : vector<16xi1>, vector<16xf32>
        %sub3A_469 = arith.subf %select_n3A_468, %get3A_462 : vector<16xf32>
        %mul3A_470 = arith.mulf %sub3A_469, %get3A_466 : vector<16xf32>
        %mul3A_471 = arith.mulf %mul3A_470, %sub3A_469 : vector<16xf32>
        %add3A_472 = arith.addf %add3A_372, %mul3A_471 : vector<16xf32>
        %jit3A_473 = arith.constant 0.000000e+00 : f32
        %broadcast_in_dim3A_474 = vector.broadcast %jit3A_473 : f32 to vector<16xf32>
        %select_n3A_475 = arith.select %eq3A_467, %get3A_466, %broadcast_in_dim3A_474 : vector<16xi1>, vector<16xf32>
        %add3A_476 = arith.addf %add3A_376, %select_n3A_475 : vector<16xf32>
        scf.yield %add3A_397, %add3A_422, %add3A_447, %add3A_472, %add3A_401, %add3A_426, %add3A_451, %add3A_476 : vector<16xf32>, vector<16xf32>, vector<16xf32>, vector<16xf32>, vector<16xf32>, vector<16xf32>, vector<16xf32>, vector<16xf32>
      }
      %scan3A_208 = arith.constant 128 : i32
      %mul3A_209 = arith.constant 3 : i32
      %mul3A_210 = arith.muli %mul3A_209, %scan3A_138 : i32
      %add3A_211 = arith.constant 1 : i32
      %add3A_212 = arith.addi %mul3A_210, %add3A_211 : i32
      %add3A_213 = arith.constant 3 : i32
      %add3A_214 = arith.addi %add3A_212, %add3A_213 : i32
      %add3A_215 = arith.addi %mul3A_0, %add3A_214 : i32
      %dma_start3A_216 = arith.constant 0 : i32
      %dma_start3A_217 = tpu.memref_slice %arg2[%arg1, %add3A_215, %dma_start3A_216] : memref<16x90x16384xf32, #tpu.memory_space<hbm>> -> memref<1x1x16384xf32, #tpu.memory_space<hbm>>
      %dma_start3A_218 = tpu.memref_squeeze %dma_start3A_217 : memref<1x1x16384xf32, #tpu.memory_space<hbm>> -> memref<16384xf32, #tpu.memory_space<hbm>>
      %dma_start3A_219 = arith.constant 0 : i32
      %dma_start3A_220 = tpu.memref_slice %arg2[%arg1, %add3A_215, %dma_start3A_219] : memref<16x90x16384xf32, #tpu.memory_space<hbm>> -> memref<1x1x16384xf32, #tpu.memory_space<hbm>>
      %dma_start3A_221 = tpu.memref_squeeze %dma_start3A_220 : memref<1x1x16384xf32, #tpu.memory_space<hbm>> -> memref<16384xf32, #tpu.memory_space<hbm>>
      tpu.enqueue_dma source(%dma_start3A_221 : memref<16384xf32, #tpu.memory_space<hbm>>) target(%arg9 : memref<16384xf32, #tpu.memory_space<vmem>>) target_semaphore(%arg16 : memref<!tpu.dma_semaphore, #tpu.memory_space<semaphore_mem>>)
      %add3A_222 = arith.addi %mul3A_0, %add3A_214 : i32
      %dma_start3A_223 = arith.constant 0 : i32
      %dma_start3A_224 = arith.constant 0 : i32
      %dma_start3A_225 = tpu.memref_slice %arg3[%arg1, %add3A_222, %dma_start3A_223, %dma_start3A_224] : memref<16x90x128x128xf32, #tpu.memory_space<hbm>> -> memref<1x1x128x128xf32, #tpu.memory_space<hbm>>
      %dma_start3A_226 = tpu.memref_squeeze %dma_start3A_225 : memref<1x1x128x128xf32, #tpu.memory_space<hbm>> -> memref<128x128xf32, #tpu.memory_space<hbm>>
      %dma_start3A_227 = arith.constant 0 : i32
      %dma_start3A_228 = arith.constant 0 : i32
      %dma_start3A_229 = tpu.memref_slice %arg3[%arg1, %add3A_222, %dma_start3A_227, %dma_start3A_228] : memref<16x90x128x128xf32, #tpu.memory_space<hbm>> -> memref<1x1x128x128xf32, #tpu.memory_space<hbm>>
      %dma_start3A_230 = tpu.memref_squeeze %dma_start3A_229 : memref<1x1x128x128xf32, #tpu.memory_space<hbm>> -> memref<128x128xf32, #tpu.memory_space<hbm>>
      tpu.enqueue_dma source(%dma_start3A_230 : memref<128x128xf32, #tpu.memory_space<hbm>>) target(%arg12 : memref<128x128xf32, #tpu.memory_space<vmem>>) target_semaphore(%arg16 : memref<!tpu.dma_semaphore, #tpu.memory_space<semaphore_mem>>)
      %dma_wait3A_231 = arith.constant 0 : i32
      %dma_wait3A_232 = tpu.memref_slice %arg2[%arg1, %mul3A_0, %dma_wait3A_231] : memref<16x90x16384xf32, #tpu.memory_space<hbm>> -> memref<1x1x16384xf32, #tpu.memory_space<hbm>>
      %dma_wait3A_233 = tpu.memref_squeeze %dma_wait3A_232 : memref<1x1x16384xf32, #tpu.memory_space<hbm>> -> memref<16384xf32, #tpu.memory_space<hbm>>
      %dma_wait3A_234 = arith.constant 0 : i32
      %dma_wait3A_235 = tpu.memref_slice %arg2[%arg1, %mul3A_0, %dma_wait3A_234] : memref<16x90x16384xf32, #tpu.memory_space<hbm>> -> memref<1x1x16384xf32, #tpu.memory_space<hbm>>
      %dma_wait3A_236 = tpu.memref_squeeze %dma_wait3A_235 : memref<1x1x16384xf32, #tpu.memory_space<hbm>> -> memref<16384xf32, #tpu.memory_space<hbm>>
      tpu.wait_dma2 semaphore(%arg17 : memref<!tpu.dma_semaphore, #tpu.memory_space<semaphore_mem>>) src(%dma_wait3A_236 : memref<16384xf32, #tpu.memory_space<hbm>>) dst(%arg10 : memref<16384xf32, #tpu.memory_space<vmem>>)
      %dma_wait3A_237 = arith.constant 0 : i32
      %dma_wait3A_238 = arith.constant 0 : i32
      %dma_wait3A_239 = tpu.memref_slice %arg3[%arg1, %mul3A_0, %dma_wait3A_237, %dma_wait3A_238] : memref<16x90x128x128xf32, #tpu.memory_space<hbm>> -> memref<1x1x128x128xf32, #tpu.memory_space<hbm>>
      %dma_wait3A_240 = tpu.memref_squeeze %dma_wait3A_239 : memref<1x1x128x128xf32, #tpu.memory_space<hbm>> -> memref<128x128xf32, #tpu.memory_space<hbm>>
      %dma_wait3A_241 = arith.constant 0 : i32
      %dma_wait3A_242 = arith.constant 0 : i32
      %dma_wait3A_243 = tpu.memref_slice %arg3[%arg1, %mul3A_0, %dma_wait3A_241, %dma_wait3A_242] : memref<16x90x128x128xf32, #tpu.memory_space<hbm>> -> memref<1x1x128x128xf32, #tpu.memory_space<hbm>>
      %dma_wait3A_244 = tpu.memref_squeeze %dma_wait3A_243 : memref<1x1x128x128xf32, #tpu.memory_space<hbm>> -> memref<128x128xf32, #tpu.memory_space<hbm>>
      tpu.wait_dma2 semaphore(%arg17 : memref<!tpu.dma_semaphore, #tpu.memory_space<semaphore_mem>>) src(%dma_wait3A_244 : memref<128x128xf32, #tpu.memory_space<hbm>>) dst(%arg13 : memref<128x128xf32, #tpu.memory_space<vmem>>)
      %scan3A_245 = arith.constant 0 : i32
      %scan3A_246 = arith.constant 128 : i32
      %scan3A_247 = arith.addi %scan3A_245, %scan3A_246 : i32
      %scan3A_248 = arith.constant 1 : i32
      %scan3A_249:8 = scf.for %scan3A_273 = %scan3A_245 to %scan3A_247 step %scan3A_248 iter_args(%scan3A_274 = %scan3A_207#0, %scan3A_275 = %scan3A_207#1, %scan3A_276 = %scan3A_207#2, %scan3A_277 = %scan3A_207#3, %scan3A_278 = %scan3A_207#4, %scan3A_279 = %scan3A_207#5, %scan3A_280 = %scan3A_207#6, %scan3A_281 = %scan3A_207#7) -> (vector<16xf32>, vector<16xf32>, vector<16xf32>, vector<16xf32>, vector<16xf32>, vector<16xf32>, vector<16xf32>, vector<16xf32>)  : i32 {
        %mul3A_282 = arith.constant 128 : i32
        %mul3A_283 = arith.muli %scan3A_273, %mul3A_282 : i32
        %add3A_284 = arith.constant 0 : i32
        %add3A_285 = arith.addi %mul3A_283, %add3A_284 : i32
        %get3A = arith.index_cast %add3A_285 : i32 to index
        %get3A_286 = tpu.vector_load %arg10[%get3A] {strides = array<i32>} : memref<16384xf32, #tpu.memory_space<vmem>>, vector<16xf32>,
        %get3A_287 = vector.shape_cast %get3A_286 : vector<16xf32> to vector<16xf32>
        %get3A_288 = arith.index_cast %scan3A_273 : i32 to index
        %get3A_289 = arith.constant 0 : index
        %get3A_290 = tpu.vector_load %arg13[%get3A_288, %get3A_289] {strides = array<i32>} : memref<128x128xf32, #tpu.memory_space<vmem>>, vector<1x16xf32>,
        %get3A_291 = vector.shape_cast %get3A_290 : vector<1x16xf32> to vector<16xf32>
        %get3A_292 = arith.index_cast %scan3A_273 : i32 to index
        %get3A_293 = arith.constant 0 : index
        %get3A_294 = tpu.vector_load %arg7[%get3A_292, %get3A_293] {strides = array<i32>} : memref<128x128xf32, #tpu.memory_space<vmem>>, vector<1x16xf32>,
        %get3A_295 = vector.shape_cast %get3A_294 : vector<1x16xf32> to vector<16xf32>
        %eq3A = arith.cmpf oeq, %get3A_287, %get3A_287 : vector<16xf32>
        %select_n3A = arith.select %eq3A, %get3A_287, %get3A_291 : vector<16xi1>, vector<16xf32>
        %sub3A = arith.subf %select_n3A, %get3A_291 : vector<16xf32>
        %mul3A_296 = arith.mulf %sub3A, %get3A_295 : vector<16xf32>
        %mul3A_297 = arith.mulf %mul3A_296, %sub3A : vector<16xf32>
        %add3A_298 = arith.addf %scan3A_274, %mul3A_297 : vector<16xf32>
        %jit3A = arith.constant 0.000000e+00 : f32
        %broadcast_in_dim3A_299 = vector.broadcast %jit3A : f32 to vector<16xf32>
        %select_n3A_300 = arith.select %eq3A, %get3A_295, %broadcast_in_dim3A_299 : vector<16xi1>, vector<16xf32>
        %add3A_301 = arith.addf %scan3A_278, %select_n3A_300 : vector<16xf32>
        %mul3A_302 = arith.constant 128 : i32
        %mul3A_303 = arith.muli %scan3A_273, %mul3A_302 : i32
        %add3A_304 = arith.constant 16 : i32
        %add3A_305 = arith.addi %mul3A_303, %add3A_304 : i32
        %get3A_306 = arith.index_cast %add3A_305 : i32 to index
        %get3A_307 = tpu.vector_load %arg10[%get3A_306] {strides = array<i32>} : memref<16384xf32, #tpu.memory_space<vmem>>, vector<16xf32>,
        %get3A_308 = vector.shape_cast %get3A_307 : vector<16xf32> to vector<16xf32>
        %get3A_309 = arith.index_cast %scan3A_273 : i32 to index
        %get3A_310 = arith.constant 16 : index
        %get3A_311 = tpu.vector_load %arg13[%get3A_309, %get3A_310] {strides = array<i32>} : memref<128x128xf32, #tpu.memory_space<vmem>>, vector<1x16xf32>,
        %get3A_312 = vector.shape_cast %get3A_311 : vector<1x16xf32> to vector<16xf32>
        %get3A_313 = arith.index_cast %scan3A_273 : i32 to index
        %get3A_314 = arith.constant 16 : index
        %get3A_315 = tpu.vector_load %arg7[%get3A_313, %get3A_314] {strides = array<i32>} : memref<128x128xf32, #tpu.memory_space<vmem>>, vector<1x16xf32>,
        %get3A_316 = vector.shape_cast %get3A_315 : vector<1x16xf32> to vector<16xf32>
        %eq3A_317 = arith.cmpf oeq, %get3A_308, %get3A_308 : vector<16xf32>
        %select_n3A_318 = arith.select %eq3A_317, %get3A_308, %get3A_312 : vector<16xi1>, vector<16xf32>
        %sub3A_319 = arith.subf %select_n3A_318, %get3A_312 : vector<16xf32>
        %mul3A_320 = arith.mulf %sub3A_319, %get3A_316 : vector<16xf32>
        %mul3A_321 = arith.mulf %mul3A_320, %sub3A_319 : vector<16xf32>
        %add3A_322 = arith.addf %scan3A_275, %mul3A_321 : vector<16xf32>
        %jit3A_323 = arith.constant 0.000000e+00 : f32
        %broadcast_in_dim3A_324 = vector.broadcast %jit3A_323 : f32 to vector<16xf32>
        %select_n3A_325 = arith.select %eq3A_317, %get3A_316, %broadcast_in_dim3A_324 : vector<16xi1>, vector<16xf32>
        %add3A_326 = arith.addf %scan3A_279, %select_n3A_325 : vector<16xf32>
        %mul3A_327 = arith.constant 128 : i32
        %mul3A_328 = arith.muli %scan3A_273, %mul3A_327 : i32
        %add3A_329 = arith.constant 32 : i32
        %add3A_330 = arith.addi %mul3A_328, %add3A_329 : i32
        %get3A_331 = arith.index_cast %add3A_330 : i32 to index
        %get3A_332 = tpu.vector_load %arg10[%get3A_331] {strides = array<i32>} : memref<16384xf32, #tpu.memory_space<vmem>>, vector<16xf32>,
        %get3A_333 = vector.shape_cast %get3A_332 : vector<16xf32> to vector<16xf32>
        %get3A_334 = arith.index_cast %scan3A_273 : i32 to index
        %get3A_335 = arith.constant 32 : index
        %get3A_336 = tpu.vector_load %arg13[%get3A_334, %get3A_335] {strides = array<i32>} : memref<128x128xf32, #tpu.memory_space<vmem>>, vector<1x16xf32>,
        %get3A_337 = vector.shape_cast %get3A_336 : vector<1x16xf32> to vector<16xf32>
        %get3A_338 = arith.index_cast %scan3A_273 : i32 to index
        %get3A_339 = arith.constant 32 : index
        %get3A_340 = tpu.vector_load %arg7[%get3A_338, %get3A_339] {strides = array<i32>} : memref<128x128xf32, #tpu.memory_space<vmem>>, vector<1x16xf32>,
        %get3A_341 = vector.shape_cast %get3A_340 : vector<1x16xf32> to vector<16xf32>
        %eq3A_342 = arith.cmpf oeq, %get3A_333, %get3A_333 : vector<16xf32>
        %select_n3A_343 = arith.select %eq3A_342, %get3A_333, %get3A_337 : vector<16xi1>, vector<16xf32>
        %sub3A_344 = arith.subf %select_n3A_343, %get3A_337 : vector<16xf32>
        %mul3A_345 = arith.mulf %sub3A_344, %get3A_341 : vector<16xf32>
        %mul3A_346 = arith.mulf %mul3A_345, %sub3A_344 : vector<16xf32>
        %add3A_347 = arith.addf %scan3A_276, %mul3A_346 : vector<16xf32>
        %jit3A_348 = arith.constant 0.000000e+00 : f32
        %broadcast_in_dim3A_349 = vector.broadcast %jit3A_348 : f32 to vector<16xf32>
        %select_n3A_350 = arith.select %eq3A_342, %get3A_341, %broadcast_in_dim3A_349 : vector<16xi1>, vector<16xf32>
        %add3A_351 = arith.addf %scan3A_280, %select_n3A_350 : vector<16xf32>
        %mul3A_352 = arith.constant 128 : i32
        %mul3A_353 = arith.muli %scan3A_273, %mul3A_352 : i32
        %add3A_354 = arith.constant 48 : i32
        %add3A_355 = arith.addi %mul3A_353, %add3A_354 : i32
        %get3A_356 = arith.index_cast %add3A_355 : i32 to index
        %get3A_357 = tpu.vector_load %arg10[%get3A_356] {strides = array<i32>} : memref<16384xf32, #tpu.memory_space<vmem>>, vector<16xf32>,
        %get3A_358 = vector.shape_cast %get3A_357 : vector<16xf32> to vector<16xf32>
        %get3A_359 = arith.index_cast %scan3A_273 : i32 to index
        %get3A_360 = arith.constant 48 : index
        %get3A_361 = tpu.vector_load %arg13[%get3A_359, %get3A_360] {strides = array<i32>} : memref<128x128xf32, #tpu.memory_space<vmem>>, vector<1x16xf32>,
        %get3A_362 = vector.shape_cast %get3A_361 : vector<1x16xf32> to vector<16xf32>
        %get3A_363 = arith.index_cast %scan3A_273 : i32 to index
        %get3A_364 = arith.constant 48 : index
        %get3A_365 = tpu.vector_load %arg7[%get3A_363, %get3A_364] {strides = array<i32>} : memref<128x128xf32, #tpu.memory_space<vmem>>, vector<1x16xf32>,
        %get3A_366 = vector.shape_cast %get3A_365 : vector<1x16xf32> to vector<16xf32>
        %eq3A_367 = arith.cmpf oeq, %get3A_358, %get3A_358 : vector<16xf32>
        %select_n3A_368 = arith.select %eq3A_367, %get3A_358, %get3A_362 : vector<16xi1>, vector<16xf32>
        %sub3A_369 = arith.subf %select_n3A_368, %get3A_362 : vector<16xf32>
        %mul3A_370 = arith.mulf %sub3A_369, %get3A_366 : vector<16xf32>
        %mul3A_371 = arith.mulf %mul3A_370, %sub3A_369 : vector<16xf32>
        %add3A_372 = arith.addf %scan3A_277, %mul3A_371 : vector<16xf32>
        %jit3A_373 = arith.constant 0.000000e+00 : f32
        %broadcast_in_dim3A_374 = vector.broadcast %jit3A_373 : f32 to vector<16xf32>
        %select_n3A_375 = arith.select %eq3A_367, %get3A_366, %broadcast_in_dim3A_374 : vector<16xi1>, vector<16xf32>
        %add3A_376 = arith.addf %scan3A_281, %select_n3A_375 : vector<16xf32>
        %mul3A_377 = arith.constant 128 : i32
        %mul3A_378 = arith.muli %scan3A_273, %mul3A_377 : i32
        %add3A_379 = arith.constant 64 : i32
        %add3A_380 = arith.addi %mul3A_378, %add3A_379 : i32
        %get3A_381 = arith.index_cast %add3A_380 : i32 to index
        %get3A_382 = tpu.vector_load %arg10[%get3A_381] {strides = array<i32>} : memref<16384xf32, #tpu.memory_space<vmem>>, vector<16xf32>,
        %get3A_383 = vector.shape_cast %get3A_382 : vector<16xf32> to vector<16xf32>
        %get3A_384 = arith.index_cast %scan3A_273 : i32 to index
        %get3A_385 = arith.constant 64 : index
        %get3A_386 = tpu.vector_load %arg13[%get3A_384, %get3A_385] {strides = array<i32>} : memref<128x128xf32, #tpu.memory_space<vmem>>, vector<1x16xf32>,
        %get3A_387 = vector.shape_cast %get3A_386 : vector<1x16xf32> to vector<16xf32>
        %get3A_388 = arith.index_cast %scan3A_273 : i32 to index
        %get3A_389 = arith.constant 64 : index
        %get3A_390 = tpu.vector_load %arg7[%get3A_388, %get3A_389] {strides = array<i32>} : memref<128x128xf32, #tpu.memory_space<vmem>>, vector<1x16xf32>,
        %get3A_391 = vector.shape_cast %get3A_390 : vector<1x16xf32> to vector<16xf32>
        %eq3A_392 = arith.cmpf oeq, %get3A_383, %get3A_383 : vector<16xf32>
        %select_n3A_393 = arith.select %eq3A_392, %get3A_383, %get3A_387 : vector<16xi1>, vector<16xf32>
        %sub3A_394 = arith.subf %select_n3A_393, %get3A_387 : vector<16xf32>
        %mul3A_395 = arith.mulf %sub3A_394, %get3A_391 : vector<16xf32>
        %mul3A_396 = arith.mulf %mul3A_395, %sub3A_394 : vector<16xf32>
        %add3A_397 = arith.addf %add3A_298, %mul3A_396 : vector<16xf32>
        %jit3A_398 = arith.constant 0.000000e+00 : f32
        %broadcast_in_dim3A_399 = vector.broadcast %jit3A_398 : f32 to vector<16xf32>
        %select_n3A_400 = arith.select %eq3A_392, %get3A_391, %broadcast_in_dim3A_399 : vector<16xi1>, vector<16xf32>
        %add3A_401 = arith.addf %add3A_301, %select_n3A_400 : vector<16xf32>
        %mul3A_402 = arith.constant 128 : i32
        %mul3A_403 = arith.muli %scan3A_273, %mul3A_402 : i32
        %add3A_404 = arith.constant 80 : i32
        %add3A_405 = arith.addi %mul3A_403, %add3A_404 : i32
        %get3A_406 = arith.index_cast %add3A_405 : i32 to index
        %get3A_407 = tpu.vector_load %arg10[%get3A_406] {strides = array<i32>} : memref<16384xf32, #tpu.memory_space<vmem>>, vector<16xf32>,
        %get3A_408 = vector.shape_cast %get3A_407 : vector<16xf32> to vector<16xf32>
        %get3A_409 = arith.index_cast %scan3A_273 : i32 to index
        %get3A_410 = arith.constant 80 : index
        %get3A_411 = tpu.vector_load %arg13[%get3A_409, %get3A_410] {strides = array<i32>} : memref<128x128xf32, #tpu.memory_space<vmem>>, vector<1x16xf32>,
        %get3A_412 = vector.shape_cast %get3A_411 : vector<1x16xf32> to vector<16xf32>
        %get3A_413 = arith.index_cast %scan3A_273 : i32 to index
        %get3A_414 = arith.constant 80 : index
        %get3A_415 = tpu.vector_load %arg7[%get3A_413, %get3A_414] {strides = array<i32>} : memref<128x128xf32, #tpu.memory_space<vmem>>, vector<1x16xf32>,
        %get3A_416 = vector.shape_cast %get3A_415 : vector<1x16xf32> to vector<16xf32>
        %eq3A_417 = arith.cmpf oeq, %get3A_408, %get3A_408 : vector<16xf32>
        %select_n3A_418 = arith.select %eq3A_417, %get3A_408, %get3A_412 : vector<16xi1>, vector<16xf32>
        %sub3A_419 = arith.subf %select_n3A_418, %get3A_412 : vector<16xf32>
        %mul3A_420 = arith.mulf %sub3A_419, %get3A_416 : vector<16xf32>
        %mul3A_421 = arith.mulf %mul3A_420, %sub3A_419 : vector<16xf32>
        %add3A_422 = arith.addf %add3A_322, %mul3A_421 : vector<16xf32>
        %jit3A_423 = arith.constant 0.000000e+00 : f32
        %broadcast_in_dim3A_424 = vector.broadcast %jit3A_423 : f32 to vector<16xf32>
        %select_n3A_425 = arith.select %eq3A_417, %get3A_416, %broadcast_in_dim3A_424 : vector<16xi1>, vector<16xf32>
        %add3A_426 = arith.addf %add3A_326, %select_n3A_425 : vector<16xf32>
        %mul3A_427 = arith.constant 128 : i32
        %mul3A_428 = arith.muli %scan3A_273, %mul3A_427 : i32
        %add3A_429 = arith.constant 96 : i32
        %add3A_430 = arith.addi %mul3A_428, %add3A_429 : i32
        %get3A_431 = arith.index_cast %add3A_430 : i32 to index
        %get3A_432 = tpu.vector_load %arg10[%get3A_431] {strides = array<i32>} : memref<16384xf32, #tpu.memory_space<vmem>>, vector<16xf32>,
        %get3A_433 = vector.shape_cast %get3A_432 : vector<16xf32> to vector<16xf32>
        %get3A_434 = arith.index_cast %scan3A_273 : i32 to index
        %get3A_435 = arith.constant 96 : index
        %get3A_436 = tpu.vector_load %arg13[%get3A_434, %get3A_435] {strides = array<i32>} : memref<128x128xf32, #tpu.memory_space<vmem>>, vector<1x16xf32>,
        %get3A_437 = vector.shape_cast %get3A_436 : vector<1x16xf32> to vector<16xf32>
        %get3A_438 = arith.index_cast %scan3A_273 : i32 to index
        %get3A_439 = arith.constant 96 : index
        %get3A_440 = tpu.vector_load %arg7[%get3A_438, %get3A_439] {strides = array<i32>} : memref<128x128xf32, #tpu.memory_space<vmem>>, vector<1x16xf32>,
        %get3A_441 = vector.shape_cast %get3A_440 : vector<1x16xf32> to vector<16xf32>
        %eq3A_442 = arith.cmpf oeq, %get3A_433, %get3A_433 : vector<16xf32>
        %select_n3A_443 = arith.select %eq3A_442, %get3A_433, %get3A_437 : vector<16xi1>, vector<16xf32>
        %sub3A_444 = arith.subf %select_n3A_443, %get3A_437 : vector<16xf32>
        %mul3A_445 = arith.mulf %sub3A_444, %get3A_441 : vector<16xf32>
        %mul3A_446 = arith.mulf %mul3A_445, %sub3A_444 : vector<16xf32>
        %add3A_447 = arith.addf %add3A_347, %mul3A_446 : vector<16xf32>
        %jit3A_448 = arith.constant 0.000000e+00 : f32
        %broadcast_in_dim3A_449 = vector.broadcast %jit3A_448 : f32 to vector<16xf32>
        %select_n3A_450 = arith.select %eq3A_442, %get3A_441, %broadcast_in_dim3A_449 : vector<16xi1>, vector<16xf32>
        %add3A_451 = arith.addf %add3A_351, %select_n3A_450 : vector<16xf32>
        %mul3A_452 = arith.constant 128 : i32
        %mul3A_453 = arith.muli %scan3A_273, %mul3A_452 : i32
        %add3A_454 = arith.constant 112 : i32
        %add3A_455 = arith.addi %mul3A_453, %add3A_454 : i32
        %get3A_456 = arith.index_cast %add3A_455 : i32 to index
        %get3A_457 = tpu.vector_load %arg10[%get3A_456] {strides = array<i32>} : memref<16384xf32, #tpu.memory_space<vmem>>, vector<16xf32>,
        %get3A_458 = vector.shape_cast %get3A_457 : vector<16xf32> to vector<16xf32>
        %get3A_459 = arith.index_cast %scan3A_273 : i32 to index
        %get3A_460 = arith.constant 112 : index
        %get3A_461 = tpu.vector_load %arg13[%get3A_459, %get3A_460] {strides = array<i32>} : memref<128x128xf32, #tpu.memory_space<vmem>>, vector<1x16xf32>,
        %get3A_462 = vector.shape_cast %get3A_461 : vector<1x16xf32> to vector<16xf32>
        %get3A_463 = arith.index_cast %scan3A_273 : i32 to index
        %get3A_464 = arith.constant 112 : index
        %get3A_465 = tpu.vector_load %arg7[%get3A_463, %get3A_464] {strides = array<i32>} : memref<128x128xf32, #tpu.memory_space<vmem>>, vector<1x16xf32>,
        %get3A_466 = vector.shape_cast %get3A_465 : vector<1x16xf32> to vector<16xf32>
        %eq3A_467 = arith.cmpf oeq, %get3A_458, %get3A_458 : vector<16xf32>
        %select_n3A_468 = arith.select %eq3A_467, %get3A_458, %get3A_462 : vector<16xi1>, vector<16xf32>
        %sub3A_469 = arith.subf %select_n3A_468, %get3A_462 : vector<16xf32>
        %mul3A_470 = arith.mulf %sub3A_469, %get3A_466 : vector<16xf32>
        %mul3A_471 = arith.mulf %mul3A_470, %sub3A_469 : vector<16xf32>
        %add3A_472 = arith.addf %add3A_372, %mul3A_471 : vector<16xf32>
        %jit3A_473 = arith.constant 0.000000e+00 : f32
        %broadcast_in_dim3A_474 = vector.broadcast %jit3A_473 : f32 to vector<16xf32>
        %select_n3A_475 = arith.select %eq3A_467, %get3A_466, %broadcast_in_dim3A_474 : vector<16xi1>, vector<16xf32>
        %add3A_476 = arith.addf %add3A_376, %select_n3A_475 : vector<16xf32>
        scf.yield %add3A_397, %add3A_422, %add3A_447, %add3A_472, %add3A_401, %add3A_426, %add3A_451, %add3A_476 : vector<16xf32>, vector<16xf32>, vector<16xf32>, vector<16xf32>, vector<16xf32>, vector<16xf32>, vector<16xf32>, vector<16xf32>
      }
      %scan3A_250 = arith.constant 128 : i32
      %mul3A_251 = arith.constant 3 : i32
      %mul3A_252 = arith.muli %mul3A_251, %scan3A_138 : i32
      %add3A_253 = arith.constant 2 : i32
      %add3A_254 = arith.addi %mul3A_252, %add3A_253 : i32
      %add3A_255 = arith.constant 3 : i32
      %add3A_256 = arith.addi %add3A_254, %add3A_255 : i32
      %add3A_257 = arith.addi %mul3A_0, %add3A_256 : i32
      %dma_start3A_258 = arith.constant 0 : i32
      %dma_start3A_259 = tpu.memref_slice %arg2[%arg1, %add3A_257, %dma_start3A_258] : memref<16x90x16384xf32, #tpu.memory_space<hbm>> -> memref<1x1x16384xf32, #tpu.memory_space<hbm>>
      %dma_start3A_260 = tpu.memref_squeeze %dma_start3A_259 : memref<1x1x16384xf32, #tpu.memory_space<hbm>> -> memref<16384xf32, #tpu.memory_space<hbm>>
      %dma_start3A_261 = arith.constant 0 : i32
      %dma_start3A_262 = tpu.memref_slice %arg2[%arg1, %add3A_257, %dma_start3A_261] : memref<16x90x16384xf32, #tpu.memory_space<hbm>> -> memref<1x1x16384xf32, #tpu.memory_space<hbm>>
      %dma_start3A_263 = tpu.memref_squeeze %dma_start3A_262 : memref<1x1x16384xf32, #tpu.memory_space<hbm>> -> memref<16384xf32, #tpu.memory_space<hbm>>
      tpu.enqueue_dma source(%dma_start3A_263 : memref<16384xf32, #tpu.memory_space<hbm>>) target(%arg10 : memref<16384xf32, #tpu.memory_space<vmem>>) target_semaphore(%arg17 : memref<!tpu.dma_semaphore, #tpu.memory_space<semaphore_mem>>)
      %add3A_264 = arith.addi %mul3A_0, %add3A_256 : i32
      %dma_start3A_265 = arith.constant 0 : i32
      %dma_start3A_266 = arith.constant 0 : i32
      %dma_start3A_267 = tpu.memref_slice %arg3[%arg1, %add3A_264, %dma_start3A_265, %dma_start3A_266] : memref<16x90x128x128xf32, #tpu.memory_space<hbm>> -> memref<1x1x128x128xf32, #tpu.memory_space<hbm>>
      %dma_start3A_268 = tpu.memref_squeeze %dma_start3A_267 : memref<1x1x128x128xf32, #tpu.memory_space<hbm>> -> memref<128x128xf32, #tpu.memory_space<hbm>>
      %dma_start3A_269 = arith.constant 0 : i32
      %dma_start3A_270 = arith.constant 0 : i32
      %dma_start3A_271 = tpu.memref_slice %arg3[%arg1, %add3A_264, %dma_start3A_269, %dma_start3A_270] : memref<16x90x128x128xf32, #tpu.memory_space<hbm>> -> memref<1x1x128x128xf32, #tpu.memory_space<hbm>>
      %dma_start3A_272 = tpu.memref_squeeze %dma_start3A_271 : memref<1x1x128x128xf32, #tpu.memory_space<hbm>> -> memref<128x128xf32, #tpu.memory_space<hbm>>
      tpu.enqueue_dma source(%dma_start3A_272 : memref<128x128xf32, #tpu.memory_space<hbm>>) target(%arg13 : memref<128x128xf32, #tpu.memory_space<vmem>>) target_semaphore(%arg17 : memref<!tpu.dma_semaphore, #tpu.memory_space<semaphore_mem>>)
      scf.yield %scan3A_249#0, %scan3A_249#1, %scan3A_249#2, %scan3A_249#3, %scan3A_249#4, %scan3A_249#5, %scan3A_249#6, %scan3A_249#7 : vector<16xf32>, vector<16xf32>, vector<16xf32>, vector<16xf32>, vector<16xf32>, vector<16xf32>, vector<16xf32>, vector<16xf32>
    }
    %scan3A_65 = arith.constant 14 : i32
    %dma_wait3A = arith.constant 0 : i32
    %dma_wait3A_66 = tpu.memref_slice %arg2[%arg1, %mul3A_0, %dma_wait3A] : memref<16x90x16384xf32, #tpu.memory_space<hbm>> -> memref<1x1x16384xf32, #tpu.memory_space<hbm>>
    %dma_wait3A_67 = tpu.memref_squeeze %dma_wait3A_66 : memref<1x1x16384xf32, #tpu.memory_space<hbm>> -> memref<16384xf32, #tpu.memory_space<hbm>>
    %dma_wait3A_68 = arith.constant 0 : i32
    %dma_wait3A_69 = tpu.memref_slice %arg2[%arg1, %mul3A_0, %dma_wait3A_68] : memref<16x90x16384xf32, #tpu.memory_space<hbm>> -> memref<1x1x16384xf32, #tpu.memory_space<hbm>>
    %dma_wait3A_70 = tpu.memref_squeeze %dma_wait3A_69 : memref<1x1x16384xf32, #tpu.memory_space<hbm>> -> memref<16384xf32, #tpu.memory_space<hbm>>
    tpu.wait_dma2 semaphore(%arg15 : memref<!tpu.dma_semaphore, #tpu.memory_space<semaphore_mem>>) src(%dma_wait3A_70 : memref<16384xf32, #tpu.memory_space<hbm>>) dst(%arg8 : memref<16384xf32, #tpu.memory_space<vmem>>)
    %dma_wait3A_71 = arith.constant 0 : i32
    %dma_wait3A_72 = arith.constant 0 : i32
    %dma_wait3A_73 = tpu.memref_slice %arg3[%arg1, %mul3A_0, %dma_wait3A_71, %dma_wait3A_72] : memref<16x90x128x128xf32, #tpu.memory_space<hbm>> -> memref<1x1x128x128xf32, #tpu.memory_space<hbm>>
    %dma_wait3A_74 = tpu.memref_squeeze %dma_wait3A_73 : memref<1x1x128x128xf32, #tpu.memory_space<hbm>> -> memref<128x128xf32, #tpu.memory_space<hbm>>
    %dma_wait3A_75 = arith.constant 0 : i32
    %dma_wait3A_76 = arith.constant 0 : i32
    %dma_wait3A_77 = tpu.memref_slice %arg3[%arg1, %mul3A_0, %dma_wait3A_75, %dma_wait3A_76] : memref<16x90x128x128xf32, #tpu.memory_space<hbm>> -> memref<1x1x128x128xf32, #tpu.memory_space<hbm>>
    %dma_wait3A_78 = tpu.memref_squeeze %dma_wait3A_77 : memref<1x1x128x128xf32, #tpu.memory_space<hbm>> -> memref<128x128xf32, #tpu.memory_space<hbm>>
    tpu.wait_dma2 semaphore(%arg15 : memref<!tpu.dma_semaphore, #tpu.memory_space<semaphore_mem>>) src(%dma_wait3A_78 : memref<128x128xf32, #tpu.memory_space<hbm>>) dst(%arg11 : memref<128x128xf32, #tpu.memory_space<vmem>>)
    %scan3A_79 = arith.constant 0 : i32
    %scan3A_80 = arith.constant 128 : i32
    %scan3A_81 = arith.addi %scan3A_79, %scan3A_80 : i32
    %scan3A_82 = arith.constant 1 : i32
    %scan3A_83:8 = scf.for %scan3A_138 = %scan3A_79 to %scan3A_81 step %scan3A_82 iter_args(%scan3A_139 = %scan3A_64#0, %scan3A_140 = %scan3A_64#1, %scan3A_141 = %scan3A_64#2, %scan3A_142 = %scan3A_64#3, %scan3A_143 = %scan3A_64#4, %scan3A_144 = %scan3A_64#5, %scan3A_145 = %scan3A_64#6, %scan3A_146 = %scan3A_64#7) -> (vector<16xf32>, vector<16xf32>, vector<16xf32>, vector<16xf32>, vector<16xf32>, vector<16xf32>, vector<16xf32>, vector<16xf32>)  : i32 {
      %mul3A_147 = arith.constant 128 : i32
      %mul3A_148 = arith.muli %scan3A_138, %mul3A_147 : i32
      %add3A_149 = arith.constant 0 : i32
      %add3A_150 = arith.addi %mul3A_148, %add3A_149 : i32
      %get3A = arith.index_cast %add3A_150 : i32 to index
      %get3A_151 = tpu.vector_load %arg8[%get3A] {strides = array<i32>} : memref<16384xf32, #tpu.memory_space<vmem>>, vector<16xf32>,
      %get3A_152 = vector.shape_cast %get3A_151 : vector<16xf32> to vector<16xf32>
      %get3A_153 = arith.index_cast %scan3A_138 : i32 to index
      %get3A_154 = arith.constant 0 : index
      %get3A_155 = tpu.vector_load %arg11[%get3A_153, %get3A_154] {strides = array<i32>} : memref<128x128xf32, #tpu.memory_space<vmem>>, vector<1x16xf32>,
      %get3A_156 = vector.shape_cast %get3A_155 : vector<1x16xf32> to vector<16xf32>
      %get3A_157 = arith.index_cast %scan3A_138 : i32 to index
      %get3A_158 = arith.constant 0 : index
      %get3A_159 = tpu.vector_load %arg7[%get3A_157, %get3A_158] {strides = array<i32>} : memref<128x128xf32, #tpu.memory_space<vmem>>, vector<1x16xf32>,
      %get3A_160 = vector.shape_cast %get3A_159 : vector<1x16xf32> to vector<16xf32>
      %eq3A = arith.cmpf oeq, %get3A_152, %get3A_152 : vector<16xf32>
      %select_n3A = arith.select %eq3A, %get3A_152, %get3A_156 : vector<16xi1>, vector<16xf32>
      %sub3A = arith.subf %select_n3A, %get3A_156 : vector<16xf32>
      %mul3A_161 = arith.mulf %sub3A, %get3A_160 : vector<16xf32>
      %mul3A_162 = arith.mulf %mul3A_161, %sub3A : vector<16xf32>
      %add3A_163 = arith.addf %scan3A_139, %mul3A_162 : vector<16xf32>
      %jit3A = arith.constant 0.000000e+00 : f32
      %broadcast_in_dim3A_164 = vector.broadcast %jit3A : f32 to vector<16xf32>
      %select_n3A_165 = arith.select %eq3A, %get3A_160, %broadcast_in_dim3A_164 : vector<16xi1>, vector<16xf32>
      %add3A_166 = arith.addf %scan3A_143, %select_n3A_165 : vector<16xf32>
      %mul3A_167 = arith.constant 128 : i32
      %mul3A_168 = arith.muli %scan3A_138, %mul3A_167 : i32
      %add3A_169 = arith.constant 16 : i32
      %add3A_170 = arith.addi %mul3A_168, %add3A_169 : i32
      %get3A_171 = arith.index_cast %add3A_170 : i32 to index
      %get3A_172 = tpu.vector_load %arg8[%get3A_171] {strides = array<i32>} : memref<16384xf32, #tpu.memory_space<vmem>>, vector<16xf32>,
      %get3A_173 = vector.shape_cast %get3A_172 : vector<16xf32> to vector<16xf32>
      %get3A_174 = arith.index_cast %scan3A_138 : i32 to index
      %get3A_175 = arith.constant 16 : index
      %get3A_176 = tpu.vector_load %arg11[%get3A_174, %get3A_175] {strides = array<i32>} : memref<128x128xf32, #tpu.memory_space<vmem>>, vector<1x16xf32>,
      %get3A_177 = vector.shape_cast %get3A_176 : vector<1x16xf32> to vector<16xf32>
      %get3A_178 = arith.index_cast %scan3A_138 : i32 to index
      %get3A_179 = arith.constant 16 : index
      %get3A_180 = tpu.vector_load %arg7[%get3A_178, %get3A_179] {strides = array<i32>} : memref<128x128xf32, #tpu.memory_space<vmem>>, vector<1x16xf32>,
      %get3A_181 = vector.shape_cast %get3A_180 : vector<1x16xf32> to vector<16xf32>
      %eq3A_182 = arith.cmpf oeq, %get3A_173, %get3A_173 : vector<16xf32>
      %select_n3A_183 = arith.select %eq3A_182, %get3A_173, %get3A_177 : vector<16xi1>, vector<16xf32>
      %sub3A_184 = arith.subf %select_n3A_183, %get3A_177 : vector<16xf32>
      %mul3A_185 = arith.mulf %sub3A_184, %get3A_181 : vector<16xf32>
      %mul3A_186 = arith.mulf %mul3A_185, %sub3A_184 : vector<16xf32>
      %add3A_187 = arith.addf %scan3A_140, %mul3A_186 : vector<16xf32>
      %jit3A_188 = arith.constant 0.000000e+00 : f32
      %broadcast_in_dim3A_189 = vector.broadcast %jit3A_188 : f32 to vector<16xf32>
      %select_n3A_190 = arith.select %eq3A_182, %get3A_181, %broadcast_in_dim3A_189 : vector<16xi1>, vector<16xf32>
      %add3A_191 = arith.addf %scan3A_144, %select_n3A_190 : vector<16xf32>
      %mul3A_192 = arith.constant 128 : i32
      %mul3A_193 = arith.muli %scan3A_138, %mul3A_192 : i32
      %add3A_194 = arith.constant 32 : i32
      %add3A_195 = arith.addi %mul3A_193, %add3A_194 : i32
      %get3A_196 = arith.index_cast %add3A_195 : i32 to index
      %get3A_197 = tpu.vector_load %arg8[%get3A_196] {strides = array<i32>} : memref<16384xf32, #tpu.memory_space<vmem>>, vector<16xf32>,
      %get3A_198 = vector.shape_cast %get3A_197 : vector<16xf32> to vector<16xf32>
      %get3A_199 = arith.index_cast %scan3A_138 : i32 to index
      %get3A_200 = arith.constant 32 : index
      %get3A_201 = tpu.vector_load %arg11[%get3A_199, %get3A_200] {strides = array<i32>} : memref<128x128xf32, #tpu.memory_space<vmem>>, vector<1x16xf32>,
      %get3A_202 = vector.shape_cast %get3A_201 : vector<1x16xf32> to vector<16xf32>
      %get3A_203 = arith.index_cast %scan3A_138 : i32 to index
      %get3A_204 = arith.constant 32 : index
      %get3A_205 = tpu.vector_load %arg7[%get3A_203, %get3A_204] {strides = array<i32>} : memref<128x128xf32, #tpu.memory_space<vmem>>, vector<1x16xf32>,
      %get3A_206 = vector.shape_cast %get3A_205 : vector<1x16xf32> to vector<16xf32>
      %eq3A_207 = arith.cmpf oeq, %get3A_198, %get3A_198 : vector<16xf32>
      %select_n3A_208 = arith.select %eq3A_207, %get3A_198, %get3A_202 : vector<16xi1>, vector<16xf32>
      %sub3A_209 = arith.subf %select_n3A_208, %get3A_202 : vector<16xf32>
      %mul3A_210 = arith.mulf %sub3A_209, %get3A_206 : vector<16xf32>
      %mul3A_211 = arith.mulf %mul3A_210, %sub3A_209 : vector<16xf32>
      %add3A_212 = arith.addf %scan3A_141, %mul3A_211 : vector<16xf32>
      %jit3A_213 = arith.constant 0.000000e+00 : f32
      %broadcast_in_dim3A_214 = vector.broadcast %jit3A_213 : f32 to vector<16xf32>
      %select_n3A_215 = arith.select %eq3A_207, %get3A_206, %broadcast_in_dim3A_214 : vector<16xi1>, vector<16xf32>
      %add3A_216 = arith.addf %scan3A_145, %select_n3A_215 : vector<16xf32>
      %mul3A_217 = arith.constant 128 : i32
      %mul3A_218 = arith.muli %scan3A_138, %mul3A_217 : i32
      %add3A_219 = arith.constant 48 : i32
      %add3A_220 = arith.addi %mul3A_218, %add3A_219 : i32
      %get3A_221 = arith.index_cast %add3A_220 : i32 to index
      %get3A_222 = tpu.vector_load %arg8[%get3A_221] {strides = array<i32>} : memref<16384xf32, #tpu.memory_space<vmem>>, vector<16xf32>,
      %get3A_223 = vector.shape_cast %get3A_222 : vector<16xf32> to vector<16xf32>
      %get3A_224 = arith.index_cast %scan3A_138 : i32 to index
      %get3A_225 = arith.constant 48 : index
      %get3A_226 = tpu.vector_load %arg11[%get3A_224, %get3A_225] {strides = array<i32>} : memref<128x128xf32, #tpu.memory_space<vmem>>, vector<1x16xf32>,
      %get3A_227 = vector.shape_cast %get3A_226 : vector<1x16xf32> to vector<16xf32>
      %get3A_228 = arith.index_cast %scan3A_138 : i32 to index
      %get3A_229 = arith.constant 48 : index
      %get3A_230 = tpu.vector_load %arg7[%get3A_228, %get3A_229] {strides = array<i32>} : memref<128x128xf32, #tpu.memory_space<vmem>>, vector<1x16xf32>,
      %get3A_231 = vector.shape_cast %get3A_230 : vector<1x16xf32> to vector<16xf32>
      %eq3A_232 = arith.cmpf oeq, %get3A_223, %get3A_223 : vector<16xf32>
      %select_n3A_233 = arith.select %eq3A_232, %get3A_223, %get3A_227 : vector<16xi1>, vector<16xf32>
      %sub3A_234 = arith.subf %select_n3A_233, %get3A_227 : vector<16xf32>
      %mul3A_235 = arith.mulf %sub3A_234, %get3A_231 : vector<16xf32>
      %mul3A_236 = arith.mulf %mul3A_235, %sub3A_234 : vector<16xf32>
      %add3A_237 = arith.addf %scan3A_142, %mul3A_236 : vector<16xf32>
      %jit3A_238 = arith.constant 0.000000e+00 : f32
      %broadcast_in_dim3A_239 = vector.broadcast %jit3A_238 : f32 to vector<16xf32>
      %select_n3A_240 = arith.select %eq3A_232, %get3A_231, %broadcast_in_dim3A_239 : vector<16xi1>, vector<16xf32>
      %add3A_241 = arith.addf %scan3A_146, %select_n3A_240 : vector<16xf32>
      %mul3A_242 = arith.constant 128 : i32
      %mul3A_243 = arith.muli %scan3A_138, %mul3A_242 : i32
      %add3A_244 = arith.constant 64 : i32
      %add3A_245 = arith.addi %mul3A_243, %add3A_244 : i32
      %get3A_246 = arith.index_cast %add3A_245 : i32 to index
      %get3A_247 = tpu.vector_load %arg8[%get3A_246] {strides = array<i32>} : memref<16384xf32, #tpu.memory_space<vmem>>, vector<16xf32>,
      %get3A_248 = vector.shape_cast %get3A_247 : vector<16xf32> to vector<16xf32>
      %get3A_249 = arith.index_cast %scan3A_138 : i32 to index
      %get3A_250 = arith.constant 64 : index
      %get3A_251 = tpu.vector_load %arg11[%get3A_249, %get3A_250] {strides = array<i32>} : memref<128x128xf32, #tpu.memory_space<vmem>>, vector<1x16xf32>,
      %get3A_252 = vector.shape_cast %get3A_251 : vector<1x16xf32> to vector<16xf32>
      %get3A_253 = arith.index_cast %scan3A_138 : i32 to index
      %get3A_254 = arith.constant 64 : index
      %get3A_255 = tpu.vector_load %arg7[%get3A_253, %get3A_254] {strides = array<i32>} : memref<128x128xf32, #tpu.memory_space<vmem>>, vector<1x16xf32>,
      %get3A_256 = vector.shape_cast %get3A_255 : vector<1x16xf32> to vector<16xf32>
      %eq3A_257 = arith.cmpf oeq, %get3A_248, %get3A_248 : vector<16xf32>
      %select_n3A_258 = arith.select %eq3A_257, %get3A_248, %get3A_252 : vector<16xi1>, vector<16xf32>
      %sub3A_259 = arith.subf %select_n3A_258, %get3A_252 : vector<16xf32>
      %mul3A_260 = arith.mulf %sub3A_259, %get3A_256 : vector<16xf32>
      %mul3A_261 = arith.mulf %mul3A_260, %sub3A_259 : vector<16xf32>
      %add3A_262 = arith.addf %add3A_163, %mul3A_261 : vector<16xf32>
      %jit3A_263 = arith.constant 0.000000e+00 : f32
      %broadcast_in_dim3A_264 = vector.broadcast %jit3A_263 : f32 to vector<16xf32>
      %select_n3A_265 = arith.select %eq3A_257, %get3A_256, %broadcast_in_dim3A_264 : vector<16xi1>, vector<16xf32>
      %add3A_266 = arith.addf %add3A_166, %select_n3A_265 : vector<16xf32>
      %mul3A_267 = arith.constant 128 : i32
      %mul3A_268 = arith.muli %scan3A_138, %mul3A_267 : i32
      %add3A_269 = arith.constant 80 : i32
      %add3A_270 = arith.addi %mul3A_268, %add3A_269 : i32
      %get3A_271 = arith.index_cast %add3A_270 : i32 to index
      %get3A_272 = tpu.vector_load %arg8[%get3A_271] {strides = array<i32>} : memref<16384xf32, #tpu.memory_space<vmem>>, vector<16xf32>,
      %get3A_273 = vector.shape_cast %get3A_272 : vector<16xf32> to vector<16xf32>
      %get3A_274 = arith.index_cast %scan3A_138 : i32 to index
      %get3A_275 = arith.constant 80 : index
      %get3A_276 = tpu.vector_load %arg11[%get3A_274, %get3A_275] {strides = array<i32>} : memref<128x128xf32, #tpu.memory_space<vmem>>, vector<1x16xf32>,
      %get3A_277 = vector.shape_cast %get3A_276 : vector<1x16xf32> to vector<16xf32>
      %get3A_278 = arith.index_cast %scan3A_138 : i32 to index
      %get3A_279 = arith.constant 80 : index
      %get3A_280 = tpu.vector_load %arg7[%get3A_278, %get3A_279] {strides = array<i32>} : memref<128x128xf32, #tpu.memory_space<vmem>>, vector<1x16xf32>,
      %get3A_281 = vector.shape_cast %get3A_280 : vector<1x16xf32> to vector<16xf32>
      %eq3A_282 = arith.cmpf oeq, %get3A_273, %get3A_273 : vector<16xf32>
      %select_n3A_283 = arith.select %eq3A_282, %get3A_273, %get3A_277 : vector<16xi1>, vector<16xf32>
      %sub3A_284 = arith.subf %select_n3A_283, %get3A_277 : vector<16xf32>
      %mul3A_285 = arith.mulf %sub3A_284, %get3A_281 : vector<16xf32>
      %mul3A_286 = arith.mulf %mul3A_285, %sub3A_284 : vector<16xf32>
      %add3A_287 = arith.addf %add3A_187, %mul3A_286 : vector<16xf32>
      %jit3A_288 = arith.constant 0.000000e+00 : f32
      %broadcast_in_dim3A_289 = vector.broadcast %jit3A_288 : f32 to vector<16xf32>
      %select_n3A_290 = arith.select %eq3A_282, %get3A_281, %broadcast_in_dim3A_289 : vector<16xi1>, vector<16xf32>
      %add3A_291 = arith.addf %add3A_191, %select_n3A_290 : vector<16xf32>
      %mul3A_292 = arith.constant 128 : i32
      %mul3A_293 = arith.muli %scan3A_138, %mul3A_292 : i32
      %add3A_294 = arith.constant 96 : i32
      %add3A_295 = arith.addi %mul3A_293, %add3A_294 : i32
      %get3A_296 = arith.index_cast %add3A_295 : i32 to index
      %get3A_297 = tpu.vector_load %arg8[%get3A_296] {strides = array<i32>} : memref<16384xf32, #tpu.memory_space<vmem>>, vector<16xf32>,
      %get3A_298 = vector.shape_cast %get3A_297 : vector<16xf32> to vector<16xf32>
      %get3A_299 = arith.index_cast %scan3A_138 : i32 to index
      %get3A_300 = arith.constant 96 : index
      %get3A_301 = tpu.vector_load %arg11[%get3A_299, %get3A_300] {strides = array<i32>} : memref<128x128xf32, #tpu.memory_space<vmem>>, vector<1x16xf32>,
      %get3A_302 = vector.shape_cast %get3A_301 : vector<1x16xf32> to vector<16xf32>
      %get3A_303 = arith.index_cast %scan3A_138 : i32 to index
      %get3A_304 = arith.constant 96 : index
      %get3A_305 = tpu.vector_load %arg7[%get3A_303, %get3A_304] {strides = array<i32>} : memref<128x128xf32, #tpu.memory_space<vmem>>, vector<1x16xf32>,
      %get3A_306 = vector.shape_cast %get3A_305 : vector<1x16xf32> to vector<16xf32>
      %eq3A_307 = arith.cmpf oeq, %get3A_298, %get3A_298 : vector<16xf32>
      %select_n3A_308 = arith.select %eq3A_307, %get3A_298, %get3A_302 : vector<16xi1>, vector<16xf32>
      %sub3A_309 = arith.subf %select_n3A_308, %get3A_302 : vector<16xf32>
      %mul3A_310 = arith.mulf %sub3A_309, %get3A_306 : vector<16xf32>
      %mul3A_311 = arith.mulf %mul3A_310, %sub3A_309 : vector<16xf32>
      %add3A_312 = arith.addf %add3A_212, %mul3A_311 : vector<16xf32>
      %jit3A_313 = arith.constant 0.000000e+00 : f32
      %broadcast_in_dim3A_314 = vector.broadcast %jit3A_313 : f32 to vector<16xf32>
      %select_n3A_315 = arith.select %eq3A_307, %get3A_306, %broadcast_in_dim3A_314 : vector<16xi1>, vector<16xf32>
      %add3A_316 = arith.addf %add3A_216, %select_n3A_315 : vector<16xf32>
      %mul3A_317 = arith.constant 128 : i32
      %mul3A_318 = arith.muli %scan3A_138, %mul3A_317 : i32
      %add3A_319 = arith.constant 112 : i32
      %add3A_320 = arith.addi %mul3A_318, %add3A_319 : i32
      %get3A_321 = arith.index_cast %add3A_320 : i32 to index
      %get3A_322 = tpu.vector_load %arg8[%get3A_321] {strides = array<i32>} : memref<16384xf32, #tpu.memory_space<vmem>>, vector<16xf32>,
      %get3A_323 = vector.shape_cast %get3A_322 : vector<16xf32> to vector<16xf32>
      %get3A_324 = arith.index_cast %scan3A_138 : i32 to index
      %get3A_325 = arith.constant 112 : index
      %get3A_326 = tpu.vector_load %arg11[%get3A_324, %get3A_325] {strides = array<i32>} : memref<128x128xf32, #tpu.memory_space<vmem>>, vector<1x16xf32>,
      %get3A_327 = vector.shape_cast %get3A_326 : vector<1x16xf32> to vector<16xf32>
      %get3A_328 = arith.index_cast %scan3A_138 : i32 to index
      %get3A_329 = arith.constant 112 : index
      %get3A_330 = tpu.vector_load %arg7[%get3A_328, %get3A_329] {strides = array<i32>} : memref<128x128xf32, #tpu.memory_space<vmem>>, vector<1x16xf32>,
      %get3A_331 = vector.shape_cast %get3A_330 : vector<1x16xf32> to vector<16xf32>
      %eq3A_332 = arith.cmpf oeq, %get3A_323, %get3A_323 : vector<16xf32>
      %select_n3A_333 = arith.select %eq3A_332, %get3A_323, %get3A_327 : vector<16xi1>, vector<16xf32>
      %sub3A_334 = arith.subf %select_n3A_333, %get3A_327 : vector<16xf32>
      %mul3A_335 = arith.mulf %sub3A_334, %get3A_331 : vector<16xf32>
      %mul3A_336 = arith.mulf %mul3A_335, %sub3A_334 : vector<16xf32>
      %add3A_337 = arith.addf %add3A_237, %mul3A_336 : vector<16xf32>
      %jit3A_338 = arith.constant 0.000000e+00 : f32
      %broadcast_in_dim3A_339 = vector.broadcast %jit3A_338 : f32 to vector<16xf32>
      %select_n3A_340 = arith.select %eq3A_332, %get3A_331, %broadcast_in_dim3A_339 : vector<16xi1>, vector<16xf32>
      %add3A_341 = arith.addf %add3A_241, %select_n3A_340 : vector<16xf32>
      scf.yield %add3A_262, %add3A_287, %add3A_312, %add3A_337, %add3A_266, %add3A_291, %add3A_316, %add3A_341 : vector<16xf32>, vector<16xf32>, vector<16xf32>, vector<16xf32>, vector<16xf32>, vector<16xf32>, vector<16xf32>, vector<16xf32>
    }
    %scan3A_84 = arith.constant 128 : i32
    %dma_wait3A_85 = arith.constant 0 : i32
    %dma_wait3A_86 = tpu.memref_slice %arg2[%arg1, %mul3A_0, %dma_wait3A_85] : memref<16x90x16384xf32, #tpu.memory_space<hbm>> -> memref<1x1x16384xf32, #tpu.memory_space<hbm>>
    %dma_wait3A_87 = tpu.memref_squeeze %dma_wait3A_86 : memref<1x1x16384xf32, #tpu.memory_space<hbm>> -> memref<16384xf32, #tpu.memory_space<hbm>>
    %dma_wait3A_88 = arith.constant 0 : i32
    %dma_wait3A_89 = tpu.memref_slice %arg2[%arg1, %mul3A_0, %dma_wait3A_88] : memref<16x90x16384xf32, #tpu.memory_space<hbm>> -> memref<1x1x16384xf32, #tpu.memory_space<hbm>>
    %dma_wait3A_90 = tpu.memref_squeeze %dma_wait3A_89 : memref<1x1x16384xf32, #tpu.memory_space<hbm>> -> memref<16384xf32, #tpu.memory_space<hbm>>
    tpu.wait_dma2 semaphore(%arg16 : memref<!tpu.dma_semaphore, #tpu.memory_space<semaphore_mem>>) src(%dma_wait3A_90 : memref<16384xf32, #tpu.memory_space<hbm>>) dst(%arg9 : memref<16384xf32, #tpu.memory_space<vmem>>)
    %dma_wait3A_91 = arith.constant 0 : i32
    %dma_wait3A_92 = arith.constant 0 : i32
    %dma_wait3A_93 = tpu.memref_slice %arg3[%arg1, %mul3A_0, %dma_wait3A_91, %dma_wait3A_92] : memref<16x90x128x128xf32, #tpu.memory_space<hbm>> -> memref<1x1x128x128xf32, #tpu.memory_space<hbm>>
    %dma_wait3A_94 = tpu.memref_squeeze %dma_wait3A_93 : memref<1x1x128x128xf32, #tpu.memory_space<hbm>> -> memref<128x128xf32, #tpu.memory_space<hbm>>
    %dma_wait3A_95 = arith.constant 0 : i32
    %dma_wait3A_96 = arith.constant 0 : i32
    %dma_wait3A_97 = tpu.memref_slice %arg3[%arg1, %mul3A_0, %dma_wait3A_95, %dma_wait3A_96] : memref<16x90x128x128xf32, #tpu.memory_space<hbm>> -> memref<1x1x128x128xf32, #tpu.memory_space<hbm>>
    %dma_wait3A_98 = tpu.memref_squeeze %dma_wait3A_97 : memref<1x1x128x128xf32, #tpu.memory_space<hbm>> -> memref<128x128xf32, #tpu.memory_space<hbm>>
    tpu.wait_dma2 semaphore(%arg16 : memref<!tpu.dma_semaphore, #tpu.memory_space<semaphore_mem>>) src(%dma_wait3A_98 : memref<128x128xf32, #tpu.memory_space<hbm>>) dst(%arg12 : memref<128x128xf32, #tpu.memory_space<vmem>>)
    %scan3A_99 = arith.constant 0 : i32
    %scan3A_100 = arith.constant 128 : i32
    %scan3A_101 = arith.addi %scan3A_99, %scan3A_100 : i32
    %scan3A_102 = arith.constant 1 : i32
    %scan3A_103:8 = scf.for %scan3A_138 = %scan3A_99 to %scan3A_101 step %scan3A_102 iter_args(%scan3A_139 = %scan3A_83#0, %scan3A_140 = %scan3A_83#1, %scan3A_141 = %scan3A_83#2, %scan3A_142 = %scan3A_83#3, %scan3A_143 = %scan3A_83#4, %scan3A_144 = %scan3A_83#5, %scan3A_145 = %scan3A_83#6, %scan3A_146 = %scan3A_83#7) -> (vector<16xf32>, vector<16xf32>, vector<16xf32>, vector<16xf32>, vector<16xf32>, vector<16xf32>, vector<16xf32>, vector<16xf32>)  : i32 {
      %mul3A_147 = arith.constant 128 : i32
      %mul3A_148 = arith.muli %scan3A_138, %mul3A_147 : i32
      %add3A_149 = arith.constant 0 : i32
      %add3A_150 = arith.addi %mul3A_148, %add3A_149 : i32
      %get3A = arith.index_cast %add3A_150 : i32 to index
      %get3A_151 = tpu.vector_load %arg9[%get3A] {strides = array<i32>} : memref<16384xf32, #tpu.memory_space<vmem>>, vector<16xf32>,
      %get3A_152 = vector.shape_cast %get3A_151 : vector<16xf32> to vector<16xf32>
      %get3A_153 = arith.index_cast %scan3A_138 : i32 to index
      %get3A_154 = arith.constant 0 : index
      %get3A_155 = tpu.vector_load %arg12[%get3A_153, %get3A_154] {strides = array<i32>} : memref<128x128xf32, #tpu.memory_space<vmem>>, vector<1x16xf32>,
      %get3A_156 = vector.shape_cast %get3A_155 : vector<1x16xf32> to vector<16xf32>
      %get3A_157 = arith.index_cast %scan3A_138 : i32 to index
      %get3A_158 = arith.constant 0 : index
      %get3A_159 = tpu.vector_load %arg7[%get3A_157, %get3A_158] {strides = array<i32>} : memref<128x128xf32, #tpu.memory_space<vmem>>, vector<1x16xf32>,
      %get3A_160 = vector.shape_cast %get3A_159 : vector<1x16xf32> to vector<16xf32>
      %eq3A = arith.cmpf oeq, %get3A_152, %get3A_152 : vector<16xf32>
      %select_n3A = arith.select %eq3A, %get3A_152, %get3A_156 : vector<16xi1>, vector<16xf32>
      %sub3A = arith.subf %select_n3A, %get3A_156 : vector<16xf32>
      %mul3A_161 = arith.mulf %sub3A, %get3A_160 : vector<16xf32>
      %mul3A_162 = arith.mulf %mul3A_161, %sub3A : vector<16xf32>
      %add3A_163 = arith.addf %scan3A_139, %mul3A_162 : vector<16xf32>
      %jit3A = arith.constant 0.000000e+00 : f32
      %broadcast_in_dim3A_164 = vector.broadcast %jit3A : f32 to vector<16xf32>
      %select_n3A_165 = arith.select %eq3A, %get3A_160, %broadcast_in_dim3A_164 : vector<16xi1>, vector<16xf32>
      %add3A_166 = arith.addf %scan3A_143, %select_n3A_165 : vector<16xf32>
      %mul3A_167 = arith.constant 128 : i32
      %mul3A_168 = arith.muli %scan3A_138, %mul3A_167 : i32
      %add3A_169 = arith.constant 16 : i32
      %add3A_170 = arith.addi %mul3A_168, %add3A_169 : i32
      %get3A_171 = arith.index_cast %add3A_170 : i32 to index
      %get3A_172 = tpu.vector_load %arg9[%get3A_171] {strides = array<i32>} : memref<16384xf32, #tpu.memory_space<vmem>>, vector<16xf32>,
      %get3A_173 = vector.shape_cast %get3A_172 : vector<16xf32> to vector<16xf32>
      %get3A_174 = arith.index_cast %scan3A_138 : i32 to index
      %get3A_175 = arith.constant 16 : index
      %get3A_176 = tpu.vector_load %arg12[%get3A_174, %get3A_175] {strides = array<i32>} : memref<128x128xf32, #tpu.memory_space<vmem>>, vector<1x16xf32>,
      %get3A_177 = vector.shape_cast %get3A_176 : vector<1x16xf32> to vector<16xf32>
      %get3A_178 = arith.index_cast %scan3A_138 : i32 to index
      %get3A_179 = arith.constant 16 : index
      %get3A_180 = tpu.vector_load %arg7[%get3A_178, %get3A_179] {strides = array<i32>} : memref<128x128xf32, #tpu.memory_space<vmem>>, vector<1x16xf32>,
      %get3A_181 = vector.shape_cast %get3A_180 : vector<1x16xf32> to vector<16xf32>
      %eq3A_182 = arith.cmpf oeq, %get3A_173, %get3A_173 : vector<16xf32>
      %select_n3A_183 = arith.select %eq3A_182, %get3A_173, %get3A_177 : vector<16xi1>, vector<16xf32>
      %sub3A_184 = arith.subf %select_n3A_183, %get3A_177 : vector<16xf32>
      %mul3A_185 = arith.mulf %sub3A_184, %get3A_181 : vector<16xf32>
      %mul3A_186 = arith.mulf %mul3A_185, %sub3A_184 : vector<16xf32>
      %add3A_187 = arith.addf %scan3A_140, %mul3A_186 : vector<16xf32>
      %jit3A_188 = arith.constant 0.000000e+00 : f32
      %broadcast_in_dim3A_189 = vector.broadcast %jit3A_188 : f32 to vector<16xf32>
      %select_n3A_190 = arith.select %eq3A_182, %get3A_181, %broadcast_in_dim3A_189 : vector<16xi1>, vector<16xf32>
      %add3A_191 = arith.addf %scan3A_144, %select_n3A_190 : vector<16xf32>
      %mul3A_192 = arith.constant 128 : i32
      %mul3A_193 = arith.muli %scan3A_138, %mul3A_192 : i32
      %add3A_194 = arith.constant 32 : i32
      %add3A_195 = arith.addi %mul3A_193, %add3A_194 : i32
      %get3A_196 = arith.index_cast %add3A_195 : i32 to index
      %get3A_197 = tpu.vector_load %arg9[%get3A_196] {strides = array<i32>} : memref<16384xf32, #tpu.memory_space<vmem>>, vector<16xf32>,
      %get3A_198 = vector.shape_cast %get3A_197 : vector<16xf32> to vector<16xf32>
      %get3A_199 = arith.index_cast %scan3A_138 : i32 to index
      %get3A_200 = arith.constant 32 : index
      %get3A_201 = tpu.vector_load %arg12[%get3A_199, %get3A_200] {strides = array<i32>} : memref<128x128xf32, #tpu.memory_space<vmem>>, vector<1x16xf32>,
      %get3A_202 = vector.shape_cast %get3A_201 : vector<1x16xf32> to vector<16xf32>
      %get3A_203 = arith.index_cast %scan3A_138 : i32 to index
      %get3A_204 = arith.constant 32 : index
      %get3A_205 = tpu.vector_load %arg7[%get3A_203, %get3A_204] {strides = array<i32>} : memref<128x128xf32, #tpu.memory_space<vmem>>, vector<1x16xf32>,
      %get3A_206 = vector.shape_cast %get3A_205 : vector<1x16xf32> to vector<16xf32>
      %eq3A_207 = arith.cmpf oeq, %get3A_198, %get3A_198 : vector<16xf32>
      %select_n3A_208 = arith.select %eq3A_207, %get3A_198, %get3A_202 : vector<16xi1>, vector<16xf32>
      %sub3A_209 = arith.subf %select_n3A_208, %get3A_202 : vector<16xf32>
      %mul3A_210 = arith.mulf %sub3A_209, %get3A_206 : vector<16xf32>
      %mul3A_211 = arith.mulf %mul3A_210, %sub3A_209 : vector<16xf32>
      %add3A_212 = arith.addf %scan3A_141, %mul3A_211 : vector<16xf32>
      %jit3A_213 = arith.constant 0.000000e+00 : f32
      %broadcast_in_dim3A_214 = vector.broadcast %jit3A_213 : f32 to vector<16xf32>
      %select_n3A_215 = arith.select %eq3A_207, %get3A_206, %broadcast_in_dim3A_214 : vector<16xi1>, vector<16xf32>
      %add3A_216 = arith.addf %scan3A_145, %select_n3A_215 : vector<16xf32>
      %mul3A_217 = arith.constant 128 : i32
      %mul3A_218 = arith.muli %scan3A_138, %mul3A_217 : i32
      %add3A_219 = arith.constant 48 : i32
      %add3A_220 = arith.addi %mul3A_218, %add3A_219 : i32
      %get3A_221 = arith.index_cast %add3A_220 : i32 to index
      %get3A_222 = tpu.vector_load %arg9[%get3A_221] {strides = array<i32>} : memref<16384xf32, #tpu.memory_space<vmem>>, vector<16xf32>,
      %get3A_223 = vector.shape_cast %get3A_222 : vector<16xf32> to vector<16xf32>
      %get3A_224 = arith.index_cast %scan3A_138 : i32 to index
      %get3A_225 = arith.constant 48 : index
      %get3A_226 = tpu.vector_load %arg12[%get3A_224, %get3A_225] {strides = array<i32>} : memref<128x128xf32, #tpu.memory_space<vmem>>, vector<1x16xf32>,
      %get3A_227 = vector.shape_cast %get3A_226 : vector<1x16xf32> to vector<16xf32>
      %get3A_228 = arith.index_cast %scan3A_138 : i32 to index
      %get3A_229 = arith.constant 48 : index
      %get3A_230 = tpu.vector_load %arg7[%get3A_228, %get3A_229] {strides = array<i32>} : memref<128x128xf32, #tpu.memory_space<vmem>>, vector<1x16xf32>,
      %get3A_231 = vector.shape_cast %get3A_230 : vector<1x16xf32> to vector<16xf32>
      %eq3A_232 = arith.cmpf oeq, %get3A_223, %get3A_223 : vector<16xf32>
      %select_n3A_233 = arith.select %eq3A_232, %get3A_223, %get3A_227 : vector<16xi1>, vector<16xf32>
      %sub3A_234 = arith.subf %select_n3A_233, %get3A_227 : vector<16xf32>
      %mul3A_235 = arith.mulf %sub3A_234, %get3A_231 : vector<16xf32>
      %mul3A_236 = arith.mulf %mul3A_235, %sub3A_234 : vector<16xf32>
      %add3A_237 = arith.addf %scan3A_142, %mul3A_236 : vector<16xf32>
      %jit3A_238 = arith.constant 0.000000e+00 : f32
      %broadcast_in_dim3A_239 = vector.broadcast %jit3A_238 : f32 to vector<16xf32>
      %select_n3A_240 = arith.select %eq3A_232, %get3A_231, %broadcast_in_dim3A_239 : vector<16xi1>, vector<16xf32>
      %add3A_241 = arith.addf %scan3A_146, %select_n3A_240 : vector<16xf32>
      %mul3A_242 = arith.constant 128 : i32
      %mul3A_243 = arith.muli %scan3A_138, %mul3A_242 : i32
      %add3A_244 = arith.constant 64 : i32
      %add3A_245 = arith.addi %mul3A_243, %add3A_244 : i32
      %get3A_246 = arith.index_cast %add3A_245 : i32 to index
      %get3A_247 = tpu.vector_load %arg9[%get3A_246] {strides = array<i32>} : memref<16384xf32, #tpu.memory_space<vmem>>, vector<16xf32>,
      %get3A_248 = vector.shape_cast %get3A_247 : vector<16xf32> to vector<16xf32>
      %get3A_249 = arith.index_cast %scan3A_138 : i32 to index
      %get3A_250 = arith.constant 64 : index
      %get3A_251 = tpu.vector_load %arg12[%get3A_249, %get3A_250] {strides = array<i32>} : memref<128x128xf32, #tpu.memory_space<vmem>>, vector<1x16xf32>,
      %get3A_252 = vector.shape_cast %get3A_251 : vector<1x16xf32> to vector<16xf32>
      %get3A_253 = arith.index_cast %scan3A_138 : i32 to index
      %get3A_254 = arith.constant 64 : index
      %get3A_255 = tpu.vector_load %arg7[%get3A_253, %get3A_254] {strides = array<i32>} : memref<128x128xf32, #tpu.memory_space<vmem>>, vector<1x16xf32>,
      %get3A_256 = vector.shape_cast %get3A_255 : vector<1x16xf32> to vector<16xf32>
      %eq3A_257 = arith.cmpf oeq, %get3A_248, %get3A_248 : vector<16xf32>
      %select_n3A_258 = arith.select %eq3A_257, %get3A_248, %get3A_252 : vector<16xi1>, vector<16xf32>
      %sub3A_259 = arith.subf %select_n3A_258, %get3A_252 : vector<16xf32>
      %mul3A_260 = arith.mulf %sub3A_259, %get3A_256 : vector<16xf32>
      %mul3A_261 = arith.mulf %mul3A_260, %sub3A_259 : vector<16xf32>
      %add3A_262 = arith.addf %add3A_163, %mul3A_261 : vector<16xf32>
      %jit3A_263 = arith.constant 0.000000e+00 : f32
      %broadcast_in_dim3A_264 = vector.broadcast %jit3A_263 : f32 to vector<16xf32>
      %select_n3A_265 = arith.select %eq3A_257, %get3A_256, %broadcast_in_dim3A_264 : vector<16xi1>, vector<16xf32>
      %add3A_266 = arith.addf %add3A_166, %select_n3A_265 : vector<16xf32>
      %mul3A_267 = arith.constant 128 : i32
      %mul3A_268 = arith.muli %scan3A_138, %mul3A_267 : i32
      %add3A_269 = arith.constant 80 : i32
      %add3A_270 = arith.addi %mul3A_268, %add3A_269 : i32
      %get3A_271 = arith.index_cast %add3A_270 : i32 to index
      %get3A_272 = tpu.vector_load %arg9[%get3A_271] {strides = array<i32>} : memref<16384xf32, #tpu.memory_space<vmem>>, vector<16xf32>,
      %get3A_273 = vector.shape_cast %get3A_272 : vector<16xf32> to vector<16xf32>
      %get3A_274 = arith.index_cast %scan3A_138 : i32 to index
      %get3A_275 = arith.constant 80 : index
      %get3A_276 = tpu.vector_load %arg12[%get3A_274, %get3A_275] {strides = array<i32>} : memref<128x128xf32, #tpu.memory_space<vmem>>, vector<1x16xf32>,
      %get3A_277 = vector.shape_cast %get3A_276 : vector<1x16xf32> to vector<16xf32>
      %get3A_278 = arith.index_cast %scan3A_138 : i32 to index
      %get3A_279 = arith.constant 80 : index
      %get3A_280 = tpu.vector_load %arg7[%get3A_278, %get3A_279] {strides = array<i32>} : memref<128x128xf32, #tpu.memory_space<vmem>>, vector<1x16xf32>,
      %get3A_281 = vector.shape_cast %get3A_280 : vector<1x16xf32> to vector<16xf32>
      %eq3A_282 = arith.cmpf oeq, %get3A_273, %get3A_273 : vector<16xf32>
      %select_n3A_283 = arith.select %eq3A_282, %get3A_273, %get3A_277 : vector<16xi1>, vector<16xf32>
      %sub3A_284 = arith.subf %select_n3A_283, %get3A_277 : vector<16xf32>
      %mul3A_285 = arith.mulf %sub3A_284, %get3A_281 : vector<16xf32>
      %mul3A_286 = arith.mulf %mul3A_285, %sub3A_284 : vector<16xf32>
      %add3A_287 = arith.addf %add3A_187, %mul3A_286 : vector<16xf32>
      %jit3A_288 = arith.constant 0.000000e+00 : f32
      %broadcast_in_dim3A_289 = vector.broadcast %jit3A_288 : f32 to vector<16xf32>
      %select_n3A_290 = arith.select %eq3A_282, %get3A_281, %broadcast_in_dim3A_289 : vector<16xi1>, vector<16xf32>
      %add3A_291 = arith.addf %add3A_191, %select_n3A_290 : vector<16xf32>
      %mul3A_292 = arith.constant 128 : i32
      %mul3A_293 = arith.muli %scan3A_138, %mul3A_292 : i32
      %add3A_294 = arith.constant 96 : i32
      %add3A_295 = arith.addi %mul3A_293, %add3A_294 : i32
      %get3A_296 = arith.index_cast %add3A_295 : i32 to index
      %get3A_297 = tpu.vector_load %arg9[%get3A_296] {strides = array<i32>} : memref<16384xf32, #tpu.memory_space<vmem>>, vector<16xf32>,
      %get3A_298 = vector.shape_cast %get3A_297 : vector<16xf32> to vector<16xf32>
      %get3A_299 = arith.index_cast %scan3A_138 : i32 to index
      %get3A_300 = arith.constant 96 : index
      %get3A_301 = tpu.vector_load %arg12[%get3A_299, %get3A_300] {strides = array<i32>} : memref<128x128xf32, #tpu.memory_space<vmem>>, vector<1x16xf32>,
      %get3A_302 = vector.shape_cast %get3A_301 : vector<1x16xf32> to vector<16xf32>
      %get3A_303 = arith.index_cast %scan3A_138 : i32 to index
      %get3A_304 = arith.constant 96 : index
      %get3A_305 = tpu.vector_load %arg7[%get3A_303, %get3A_304] {strides = array<i32>} : memref<128x128xf32, #tpu.memory_space<vmem>>, vector<1x16xf32>,
      %get3A_306 = vector.shape_cast %get3A_305 : vector<1x16xf32> to vector<16xf32>
      %eq3A_307 = arith.cmpf oeq, %get3A_298, %get3A_298 : vector<16xf32>
      %select_n3A_308 = arith.select %eq3A_307, %get3A_298, %get3A_302 : vector<16xi1>, vector<16xf32>
      %sub3A_309 = arith.subf %select_n3A_308, %get3A_302 : vector<16xf32>
      %mul3A_310 = arith.mulf %sub3A_309, %get3A_306 : vector<16xf32>
      %mul3A_311 = arith.mulf %mul3A_310, %sub3A_309 : vector<16xf32>
      %add3A_312 = arith.addf %add3A_212, %mul3A_311 : vector<16xf32>
      %jit3A_313 = arith.constant 0.000000e+00 : f32
      %broadcast_in_dim3A_314 = vector.broadcast %jit3A_313 : f32 to vector<16xf32>
      %select_n3A_315 = arith.select %eq3A_307, %get3A_306, %broadcast_in_dim3A_314 : vector<16xi1>, vector<16xf32>
      %add3A_316 = arith.addf %add3A_216, %select_n3A_315 : vector<16xf32>
      %mul3A_317 = arith.constant 128 : i32
      %mul3A_318 = arith.muli %scan3A_138, %mul3A_317 : i32
      %add3A_319 = arith.constant 112 : i32
      %add3A_320 = arith.addi %mul3A_318, %add3A_319 : i32
      %get3A_321 = arith.index_cast %add3A_320 : i32 to index
      %get3A_322 = tpu.vector_load %arg9[%get3A_321] {strides = array<i32>} : memref<16384xf32, #tpu.memory_space<vmem>>, vector<16xf32>,
      %get3A_323 = vector.shape_cast %get3A_322 : vector<16xf32> to vector<16xf32>
      %get3A_324 = arith.index_cast %scan3A_138 : i32 to index
      %get3A_325 = arith.constant 112 : index
      %get3A_326 = tpu.vector_load %arg12[%get3A_324, %get3A_325] {strides = array<i32>} : memref<128x128xf32, #tpu.memory_space<vmem>>, vector<1x16xf32>,
      %get3A_327 = vector.shape_cast %get3A_326 : vector<1x16xf32> to vector<16xf32>
      %get3A_328 = arith.index_cast %scan3A_138 : i32 to index
      %get3A_329 = arith.constant 112 : index
      %get3A_330 = tpu.vector_load %arg7[%get3A_328, %get3A_329] {strides = array<i32>} : memref<128x128xf32, #tpu.memory_space<vmem>>, vector<1x16xf32>,
      %get3A_331 = vector.shape_cast %get3A_330 : vector<1x16xf32> to vector<16xf32>
      %eq3A_332 = arith.cmpf oeq, %get3A_323, %get3A_323 : vector<16xf32>
      %select_n3A_333 = arith.select %eq3A_332, %get3A_323, %get3A_327 : vector<16xi1>, vector<16xf32>
      %sub3A_334 = arith.subf %select_n3A_333, %get3A_327 : vector<16xf32>
      %mul3A_335 = arith.mulf %sub3A_334, %get3A_331 : vector<16xf32>
      %mul3A_336 = arith.mulf %mul3A_335, %sub3A_334 : vector<16xf32>
      %add3A_337 = arith.addf %add3A_237, %mul3A_336 : vector<16xf32>
      %jit3A_338 = arith.constant 0.000000e+00 : f32
      %broadcast_in_dim3A_339 = vector.broadcast %jit3A_338 : f32 to vector<16xf32>
      %select_n3A_340 = arith.select %eq3A_332, %get3A_331, %broadcast_in_dim3A_339 : vector<16xi1>, vector<16xf32>
      %add3A_341 = arith.addf %add3A_241, %select_n3A_340 : vector<16xf32>
      scf.yield %add3A_262, %add3A_287, %add3A_312, %add3A_337, %add3A_266, %add3A_291, %add3A_316, %add3A_341 : vector<16xf32>, vector<16xf32>, vector<16xf32>, vector<16xf32>, vector<16xf32>, vector<16xf32>, vector<16xf32>, vector<16xf32>
    }
    %scan3A_104 = arith.constant 128 : i32
    %dma_wait3A_105 = arith.constant 0 : i32
    %dma_wait3A_106 = tpu.memref_slice %arg2[%arg1, %mul3A_0, %dma_wait3A_105] : memref<16x90x16384xf32, #tpu.memory_space<hbm>> -> memref<1x1x16384xf32, #tpu.memory_space<hbm>>
    %dma_wait3A_107 = tpu.memref_squeeze %dma_wait3A_106 : memref<1x1x16384xf32, #tpu.memory_space<hbm>> -> memref<16384xf32, #tpu.memory_space<hbm>>
    %dma_wait3A_108 = arith.constant 0 : i32
    %dma_wait3A_109 = tpu.memref_slice %arg2[%arg1, %mul3A_0, %dma_wait3A_108] : memref<16x90x16384xf32, #tpu.memory_space<hbm>> -> memref<1x1x16384xf32, #tpu.memory_space<hbm>>
    %dma_wait3A_110 = tpu.memref_squeeze %dma_wait3A_109 : memref<1x1x16384xf32, #tpu.memory_space<hbm>> -> memref<16384xf32, #tpu.memory_space<hbm>>
    tpu.wait_dma2 semaphore(%arg17 : memref<!tpu.dma_semaphore, #tpu.memory_space<semaphore_mem>>) src(%dma_wait3A_110 : memref<16384xf32, #tpu.memory_space<hbm>>) dst(%arg10 : memref<16384xf32, #tpu.memory_space<vmem>>)
    %dma_wait3A_111 = arith.constant 0 : i32
    %dma_wait3A_112 = arith.constant 0 : i32
    %dma_wait3A_113 = tpu.memref_slice %arg3[%arg1, %mul3A_0, %dma_wait3A_111, %dma_wait3A_112] : memref<16x90x128x128xf32, #tpu.memory_space<hbm>> -> memref<1x1x128x128xf32, #tpu.memory_space<hbm>>
    %dma_wait3A_114 = tpu.memref_squeeze %dma_wait3A_113 : memref<1x1x128x128xf32, #tpu.memory_space<hbm>> -> memref<128x128xf32, #tpu.memory_space<hbm>>
    %dma_wait3A_115 = arith.constant 0 : i32
    %dma_wait3A_116 = arith.constant 0 : i32
    %dma_wait3A_117 = tpu.memref_slice %arg3[%arg1, %mul3A_0, %dma_wait3A_115, %dma_wait3A_116] : memref<16x90x128x128xf32, #tpu.memory_space<hbm>> -> memref<1x1x128x128xf32, #tpu.memory_space<hbm>>
    %dma_wait3A_118 = tpu.memref_squeeze %dma_wait3A_117 : memref<1x1x128x128xf32, #tpu.memory_space<hbm>> -> memref<128x128xf32, #tpu.memory_space<hbm>>
    tpu.wait_dma2 semaphore(%arg17 : memref<!tpu.dma_semaphore, #tpu.memory_space<semaphore_mem>>) src(%dma_wait3A_118 : memref<128x128xf32, #tpu.memory_space<hbm>>) dst(%arg13 : memref<128x128xf32, #tpu.memory_space<vmem>>)
    %scan3A_119 = arith.constant 0 : i32
    %scan3A_120 = arith.constant 128 : i32
    %scan3A_121 = arith.addi %scan3A_119, %scan3A_120 : i32
    %scan3A_122 = arith.constant 1 : i32
    %scan3A_123:8 = scf.for %scan3A_138 = %scan3A_119 to %scan3A_121 step %scan3A_122 iter_args(%scan3A_139 = %scan3A_103#0, %scan3A_140 = %scan3A_103#1, %scan3A_141 = %scan3A_103#2, %scan3A_142 = %scan3A_103#3, %scan3A_143 = %scan3A_103#4, %scan3A_144 = %scan3A_103#5, %scan3A_145 = %scan3A_103#6, %scan3A_146 = %scan3A_103#7) -> (vector<16xf32>, vector<16xf32>, vector<16xf32>, vector<16xf32>, vector<16xf32>, vector<16xf32>, vector<16xf32>, vector<16xf32>)  : i32 {
      %mul3A_147 = arith.constant 128 : i32
      %mul3A_148 = arith.muli %scan3A_138, %mul3A_147 : i32
      %add3A_149 = arith.constant 0 : i32
      %add3A_150 = arith.addi %mul3A_148, %add3A_149 : i32
      %get3A = arith.index_cast %add3A_150 : i32 to index
      %get3A_151 = tpu.vector_load %arg10[%get3A] {strides = array<i32>} : memref<16384xf32, #tpu.memory_space<vmem>>, vector<16xf32>,
      %get3A_152 = vector.shape_cast %get3A_151 : vector<16xf32> to vector<16xf32>
      %get3A_153 = arith.index_cast %scan3A_138 : i32 to index
      %get3A_154 = arith.constant 0 : index
      %get3A_155 = tpu.vector_load %arg13[%get3A_153, %get3A_154] {strides = array<i32>} : memref<128x128xf32, #tpu.memory_space<vmem>>, vector<1x16xf32>,
      %get3A_156 = vector.shape_cast %get3A_155 : vector<1x16xf32> to vector<16xf32>
      %get3A_157 = arith.index_cast %scan3A_138 : i32 to index
      %get3A_158 = arith.constant 0 : index
      %get3A_159 = tpu.vector_load %arg7[%get3A_157, %get3A_158] {strides = array<i32>} : memref<128x128xf32, #tpu.memory_space<vmem>>, vector<1x16xf32>,
      %get3A_160 = vector.shape_cast %get3A_159 : vector<1x16xf32> to vector<16xf32>
      %eq3A = arith.cmpf oeq, %get3A_152, %get3A_152 : vector<16xf32>
      %select_n3A = arith.select %eq3A, %get3A_152, %get3A_156 : vector<16xi1>, vector<16xf32>
      %sub3A = arith.subf %select_n3A, %get3A_156 : vector<16xf32>
      %mul3A_161 = arith.mulf %sub3A, %get3A_160 : vector<16xf32>
      %mul3A_162 = arith.mulf %mul3A_161, %sub3A : vector<16xf32>
      %add3A_163 = arith.addf %scan3A_139, %mul3A_162 : vector<16xf32>
      %jit3A = arith.constant 0.000000e+00 : f32
      %broadcast_in_dim3A_164 = vector.broadcast %jit3A : f32 to vector<16xf32>
      %select_n3A_165 = arith.select %eq3A, %get3A_160, %broadcast_in_dim3A_164 : vector<16xi1>, vector<16xf32>
      %add3A_166 = arith.addf %scan3A_143, %select_n3A_165 : vector<16xf32>
      %mul3A_167 = arith.constant 128 : i32
      %mul3A_168 = arith.muli %scan3A_138, %mul3A_167 : i32
      %add3A_169 = arith.constant 16 : i32
      %add3A_170 = arith.addi %mul3A_168, %add3A_169 : i32
      %get3A_171 = arith.index_cast %add3A_170 : i32 to index
      %get3A_172 = tpu.vector_load %arg10[%get3A_171] {strides = array<i32>} : memref<16384xf32, #tpu.memory_space<vmem>>, vector<16xf32>,
      %get3A_173 = vector.shape_cast %get3A_172 : vector<16xf32> to vector<16xf32>
      %get3A_174 = arith.index_cast %scan3A_138 : i32 to index
      %get3A_175 = arith.constant 16 : index
      %get3A_176 = tpu.vector_load %arg13[%get3A_174, %get3A_175] {strides = array<i32>} : memref<128x128xf32, #tpu.memory_space<vmem>>, vector<1x16xf32>,
      %get3A_177 = vector.shape_cast %get3A_176 : vector<1x16xf32> to vector<16xf32>
      %get3A_178 = arith.index_cast %scan3A_138 : i32 to index
      %get3A_179 = arith.constant 16 : index
      %get3A_180 = tpu.vector_load %arg7[%get3A_178, %get3A_179] {strides = array<i32>} : memref<128x128xf32, #tpu.memory_space<vmem>>, vector<1x16xf32>,
      %get3A_181 = vector.shape_cast %get3A_180 : vector<1x16xf32> to vector<16xf32>
      %eq3A_182 = arith.cmpf oeq, %get3A_173, %get3A_173 : vector<16xf32>
      %select_n3A_183 = arith.select %eq3A_182, %get3A_173, %get3A_177 : vector<16xi1>, vector<16xf32>
      %sub3A_184 = arith.subf %select_n3A_183, %get3A_177 : vector<16xf32>
      %mul3A_185 = arith.mulf %sub3A_184, %get3A_181 : vector<16xf32>
      %mul3A_186 = arith.mulf %mul3A_185, %sub3A_184 : vector<16xf32>
      %add3A_187 = arith.addf %scan3A_140, %mul3A_186 : vector<16xf32>
      %jit3A_188 = arith.constant 0.000000e+00 : f32
      %broadcast_in_dim3A_189 = vector.broadcast %jit3A_188 : f32 to vector<16xf32>
      %select_n3A_190 = arith.select %eq3A_182, %get3A_181, %broadcast_in_dim3A_189 : vector<16xi1>, vector<16xf32>
      %add3A_191 = arith.addf %scan3A_144, %select_n3A_190 : vector<16xf32>
      %mul3A_192 = arith.constant 128 : i32
      %mul3A_193 = arith.muli %scan3A_138, %mul3A_192 : i32
      %add3A_194 = arith.constant 32 : i32
      %add3A_195 = arith.addi %mul3A_193, %add3A_194 : i32
      %get3A_196 = arith.index_cast %add3A_195 : i32 to index
      %get3A_197 = tpu.vector_load %arg10[%get3A_196] {strides = array<i32>} : memref<16384xf32, #tpu.memory_space<vmem>>, vector<16xf32>,
      %get3A_198 = vector.shape_cast %get3A_197 : vector<16xf32> to vector<16xf32>
      %get3A_199 = arith.index_cast %scan3A_138 : i32 to index
      %get3A_200 = arith.constant 32 : index
      %get3A_201 = tpu.vector_load %arg13[%get3A_199, %get3A_200] {strides = array<i32>} : memref<128x128xf32, #tpu.memory_space<vmem>>, vector<1x16xf32>,
      %get3A_202 = vector.shape_cast %get3A_201 : vector<1x16xf32> to vector<16xf32>
      %get3A_203 = arith.index_cast %scan3A_138 : i32 to index
      %get3A_204 = arith.constant 32 : index
      %get3A_205 = tpu.vector_load %arg7[%get3A_203, %get3A_204] {strides = array<i32>} : memref<128x128xf32, #tpu.memory_space<vmem>>, vector<1x16xf32>,
      %get3A_206 = vector.shape_cast %get3A_205 : vector<1x16xf32> to vector<16xf32>
      %eq3A_207 = arith.cmpf oeq, %get3A_198, %get3A_198 : vector<16xf32>
      %select_n3A_208 = arith.select %eq3A_207, %get3A_198, %get3A_202 : vector<16xi1>, vector<16xf32>
      %sub3A_209 = arith.subf %select_n3A_208, %get3A_202 : vector<16xf32>
      %mul3A_210 = arith.mulf %sub3A_209, %get3A_206 : vector<16xf32>
      %mul3A_211 = arith.mulf %mul3A_210, %sub3A_209 : vector<16xf32>
      %add3A_212 = arith.addf %scan3A_141, %mul3A_211 : vector<16xf32>
      %jit3A_213 = arith.constant 0.000000e+00 : f32
      %broadcast_in_dim3A_214 = vector.broadcast %jit3A_213 : f32 to vector<16xf32>
      %select_n3A_215 = arith.select %eq3A_207, %get3A_206, %broadcast_in_dim3A_214 : vector<16xi1>, vector<16xf32>
      %add3A_216 = arith.addf %scan3A_145, %select_n3A_215 : vector<16xf32>
      %mul3A_217 = arith.constant 128 : i32
      %mul3A_218 = arith.muli %scan3A_138, %mul3A_217 : i32
      %add3A_219 = arith.constant 48 : i32
      %add3A_220 = arith.addi %mul3A_218, %add3A_219 : i32
      %get3A_221 = arith.index_cast %add3A_220 : i32 to index
      %get3A_222 = tpu.vector_load %arg10[%get3A_221] {strides = array<i32>} : memref<16384xf32, #tpu.memory_space<vmem>>, vector<16xf32>,
      %get3A_223 = vector.shape_cast %get3A_222 : vector<16xf32> to vector<16xf32>
      %get3A_224 = arith.index_cast %scan3A_138 : i32 to index
      %get3A_225 = arith.constant 48 : index
      %get3A_226 = tpu.vector_load %arg13[%get3A_224, %get3A_225] {strides = array<i32>} : memref<128x128xf32, #tpu.memory_space<vmem>>, vector<1x16xf32>,
      %get3A_227 = vector.shape_cast %get3A_226 : vector<1x16xf32> to vector<16xf32>
      %get3A_228 = arith.index_cast %scan3A_138 : i32 to index
      %get3A_229 = arith.constant 48 : index
      %get3A_230 = tpu.vector_load %arg7[%get3A_228, %get3A_229] {strides = array<i32>} : memref<128x128xf32, #tpu.memory_space<vmem>>, vector<1x16xf32>,
      %get3A_231 = vector.shape_cast %get3A_230 : vector<1x16xf32> to vector<16xf32>
      %eq3A_232 = arith.cmpf oeq, %get3A_223, %get3A_223 : vector<16xf32>
      %select_n3A_233 = arith.select %eq3A_232, %get3A_223, %get3A_227 : vector<16xi1>, vector<16xf32>
      %sub3A_234 = arith.subf %select_n3A_233, %get3A_227 : vector<16xf32>
      %mul3A_235 = arith.mulf %sub3A_234, %get3A_231 : vector<16xf32>
      %mul3A_236 = arith.mulf %mul3A_235, %sub3A_234 : vector<16xf32>
      %add3A_237 = arith.addf %scan3A_142, %mul3A_236 : vector<16xf32>
      %jit3A_238 = arith.constant 0.000000e+00 : f32
      %broadcast_in_dim3A_239 = vector.broadcast %jit3A_238 : f32 to vector<16xf32>
      %select_n3A_240 = arith.select %eq3A_232, %get3A_231, %broadcast_in_dim3A_239 : vector<16xi1>, vector<16xf32>
      %add3A_241 = arith.addf %scan3A_146, %select_n3A_240 : vector<16xf32>
      %mul3A_242 = arith.constant 128 : i32
      %mul3A_243 = arith.muli %scan3A_138, %mul3A_242 : i32
      %add3A_244 = arith.constant 64 : i32
      %add3A_245 = arith.addi %mul3A_243, %add3A_244 : i32
      %get3A_246 = arith.index_cast %add3A_245 : i32 to index
      %get3A_247 = tpu.vector_load %arg10[%get3A_246] {strides = array<i32>} : memref<16384xf32, #tpu.memory_space<vmem>>, vector<16xf32>,
      %get3A_248 = vector.shape_cast %get3A_247 : vector<16xf32> to vector<16xf32>
      %get3A_249 = arith.index_cast %scan3A_138 : i32 to index
      %get3A_250 = arith.constant 64 : index
      %get3A_251 = tpu.vector_load %arg13[%get3A_249, %get3A_250] {strides = array<i32>} : memref<128x128xf32, #tpu.memory_space<vmem>>, vector<1x16xf32>,
      %get3A_252 = vector.shape_cast %get3A_251 : vector<1x16xf32> to vector<16xf32>
      %get3A_253 = arith.index_cast %scan3A_138 : i32 to index
      %get3A_254 = arith.constant 64 : index
      %get3A_255 = tpu.vector_load %arg7[%get3A_253, %get3A_254] {strides = array<i32>} : memref<128x128xf32, #tpu.memory_space<vmem>>, vector<1x16xf32>,
      %get3A_256 = vector.shape_cast %get3A_255 : vector<1x16xf32> to vector<16xf32>
      %eq3A_257 = arith.cmpf oeq, %get3A_248, %get3A_248 : vector<16xf32>
      %select_n3A_258 = arith.select %eq3A_257, %get3A_248, %get3A_252 : vector<16xi1>, vector<16xf32>
      %sub3A_259 = arith.subf %select_n3A_258, %get3A_252 : vector<16xf32>
      %mul3A_260 = arith.mulf %sub3A_259, %get3A_256 : vector<16xf32>
      %mul3A_261 = arith.mulf %mul3A_260, %sub3A_259 : vector<16xf32>
      %add3A_262 = arith.addf %add3A_163, %mul3A_261 : vector<16xf32>
      %jit3A_263 = arith.constant 0.000000e+00 : f32
      %broadcast_in_dim3A_264 = vector.broadcast %jit3A_263 : f32 to vector<16xf32>
      %select_n3A_265 = arith.select %eq3A_257, %get3A_256, %broadcast_in_dim3A_264 : vector<16xi1>, vector<16xf32>
      %add3A_266 = arith.addf %add3A_166, %select_n3A_265 : vector<16xf32>
      %mul3A_267 = arith.constant 128 : i32
      %mul3A_268 = arith.muli %scan3A_138, %mul3A_267 : i32
      %add3A_269 = arith.constant 80 : i32
      %add3A_270 = arith.addi %mul3A_268, %add3A_269 : i32
      %get3A_271 = arith.index_cast %add3A_270 : i32 to index
      %get3A_272 = tpu.vector_load %arg10[%get3A_271] {strides = array<i32>} : memref<16384xf32, #tpu.memory_space<vmem>>, vector<16xf32>,
      %get3A_273 = vector.shape_cast %get3A_272 : vector<16xf32> to vector<16xf32>
      %get3A_274 = arith.index_cast %scan3A_138 : i32 to index
      %get3A_275 = arith.constant 80 : index
      %get3A_276 = tpu.vector_load %arg13[%get3A_274, %get3A_275] {strides = array<i32>} : memref<128x128xf32, #tpu.memory_space<vmem>>, vector<1x16xf32>,
      %get3A_277 = vector.shape_cast %get3A_276 : vector<1x16xf32> to vector<16xf32>
      %get3A_278 = arith.index_cast %scan3A_138 : i32 to index
      %get3A_279 = arith.constant 80 : index
      %get3A_280 = tpu.vector_load %arg7[%get3A_278, %get3A_279] {strides = array<i32>} : memref<128x128xf32, #tpu.memory_space<vmem>>, vector<1x16xf32>,
      %get3A_281 = vector.shape_cast %get3A_280 : vector<1x16xf32> to vector<16xf32>
      %eq3A_282 = arith.cmpf oeq, %get3A_273, %get3A_273 : vector<16xf32>
      %select_n3A_283 = arith.select %eq3A_282, %get3A_273, %get3A_277 : vector<16xi1>, vector<16xf32>
      %sub3A_284 = arith.subf %select_n3A_283, %get3A_277 : vector<16xf32>
      %mul3A_285 = arith.mulf %sub3A_284, %get3A_281 : vector<16xf32>
      %mul3A_286 = arith.mulf %mul3A_285, %sub3A_284 : vector<16xf32>
      %add3A_287 = arith.addf %add3A_187, %mul3A_286 : vector<16xf32>
      %jit3A_288 = arith.constant 0.000000e+00 : f32
      %broadcast_in_dim3A_289 = vector.broadcast %jit3A_288 : f32 to vector<16xf32>
      %select_n3A_290 = arith.select %eq3A_282, %get3A_281, %broadcast_in_dim3A_289 : vector<16xi1>, vector<16xf32>
      %add3A_291 = arith.addf %add3A_191, %select_n3A_290 : vector<16xf32>
      %mul3A_292 = arith.constant 128 : i32
      %mul3A_293 = arith.muli %scan3A_138, %mul3A_292 : i32
      %add3A_294 = arith.constant 96 : i32
      %add3A_295 = arith.addi %mul3A_293, %add3A_294 : i32
      %get3A_296 = arith.index_cast %add3A_295 : i32 to index
      %get3A_297 = tpu.vector_load %arg10[%get3A_296] {strides = array<i32>} : memref<16384xf32, #tpu.memory_space<vmem>>, vector<16xf32>,
      %get3A_298 = vector.shape_cast %get3A_297 : vector<16xf32> to vector<16xf32>
      %get3A_299 = arith.index_cast %scan3A_138 : i32 to index
      %get3A_300 = arith.constant 96 : index
      %get3A_301 = tpu.vector_load %arg13[%get3A_299, %get3A_300] {strides = array<i32>} : memref<128x128xf32, #tpu.memory_space<vmem>>, vector<1x16xf32>,
      %get3A_302 = vector.shape_cast %get3A_301 : vector<1x16xf32> to vector<16xf32>
      %get3A_303 = arith.index_cast %scan3A_138 : i32 to index
      %get3A_304 = arith.constant 96 : index
      %get3A_305 = tpu.vector_load %arg7[%get3A_303, %get3A_304] {strides = array<i32>} : memref<128x128xf32, #tpu.memory_space<vmem>>, vector<1x16xf32>,
      %get3A_306 = vector.shape_cast %get3A_305 : vector<1x16xf32> to vector<16xf32>
      %eq3A_307 = arith.cmpf oeq, %get3A_298, %get3A_298 : vector<16xf32>
      %select_n3A_308 = arith.select %eq3A_307, %get3A_298, %get3A_302 : vector<16xi1>, vector<16xf32>
      %sub3A_309 = arith.subf %select_n3A_308, %get3A_302 : vector<16xf32>
      %mul3A_310 = arith.mulf %sub3A_309, %get3A_306 : vector<16xf32>
      %mul3A_311 = arith.mulf %mul3A_310, %sub3A_309 : vector<16xf32>
      %add3A_312 = arith.addf %add3A_212, %mul3A_311 : vector<16xf32>
      %jit3A_313 = arith.constant 0.000000e+00 : f32
      %broadcast_in_dim3A_314 = vector.broadcast %jit3A_313 : f32 to vector<16xf32>
      %select_n3A_315 = arith.select %eq3A_307, %get3A_306, %broadcast_in_dim3A_314 : vector<16xi1>, vector<16xf32>
      %add3A_316 = arith.addf %add3A_216, %select_n3A_315 : vector<16xf32>
      %mul3A_317 = arith.constant 128 : i32
      %mul3A_318 = arith.muli %scan3A_138, %mul3A_317 : i32
      %add3A_319 = arith.constant 112 : i32
      %add3A_320 = arith.addi %mul3A_318, %add3A_319 : i32
      %get3A_321 = arith.index_cast %add3A_320 : i32 to index
      %get3A_322 = tpu.vector_load %arg10[%get3A_321] {strides = array<i32>} : memref<16384xf32, #tpu.memory_space<vmem>>, vector<16xf32>,
      %get3A_323 = vector.shape_cast %get3A_322 : vector<16xf32> to vector<16xf32>
      %get3A_324 = arith.index_cast %scan3A_138 : i32 to index
      %get3A_325 = arith.constant 112 : index
      %get3A_326 = tpu.vector_load %arg13[%get3A_324, %get3A_325] {strides = array<i32>} : memref<128x128xf32, #tpu.memory_space<vmem>>, vector<1x16xf32>,
      %get3A_327 = vector.shape_cast %get3A_326 : vector<1x16xf32> to vector<16xf32>
      %get3A_328 = arith.index_cast %scan3A_138 : i32 to index
      %get3A_329 = arith.constant 112 : index
      %get3A_330 = tpu.vector_load %arg7[%get3A_328, %get3A_329] {strides = array<i32>} : memref<128x128xf32, #tpu.memory_space<vmem>>, vector<1x16xf32>,
      %get3A_331 = vector.shape_cast %get3A_330 : vector<1x16xf32> to vector<16xf32>
      %eq3A_332 = arith.cmpf oeq, %get3A_323, %get3A_323 : vector<16xf32>
      %select_n3A_333 = arith.select %eq3A_332, %get3A_323, %get3A_327 : vector<16xi1>, vector<16xf32>
      %sub3A_334 = arith.subf %select_n3A_333, %get3A_327 : vector<16xf32>
      %mul3A_335 = arith.mulf %sub3A_334, %get3A_331 : vector<16xf32>
      %mul3A_336 = arith.mulf %mul3A_335, %sub3A_334 : vector<16xf32>
      %add3A_337 = arith.addf %add3A_237, %mul3A_336 : vector<16xf32>
      %jit3A_338 = arith.constant 0.000000e+00 : f32
      %broadcast_in_dim3A_339 = vector.broadcast %jit3A_338 : f32 to vector<16xf32>
      %select_n3A_340 = arith.select %eq3A_332, %get3A_331, %broadcast_in_dim3A_339 : vector<16xi1>, vector<16xf32>
      %add3A_341 = arith.addf %add3A_241, %select_n3A_340 : vector<16xf32>
      scf.yield %add3A_262, %add3A_287, %add3A_312, %add3A_337, %add3A_266, %add3A_291, %add3A_316, %add3A_341 : vector<16xf32>, vector<16xf32>, vector<16xf32>, vector<16xf32>, vector<16xf32>, vector<16xf32>, vector<16xf32>, vector<16xf32>
    }
    %scan3A_124 = arith.constant 128 : i32
    %add3A_125 = arith.addf %scan3A_123#0, %scan3A_123#1 : vector<16xf32>
    %add3A_126 = arith.addf %scan3A_123#2, %scan3A_123#3 : vector<16xf32>
    %add3A_127 = arith.addf %add3A_125, %add3A_126 : vector<16xf32>
    %swap3A = arith.constant 0 : index
    %swap3A_128 = tpu.vector_load %arg14[%swap3A] {strides = array<i32>} : memref<16xf32, #tpu.memory_space<vmem>>, vector<16xf32>,
    %swap3A_129 = vector.shape_cast %swap3A_128 : vector<16xf32> to vector<16xf32>
    %swap3A_130 = vector.shape_cast %add3A_127 : vector<16xf32> to vector<16xf32>
    tpu.vector_store %arg14[%swap3A], %swap3A_130 {strides = array<i32>} : memref<16xf32, #tpu.memory_space<vmem>>, vector<16xf32>,
    "tpu.region"() ({
      %run_scoped3A = tpu.sem_alloc : memref<!tpu.dma_semaphore, #tpu.memory_space<semaphore_mem>>
      %dma_start3A_138 = arith.constant 0 : i32
      %dma_start3A_139 = tpu.memref_slice %arg5[%arg0, %arg1, %dma_start3A_138] : memref<2x16x16xf32, #tpu.memory_space<hbm>> -> memref<1x1x16xf32, #tpu.memory_space<hbm>>
      %dma_start3A_140 = tpu.memref_squeeze %dma_start3A_139 : memref<1x1x16xf32, #tpu.memory_space<hbm>> -> memref<16xf32, #tpu.memory_space<hbm>>
      %dma_start3A_141 = arith.constant 0 : i32
      %dma_start3A_142 = tpu.memref_slice %arg5[%arg0, %arg1, %dma_start3A_141] : memref<2x16x16xf32, #tpu.memory_space<hbm>> -> memref<1x1x16xf32, #tpu.memory_space<hbm>>
      %dma_start3A_143 = tpu.memref_squeeze %dma_start3A_142 : memref<1x1x16xf32, #tpu.memory_space<hbm>> -> memref<16xf32, #tpu.memory_space<hbm>>
      tpu.enqueue_dma source(%arg14 : memref<16xf32, #tpu.memory_space<vmem>>) target(%dma_start3A_143 : memref<16xf32, #tpu.memory_space<hbm>>) target_semaphore(%run_scoped3A : memref<!tpu.dma_semaphore, #tpu.memory_space<semaphore_mem>>)
      %dma_wait3A_144 = arith.constant 0 : i32
      %dma_wait3A_145 = tpu.memref_slice %arg5[%arg0, %arg1, %dma_wait3A_144] : memref<2x16x16xf32, #tpu.memory_space<hbm>> -> memref<1x1x16xf32, #tpu.memory_space<hbm>>
      %dma_wait3A_146 = tpu.memref_squeeze %dma_wait3A_145 : memref<1x1x16xf32, #tpu.memory_space<hbm>> -> memref<16xf32, #tpu.memory_space<hbm>>
      %dma_wait3A_147 = arith.constant 0 : i32
      %dma_wait3A_148 = tpu.memref_slice %arg5[%arg0, %arg1, %dma_wait3A_147] : memref<2x16x16xf32, #tpu.memory_space<hbm>> -> memref<1x1x16xf32, #tpu.memory_space<hbm>>
      %dma_wait3A_149 = tpu.memref_squeeze %dma_wait3A_148 : memref<1x1x16xf32, #tpu.memory_space<hbm>> -> memref<16xf32, #tpu.memory_space<hbm>>
      tpu.wait_dma2 semaphore(%run_scoped3A : memref<!tpu.dma_semaphore, #tpu.memory_space<semaphore_mem>>) src(%arg14 : memref<16xf32, #tpu.memory_space<vmem>>) dst(%dma_wait3A_149 : memref<16xf32, #tpu.memory_space<hbm>>)
      tpu.yield
    }) : () -> ()
    %add3A_131 = arith.addf %scan3A_123#4, %scan3A_123#5 : vector<16xf32>
    %add3A_132 = arith.addf %scan3A_123#6, %scan3A_123#7 : vector<16xf32>
    %add3A_133 = arith.addf %add3A_131, %add3A_132 : vector<16xf32>
    %swap3A_134 = arith.constant 0 : index
    %swap3A_135 = tpu.vector_load %arg14[%swap3A_134] {strides = array<i32>} : memref<16xf32, #tpu.memory_space<vmem>>, vector<16xf32>,
    %swap3A_136 = vector.shape_cast %swap3A_135 : vector<16xf32> to vector<16xf32>
    %swap3A_137 = vector.shape_cast %add3A_133 : vector<16xf32> to vector<16xf32>
    tpu.vector_store %arg14[%swap3A_134], %swap3A_137 {strides = array<i32>} : memref<16xf32, #tpu.memory_space<vmem>>, vector<16xf32>,
    "tpu.region"() ({
      %run_scoped3A = tpu.sem_alloc : memref<!tpu.dma_semaphore, #tpu.memory_space<semaphore_mem>>
      %dma_start3A_138 = arith.constant 0 : i32
      %dma_start3A_139 = tpu.memref_slice %arg6[%arg0, %arg1, %dma_start3A_138] : memref<2x16x16xf32, #tpu.memory_space<hbm>> -> memref<1x1x16xf32, #tpu.memory_space<hbm>>
      %dma_start3A_140 = tpu.memref_squeeze %dma_start3A_139 : memref<1x1x16xf32, #tpu.memory_space<hbm>> -> memref<16xf32, #tpu.memory_space<hbm>>
      %dma_start3A_141 = arith.constant 0 : i32
      %dma_start3A_142 = tpu.memref_slice %arg6[%arg0, %arg1, %dma_start3A_141] : memref<2x16x16xf32, #tpu.memory_space<hbm>> -> memref<1x1x16xf32, #tpu.memory_space<hbm>>
      %dma_start3A_143 = tpu.memref_squeeze %dma_start3A_142 : memref<1x1x16xf32, #tpu.memory_space<hbm>> -> memref<16xf32, #tpu.memory_space<hbm>>
      tpu.enqueue_dma source(%arg14 : memref<16xf32, #tpu.memory_space<vmem>>) target(%dma_start3A_143 : memref<16xf32, #tpu.memory_space<hbm>>) target_semaphore(%run_scoped3A : memref<!tpu.dma_semaphore, #tpu.memory_space<semaphore_mem>>)
      %dma_wait3A_144 = arith.constant 0 : i32
      %dma_wait3A_145 = tpu.memref_slice %arg6[%arg0, %arg1, %dma_wait3A_144] : memref<2x16x16xf32, #tpu.memory_space<hbm>> -> memref<1x1x16xf32, #tpu.memory_space<hbm>>
      %dma_wait3A_146 = tpu.memref_squeeze %dma_wait3A_145 : memref<1x1x16xf32, #tpu.memory_space<hbm>> -> memref<16xf32, #tpu.memory_space<hbm>>
      %dma_wait3A_147 = arith.constant 0 : i32
      %dma_wait3A_148 = tpu.memref_slice %arg6[%arg0, %arg1, %dma_wait3A_147] : memref<2x16x16xf32, #tpu.memory_space<hbm>> -> memref<1x1x16xf32, #tpu.memory_space<hbm>>
      %dma_wait3A_149 = tpu.memref_squeeze %dma_wait3A_148 : memref<1x1x16xf32, #tpu.memory_space<hbm>> -> memref<16xf32, #tpu.memory_space<hbm>>
      tpu.wait_dma2 semaphore(%run_scoped3A : memref<!tpu.dma_semaphore, #tpu.memory_space<semaphore_mem>>) src(%arg14 : memref<16xf32, #tpu.memory_space<vmem>>) dst(%dma_wait3A_149 : memref<16xf32, #tpu.memory_space<hbm>>)
      tpu.yield
    }) : () -> ()
    return
  }
}

module attributes {stable_mosaic.version = 14 : i64} {
  func.func @_finalize_body(%arg0: memref<2x16x16xf32, #tpu.memory_space<vmem>>, %arg1: memref<2x16x16xf32, #tpu.memory_space<vmem>>, %arg2: memref<1x1xf32, #tpu.memory_space<vmem>>) attributes {dimension_semantics = [], scalar_prefetch = 0 : i64, scratch_operands = 0 : i64, tpu.core_type = #tpu.core_type<tc>} {
    %get3A = arith.constant 0 : index
    %get3A_0 = arith.constant 0 : index
    %get3A_1 = arith.constant 0 : index
    %get3A_2 = vector.load %arg0[%get3A, %get3A_0, %get3A_1] : memref<2x16x16xf32, #tpu.memory_space<vmem>>, vector<1x16x16xf32>
    %get3A_3 = vector.shape_cast %get3A_2 : vector<1x16x16xf32> to vector<16x16xf32>
    %get3A_4 = arith.constant 1 : index
    %get3A_5 = arith.constant 0 : index
    %get3A_6 = arith.constant 0 : index
    %get3A_7 = vector.load %arg0[%get3A_4, %get3A_5, %get3A_6] : memref<2x16x16xf32, #tpu.memory_space<vmem>>, vector<1x16x16xf32>
    %get3A_8 = vector.shape_cast %get3A_7 : vector<1x16x16xf32> to vector<16x16xf32>
    %add3A = arith.addf %get3A_3, %get3A_8 : vector<16x16xf32>
    %get3A_9 = arith.constant 0 : index
    %get3A_10 = arith.constant 0 : index
    %get3A_11 = arith.constant 0 : index
    %get3A_12 = vector.load %arg1[%get3A_9, %get3A_10, %get3A_11] : memref<2x16x16xf32, #tpu.memory_space<vmem>>, vector<1x16x16xf32>
    %get3A_13 = vector.shape_cast %get3A_12 : vector<1x16x16xf32> to vector<16x16xf32>
    %get3A_14 = arith.constant 1 : index
    %get3A_15 = arith.constant 0 : index
    %get3A_16 = arith.constant 0 : index
    %get3A_17 = vector.load %arg1[%get3A_14, %get3A_15, %get3A_16] : memref<2x16x16xf32, #tpu.memory_space<vmem>>, vector<1x16x16xf32>
    %get3A_18 = vector.shape_cast %get3A_17 : vector<1x16x16xf32> to vector<16x16xf32>
    %add3A_19 = arith.addf %get3A_13, %get3A_18 : vector<16x16xf32>
    %reduce_sum3A = arith.constant dense<0.000000e+00> : vector<16xf32>
    %reduce_sum3A_20 = vector.multi_reduction <add>, %add3A, %reduce_sum3A [1] : vector<16x16xf32> to vector<16xf32>
    %reduce_sum3A_21 = arith.constant dense<0.000000e+00> : vector<16xf32>
    %reduce_sum3A_22 = vector.multi_reduction <add>, %add3A_19, %reduce_sum3A_21 [1] : vector<16x16xf32> to vector<16xf32>
    %div3A = arith.divf %reduce_sum3A_20, %reduce_sum3A_22 : vector<16xf32>
    %eq3A = arith.constant 0.000000e+00 : f32
    %eq3A_23 = vector.broadcast %eq3A : f32 to vector<16xf32>
    %eq3A_24 = arith.cmpf oeq, %div3A, %eq3A_23 : vector<16xf32>
    %sqrt3A = math.sqrt %div3A : vector<16xf32>
    %div3A_25 = arith.constant 2.000000e+00 : f32
    %div3A_26 = vector.broadcast %div3A_25 : f32 to vector<16xf32>
    %div3A_27 = arith.divf %div3A_26, %sqrt3A : vector<16xf32>
    %log3A = math.log %div3A_27 : vector<16xf32>
    %mul3A = arith.constant 0.434294492 : f32
    %mul3A_28 = vector.broadcast %mul3A : f32 to vector<16xf32>
    %mul3A_29 = arith.mulf %log3A, %mul3A_28 : vector<16xf32>
    %mul3A_30 = arith.constant 2.000000e+01 : f32
    %mul3A_31 = vector.broadcast %mul3A_30 : f32 to vector<16xf32>
    %mul3A_32 = arith.mulf %mul3A_31, %mul3A_29 : vector<16xf32>
    %jit3A = arith.constant 0x7F800000 : f32
    %broadcast_in_dim3A = vector.broadcast %jit3A : f32 to vector<16xf32>
    %select_n3A = arith.select %eq3A_24, %broadcast_in_dim3A, %mul3A_32 : vector<16xi1>, vector<16xf32>
    %reduce_sum3A_33 = vector.shape_cast %select_n3A : vector<16xf32> to vector<1x16xf32>
    %reduce_sum3A_34 = arith.constant dense<0.000000e+00> : vector<1xf32>
    %reduce_sum3A_35 = vector.multi_reduction <add>, %reduce_sum3A_33, %reduce_sum3A_34 [1] : vector<1x16xf32> to vector<1xf32>
    %reduce_sum3A_36 = vector.shape_cast %reduce_sum3A_35 : vector<1xf32> to vector<1x1xf32>
    %reduce_sum3A_37 = vector.extract %reduce_sum3A_36[0, 0] : f32 from vector<1x1xf32>
    %div3A_38 = arith.constant 1.600000e+01 : f32
    %div3A_39 = arith.divf %reduce_sum3A_37, %div3A_38 : f32
    %reshape3A = vector.broadcast %div3A_39 : f32 to vector<1x1xf32>
    %swap3A = arith.constant 0 : index
    %swap3A_40 = arith.constant 0 : index
    %swap3A_41 = vector.load %arg2[%swap3A, %swap3A_40] : memref<1x1xf32, #tpu.memory_space<vmem>>, vector<1x1xf32>
    tpu.vector_store %arg2[%swap3A, %swap3A_40], %reshape3A {strides = array<i32>} : memref<1x1xf32, #tpu.memory_space<vmem>>, vector<1x1xf32>,
    return
  }
}

</mosaic_0001>

<sc_bundles>
// kernel: kernel.4.cloned.1.call-start
scs
__scs_entry_jumppad:
0x0: {  	(pc) =	sbr.rel $0x88, $3  }
0x1: {  	(tag) =	ssettag $0x0;
	lr =	simm.s32 $0x1  }
0x2: {  	[smem:$0x3F9E] =	sst lr;
	_ =	strace $0xD0000000  }
0x3: {  	_ = 	snop  }
0x4: {  	_ = 	snop  }
0x5: {  	_ = 	snop  }
0x6: {  	_ = 	snop  }
0x7: {  	_ = 	snop  }
__scs_overlays_trampoline_lowered:
0x8: {  	[smem:$0x3FAD] =	sst s0  }
0x9: {  	[smem:$0x3FAE] =	sst s1  }
0xa: {  	[smem:$0x3FAF] =	sst s2  }
0xb: {  	[smem:$0x3FB0] =	sst s3  }
0xc: {  	[smem:$0x3FB1] =	sst s4  }
0xd: {  	[smem:$0x3FB2] =	sst s5  }
0xe: {  	[smem:$0x3FB3] =	sst s6  }
0xf: {  	[smem:$0x3FB4] =	sst s7  }
0x10: {  	[smem:$0x3FB5] =	sst s8  }
0x11: {  	[smem:$0x3FB6] =	sst s9;
	s0 =	simm.s32 @!p0 $0x0  }
0x12: {  	s1 =	sld [smem:$0x3F9C];
	s0 =	simm.s32 @p0 $0x1  }
0x13: {  	[smem:$0x3FB7] =	sst s0;
	s0 =	simm.s32 @!p1 $0x0  }
0x14: {  	s2 =	sld [smem:$0x3F9B];
	s0 =	simm.s32 @p1 $0x1  }
0x15: {  	[smem:$0x3FB8] =	sst s0;
	s0 =	simm.s32 @!p2 $0x0  }
0x16: {  	s3 =	sld [smem:$0x3FDB];
	s0 =	simm.s32 @p2 $0x1  }
0x17: {  	s4 =	simm.s32 $0x1BF5;
	[smem:$0x3FBA] =	sst s0  }
0x18: {  	s0 =	sld [smem:$0x3F9D];
	_ =	swait.ge [sflag:s4], $0x0  }
0x19: {  	s7 =	sld [smem:$0x3F9E]  }
0x1a: {  	s8 =	sadd.s32 $0xFFFFE003, lr  }
0x1b: {  	s9 =	sadd.s32 $0xFFFFFEF7, lr;
	s5 =	simm.s32 $0xFFFFFFFF;
	p2 =	slt.u32 s8, $0xFFFFF086  }
0x1c: {  	p1 =	slt.u32 s9, $0xF7A;
	s5 =	simm.s32 @!p2 $0x0  }
0x1d: {  	s5 =	simm.s32 @p1 $0x1;
	p0 =	seq.s32 s7, s2  }
0x1e: {  	s7 =	smul.u32 @!p0 $0xF7A, s2;
	p2 =	seq.s32 @!p0 s5, $0x0  }
0x1f: {  	s9 =	smul.u32 $0xF7A, s1;
	s8 =	simm.s32 @!p0 $0x1BF5;
	p2 =	por !p2, p0  }
0x20: {  	[sflag:s8] =	ssyncset.s32 @!p0 $0xFFFFF086;
	s6 =	sadd.s32 @!p0 s3, s7;
	s7 =	simm.s32 @!p0 $0x108  }
0x21: {  	s3 =	sadd.s32 s3, s9;
	s6 =	sadd.s32 @!p0 $0x88, s6;
	s7 =	simm.s32 @p2 $0x1082  }
0x22: {  	[simem:s7], [sflag:s8] =	dma.local @!p0 [hbm:s6], $0xF7A  }
0x23: {  	s9 =	sor.u32 $0xD0000000, s2;
	s6 =	simm.s32 $0x108;
	_ =	swait.ge @!p0 [sflag:s8], $0x0  }
0x24: {  	s3 =	sadd.s32 $0x88, s3;
	s6 =	simm.s32 @!p1 $0x1082;
	[sflag:s4] =	ssyncset.s32 $0xFFFFF086  }
0x25: {  	[simem:s6], [sflag:s4] =	dma.local [hbm:s3], $0xF7A  }
0x26: {  	[smem:$0x3F9E] =	sst s1;
	(tag) =	ssettag s2;
	_ =	strace s9  }
0x27: {  	s1 =	sld [smem:$0x3FAE]  }
0x28: {  	s2 =	sld [smem:$0x3FAF]  }
0x29: {  	s4 =	sld [smem:$0x3FB1]  }
0x2a: {  	p0 =	seq.s32 s5, $0x0;
	s5 =	sld [smem:$0x3FB2]  }
0x2b: {  	s6 =	sld [smem:$0x3FB3]  }
0x2c: {  	s7 =	sld [smem:$0x3FB4]  }
0x2d: {  	s3 =	simm.s32 $0x108;
	s8 =	sld [smem:$0x3FB5]  }
0x2e: {  	s3 =	simm.s32 @!p0 $0x1082;
	s9 =	sld [smem:$0x3FB6]  }
0x2f: {  	lr =	sadd.s32 s0, s3;
	s0 =	sld [smem:$0x3FAD]  }
0x30: {  	s3 =	sld [smem:$0x3FB0]  }
0x31: {  	[smem:$0x3FB9] =	sst s10  }
0x32: {  	s10 =	sld [smem:$0x3FB7];
	_ =	sdelay $0x3  }
0x33: {  	p0 =	seq.s32 s10, $0x1;
	s10 =	sld [smem:$0x3FB9];
	_ =	sdelay $0x3  }
0x34: {  	[smem:$0x3FB9] =	sst s10  }
0x35: {  	s10 =	sld [smem:$0x3FB8];
	_ =	sdelay $0x3  }
0x36: {  	p1 =	seq.s32 s10, $0x1;
	s10 =	sld [smem:$0x3FB9];
	_ =	sdelay $0x3  }
0x37: {  	[smem:$0x3FB9] =	sst s10  }
0x38: {  	s10 =	sld [smem:$0x3FBA]  }
0x39: {  	_ = 	snop;
	(pc) =	sbr.ind lr, $3  }
0x3a: {  	_ = 	snop  }
0x3b: {  	_ = 	snop  }
0x3c: {  	p2 =	seq.s32 s10, $0x1;
	s10 =	sld [smem:$0x3FB9]  }
0x3d: {  	_ =	shalt  }
0x3e: {  	_ =	shalt  }
0x3f: {  	_ =	shalt  }
0x40: {  	_ =	shalt  }
0x41: {  	_ =	shalt  }
0x42: {  	_ =	shalt  }
0x43: {  	_ =	shalt  }
0x44: {  	_ =	shalt  }
0x45: {  	_ =	shalt  }
0x46: {  	_ =	shalt  }
0x47: {  	_ =	shalt  }
0x48: {  	_ =	shalt  }
0x49: {  	_ =	shalt  }
0x4a: {  	_ =	shalt  }
0x4b: {  	_ =	shalt  }
0x4c: {  	_ =	shalt  }
0x4d: {  	_ =	shalt  }
0x4e: {  	_ =	shalt  }
0x4f: {  	_ =	shalt  }
0x50: {  	_ =	shalt  }
0x51: {  	_ =	shalt  }
0x52: {  	_ =	shalt  }
0x53: {  	_ =	shalt  }
0x54: {  	_ =	shalt  }
0x55: {  	_ =	shalt  }
0x56: {  	_ =	shalt  }
0x57: {  	_ =	shalt  }
0x58: {  	_ =	shalt  }
0x59: {  	_ =	shalt  }
0x5a: {  	_ =	shalt  }
0x5b: {  	_ =	shalt  }
0x5c: {  	_ =	shalt  }
0x5d: {  	_ =	shalt  }
0x5e: {  	_ =	shalt  }
0x5f: {  	_ =	shalt  }
0x60: {  	_ =	shalt  }
0x61: {  	_ =	shalt  }
0x62: {  	_ =	shalt  }
0x63: {  	_ =	shalt  }
0x64: {  	_ =	shalt  }
0x65: {  	_ =	shalt  }
0x66: {  	_ =	shalt  }
0x67: {  	_ =	shalt  }
0x68: {  	_ =	shalt  }
0x69: {  	_ =	shalt  }
0x6a: {  	_ =	shalt  }
0x6b: {  	_ =	shalt  }
0x6c: {  	_ =	shalt  }
0x6d: {  	_ =	shalt  }
0x6e: {  	_ =	shalt  }
0x6f: {  	_ =	shalt  }
0x70: {  	_ =	shalt  }
0x71: {  	_ =	shalt  }
0x72: {  	_ =	shalt  }
0x73: {  	_ =	shalt  }
0x74: {  	_ =	shalt  }
0x75: {  	_ =	shalt  }
0x76: {  	_ =	shalt  }
0x77: {  	_ =	shalt  }
0x78: {  	_ =	shalt  }
0x79: {  	_ =	shalt  }
0x7a: {  	_ =	shalt  }
0x7b: {  	_ =	shalt  }
0x7c: {  	_ =	shalt  }
0x7d: {  	_ =	shalt  }
0x7e: {  	_ =	shalt  }
0x7f: {  	_ =	shalt  }
0x80: {  	_ =	shalt  }
0x81: {  	_ =	shalt  }
0x82: {  	_ =	shalt  }
0x83: {  	_ =	shalt  }
0x84: {  	_ =	shalt  }
0x85: {  	_ =	shalt  }
0x86: {  	_ =	shalt  }
0x87: {  	_ =	shalt  }
.Lfunc_end0:
.L_simem_size_0:
called_computation_lowered:
.L_overlay_start_0:
0x88: {  	s2 =	sld [smem:$0x3FD9]  }
0x89: {  	s3 =	sld [smem:$0x3FFE];
	_ =	sdelay $0x1  }
0x8a: {  	s1 =	srdreg.scid  }
0x8b: {  	s0 =	sand.u32 $0x1, s1  }
0x8c: {  	s17 =	sshll.u32 s0, $0xA;
	s2 =	sadd.s32 s3, s2  }
0x8d: {  	s2 =	sadd.s32 s2, s17  }
0x8e: {  	[smem:$0x3FC5] =	sst s2  }
0x8f: {  	_ = 	snop  }
0x90: {  	s2 =	sld [smem:$0x3FC8]  }
0x91: {  	s18 =	sld [smem:$0x3FC7];
	(tm) =	ssettm $0x1  }
0x92: {  	s4 =	sld [smem:$0x3FFB];
	_ =	sdelay $0x3  }
0x93: {  	_ =	strace s4  }
0x94: {  	s4 =	sld [smem:$0x3FFC];
	_ =	sdelay $0x3  }
0x95: {  	_ =	strace s4  }
0x96: {  	s4 =	sld [smem:$0x3FFD];
	_ =	sdelay $0x3  }
0x97: {  	_ =	strace s4  }
0x98: {  	_ =	strace $0x8FFFFFFF  }
0x99: {  	s19 =	sld [smem:$0x3FDB];
	_ =	sdelay $0x1  }
0x9a: {  	s5 =	simm.s32 $_scs_section_size  }
0x9b: {  	s6 =	simm.s32 $_size__tile_overlayer_lowered;
	s7 =	simm.s32 $_tile_overlayer_lowered  }
0x9c: {  	s22 =	simm.s32 $0x1BFF;
	s21 =	sshll.u32 s7, $0x1;
	s4 =	sadd.s32 s5, s19  }
0x9d: {  	s8 =	simm.s32 $0x0;
	s20 =	sshll.u32 s6, $0x1;
	s6 =	sadd.s32 s21, s4  }
0x9e: {  	[timem:s8], [sflag:s22] =	dma.local [hbm:s6], s20  }
0x9f: {  	_ =	swait.ge [sflag:s22], s20  }
0xa0: {  	s5 =	ssub.s32 $0x0, s20;
	[sflag:s22] =	ssyncset.done $0x0  }
0xa1: {  	[sflag:s22] =	ssyncadd.s32 s5;
	_ =	sdelay $0x1  }
0xa2: {  	s23 =	simm.s32 $0x1B8B  }
0xa3: {  	_ =	swait.ge [sflag:s23], $0x1  }
0xa4: {  	[sflag:s23] =	ssyncset.done $0x0  }
0xa5: {  	s25 =	simm.s32 $0x1B8E;
	s24 =	sld [smem:$0x3FFE];
	[sflag:s23] =	ssyncadd.s32 $0xFFFFFFFF  }
0xa6: {  	s26 =	simm.s32 $execute0_lowered;
	[smem:$0x3FD2] =	sst s25  }
0xa7: {  	s6 =	sshll.u32 s26, $0x1;
	_ =	strace $0x80000046;
	[dreg:$0x1] =	wrdreg $0xFFFFFFFF  }
0xa8: {  	s28 =	simm.s32 $_size_execute0_lowered;
	s4 =	sadd.s32 s4, s6;
	[dreg:$0x0] =	wrdreg $0x0  }
0xa9: {  	s6 =	sshll.u32 s28, $0x1;
	[dreg:$0x2] =	wrdreg s4  }
0xaa: {  	[dreg:$0x3] =	wrdreg s6  }
0xab: {  	[dreg:$0x4] =	wrdreg $0xC0  }
0xac: {  	_ =	task [dreg:s8], $0x5FFFF  }
0xad: {  	[dreg:$0x1] =	wrdreg $0xFFFFFFFF  }
0xae: {  	[dreg:$0x0] =	wrdreg $0x60  }
0xaf: {  	[dreg:$0x2] =	wrdreg s24  }
0xb0: {  	[dreg:$0x3] =	wrdreg s2  }
0xb1: {  	[dreg:$0x4] =	wrdreg s18  }
0xb2: {  	[dreg:$0x5] =	wrdreg $0x9  }
0xb3: {  	_ =	task.clear_ibuf [dreg:s8], $0x6FFFF;
	_ =	strace $0x90000046  }
0xb4: {  	s29 =	simm.s32 $0x9;
	_ =	strace $0x80000048  }
0xb5: {  	_ =	swait.ge [sflag:s29], $0x1  }
0xb6: {  	[sflag:s29] =	ssyncadd.s32 $0xFFFFFFFF  }
0xb7: {  	_ =	strace $0x90000048  }
0xb8: {  	_ =	sfence  }
0xb9: {  	s30 =	sld [smem:$0x0];
	_ =	sdelay $0x2  }
0xba: {  	s31 =	sshll.u32 s1, $0xD;
	s1 =	sshrl.u32 s1, $0x2  }
0xbb: {  	s3 =	sand.u32 $0x4000, s31;
	s1 =	sadd.s32 s1, s30  }
0xbc: {  	s0 =	sor.u32 s3, s0;
	s1 =	sshll.u32 s1, $0x11  }
0xbd: {  	s0 =	sor.u32 s1, s0  }
0xbe: {  	s0 =	sadd.s32 $0x8F2B, s0  }
0xbf: {  	[sflag:s0] =	ssyncadd.remote.s32 $0x1  }
0xc0: {  	_ =	sfence.sel $0xFFFF  }
0xc1: {  	[dreg:$0x0] =	wrdreg $0xFFFFFFFF;
	(pc) =	sbr.abs _section_cstart, $3  }
0xc2: {  	[dreg:$0x1] =	wrdreg $0xFFFFFFFF  }
0xc3: {  	_ =	task.clear_ibuf [dreg:s8], $0x2FFFF;
	_ =	strace $0x9FFFFFFF  }
0xc4: {  	(tm) =	ssettm $0x7FFFFFFF  }
0xc5: {  	_ =	shalt  }
tec
execute0_lowered:
.L_overlay_start_1:
0x0: {  	(tag) =	ssettag $0x1  }
0x1: {  	s0 =	rddreg [dreg:$0x0]  }
0x2: {  	s1 =	rddreg [dreg:$0x1]  }
0x3: {  	s3 =	rddreg [dreg:$0x2]  }
0x4: {  	s2 =	simm.s32 $0x0;
	s5 =	srdreg.scid;
	s12 =	stileid.u32  }
0x5: {  	s28 =	simm.s32 $0xC000;
	s29 =	simm.s32 $0x18000;
	s30 =	simm.s32 $0x1  }
0x6: {  	s31 =	simm.s32 $0x2;
	[smem:$0x7FF] =	sst s2;
	s4 =	sadd.s32 $0xC00, s0  }
0x7: {  	s7 =	sand.u32 $0x1, s5;
	s8 =	sshll.u32 s12, $0x4;
	s5 =	smul.u32 $0x180000, s12  }
0x8: {  	_ =	strace $0x80000047;
	s6 =	sshll.u32 s7, $0x8;
	s9 =	smul.u32 $0xB4000, s7  }
0x9: {  	s13 =	ssub.s32 $0x2, s7;
	s10 =	smul.u32 $0x280, s7;
	s6 =	sor.u32 s8, s6  }
0xa: {  	s7 =	smul.u32 $0x2D, s7;
	s14 =	sshrl.u32 s13, $0x1;
	s0 =	sadd.s32 s6, s0  }
0xb: {  	s8 =	ssub.s32 s13, s14;
	s11 =	sand.u32 $0xE0000, s9;
	s6 =	smul.u32 $0x168000, s12  }
0xc: {  	s12 =	sshll.u32 s12, $0xB;
	s16 =	sadd.s32 $0x1, s7;
	s20 =	sadd.s32 $0x2, s7  }
0xd: {  	s14 =	sadd.s32 $0x3, s7;
	s11 =	sadd.s32 s5, s11;
	s3 =	sadd.s32 s3, s12  }
0xe: {  	s18 =	sshll.u32 s16, $0xE;
	s21 =	sshll.u32 s20, $0xE;
	[dreg:$0x4] =	wrdreg s3  }
0xf: {  	s15 =	sor.u32 s10, s11;
	s9 =	sadd.s32 s9, s6;
	s19 =	sand.u32 $0x1E0000, s18  }
0x10: {  	s10 =	sshll.u32 s16, $0x7;
	s22 =	sand.u32 $0x1E0000, s21;
	s11 =	sshll.u32 s20, $0x7  }
0x11: {  	s24 =	sadd.s32 s6, s21;
	s16 =	sadd.s32 $0x5, s7;
	s20 =	simm.s32 $0x4  }
0x12: {  	s21 =	simm.s32 $0x80;
	s3 =	sshrl.u32 s15, $0x3;
	s9 =	sshrl.u32 s9, $0x3  }
0x13: {  	s10 =	sand.u32 $0x380, s10;
	s11 =	sand.u32 $0x380, s11;
	s26 =	sshrl.u32 s24, $0x3  }
0x14: {  	s15 =	sadd.s32 $0x4, s7;
	s24 =	simm.s32 $0x10000;
	s7 =	simm.s32 $0x0  }
0x15: {  	s3 =	sadd.s32 s4, s3;
	s17 =	sadd.s32 s1, s9;
	s9 =	sadd.s32 s5, s19  }
0x16: {  	s13 =	sadd.s32 s1, s26;
	s19 =	smax.u32 s8, $0x1;
	[dreg:$0x5] =	wrdreg s3  }
0x17: {  	s26 =	simm.s32 $0x14000;
	[dreg:$0x6] =	wrdreg s17;
	s9 =	sor.u32 s10, s9  }
0x18: {  	s10 =	sadd.s32 s5, s22;
	s3 =	sadd.s32 s6, s18;
	s17 =	sadd.s32 $0x300C00, s0  }
0x19: {  	s18 =	sadd.s32 $0x300E00, s0;
	s22 =	simm.s32 $0x400;
	s9 =	sshrl.u32 s9, $0x3  }
0x1a: {  	s23 =	sor.u32 s11, s10;
	s3 =	sshrl.u32 s3, $0x3;
	s9 =	sadd.s32 s4, s9  }
0x1b: {  	s3 =	sadd.s32 s1, s3;
	[dreg:$0x7] =	wrdreg s9;
	s9 =	sshrl.u32 s23, $0x3  }
0x1c: {  	s0 =	simm.s32 $0x3;
	[dreg:$0x8] =	wrdreg s3;
	s25 =	sadd.s32 s4, s9  }
0x1d: {  	v0 =	vimm.f32 $0.0e+00;
	vm0 =	vmmov $0xffff;
	s23 =	simm.s32 $0x4000;
	[dreg:$0x9] =	wrdreg s25;
	s25 =	simm.s32 $0x8000  }
.LBB2_1:
0x1e: {  	s3 =	rddreg [dreg:$0x4]  }
0x1f: {  	[tilespmem:s2], [sflag:$0x4] =	stream.linear.gather [hbm4b:s3+s2], $0x4000, $0x38;
	[tilespmem:$0x1C080] =	vst v63  }
0x20: {  	_ =	swait.ge [sflag:s20], $0x4000  }
0x21: {  	[sflag:s20] =	ssyncset.done $0x0  }
0x22: {  	s3 =	simm.s32 $0x0;
	[sflag:s20] =	ssyncadd.s32 $0xFFFFC000  }
0x23: {  	v2 =	vld [tilespmem:s3+$0x0]  }
0x24: {  	v3 =	vld [tilespmem:s3+$0x10]  }
0x25: {  	v5 =	vld [tilespmem:s3+$0x20]  }
0x26: {  	v4 =	vld [tilespmem:s3+$0x30]  }
0x27: {  	v1 =	vld [tilespmem:s3+$0x40]  }
0x28: {  	vm1 =	vgt.f32 v2, $0.0e+00;
	v2 =	vld [tilespmem:s3+$0x50]  }
0x29: {  	s8 =	simm.s32 $0x200;
	v6 =	vsel vm1, $0x3F800000, v0;
	vm1 =	vgt.f32 v3, $0.0e+00;
	v3 =	vld [tilespmem:s3+$0x60]  }
.LBB2_2:
0x2a: {  	s9 =	sshra.s32 s8, $0x2;
	p0 =	sne.s32 s8, $0xFE00;
	[tilespmem:s3+$0x0] =	vst v6;
	v6 =	vsel vm1, $0x3F800000, v0;
	vm1 =	vgt.f32 v5, $0.0e+00;
	v7 =	vld [tilespmem:s3+$0x70]  }
0x2b: {  	v8 =	vld [tilespmem:s9+$0x0];
	[tilespmem:s3+$0x10] =	vst v6;
	v5 =	vsel vm1, $0x3F800000, v0;
	vm1 =	vgt.f32 v4, $0.0e+00  }
0x2c: {  	v9 =	vld [tilespmem:s9+$0x10];
	[tilespmem:s3+$0x20] =	vst v5;
	v4 =	vsel vm1, $0x3F800000, v0;
	vm1 =	vgt.f32 v1, $0.0e+00  }
.Ltmp0:
0x2d: {  	v5 =	vld [tilespmem:s9+$0x20];
	[tilespmem:s3+$0x30] =	vst v4;
	v1 =	vsel vm1, $0x3F800000, v0;
	vm1 =	vgt.f32 v2, $0.0e+00;
	(pc) =	sbr.rel @p0 .LBB2_2-.Ltmp0, $4  }
0x2e: {  	v4 =	vld [tilespmem:s9+$0x30];
	[tilespmem:s3+$0x40] =	vst v1;
	v2 =	vsel vm1, $0x3F800000, v0;
	vm1 =	vgt.f32 v3, $0.0e+00  }
0x2f: {  	v1 =	vld [tilespmem:s9+$0x40];
	[tilespmem:s3+$0x50] =	vst v2;
	v3 =	vsel vm1, $0x3F800000, v0;
	vm1 =	vgt.f32 v7, $0.0e+00  }
0x30: {  	vm2 =	vgt.f32 v8, $0.0e+00;
	v2 =	vld [tilespmem:s9+$0x50];
	[tilespmem:s3+$0x60] =	vst v3;
	v7 =	vsel vm1, $0x3F800000, v0  }
0x31: {  	s8 =	sadd.s32 $0x200, s8;
	v6 =	vsel vm2, $0x3F800000, v0;
	vm1 =	vgt.f32 v9, $0.0e+00;
	v3 =	vld [tilespmem:s9+$0x60];
	[tilespmem:s3+$0x70] =	vst v7;
	s3 =	smov.u32 s9  }
0x32: {  	[tilespmem:s3+$0x0] =	vst v6;
	v6 =	vsel vm1, $0x3F800000, v0;
	vm1 =	vgt.f32 v5, $0.0e+00;
	v5 =	vld [tilespmem:s3+$0x70]  }
0x33: {  	[tilespmem:s3+$0x10] =	vst v6;
	v6 =	vsel vm1, $0x3F800000, v0;
	vm1 =	vgt.f32 v4, $0.0e+00  }
0x34: {  	[tilespmem:s3+$0x20] =	vst v6;
	v4 =	vsel vm1, $0x3F800000, v0;
	vm1 =	vgt.f32 v1, $0.0e+00  }
0x35: {  	[tilespmem:s3+$0x30] =	vst v4;
	v1 =	vsel vm1, $0x3F800000, v0;
	vm1 =	vgt.f32 v2, $0.0e+00  }
0x36: {  	[tilespmem:s3+$0x40] =	vst v1;
	v1 =	vsel vm1, $0x3F800000, v0;
	vm1 =	vgt.f32 v3, $0.0e+00  }
0x37: {  	[tilespmem:s3+$0x50] =	vst v1;
	v1 =	vsel vm1, $0x3F800000, v0;
	vm1 =	vgt.f32 v5, $0.0e+00  }
0x38: {  	[tilespmem:s3+$0x60] =	vst v1;
	v1 =	vsel vm1, $0x3F800000, v0  }
0x39: {  	s8 =	rddreg [dreg:$0x5];
	[tilespmem:s3+$0x70] =	vst v1  }
0x3a: {  	[tilespmem:s23], [sflag:$0x1] =	stream.strided.gather [hbm4b:s8+s21], $0x4000, s22, s21, $0x38;
	[tilespmem:$0x1C080] =	vst v63  }
0x3b: {  	s9 =	rddreg [dreg:$0x6];
	s8 =	simm.s32 $0x0  }
0x3c: {  	[tilespmem:s24], [sflag:$0x1] =	stream.linear.gather [hbm4b:s9+s8], $0x4000, $0x38;
	[tilespmem:$0x1C080] =	vst v63  }
0x3d: {  	s10 =	rddreg [dreg:$0x7]  }
0x3e: {  	[tilespmem:s25], [sflag:$0x2] =	stream.strided.gather [hbm4b:s10+s21], $0x4000, s22, s21, $0x38;
	[tilespmem:$0x1C080] =	vst v63  }
0x3f: {  	s11 =	rddreg [dreg:$0x8]  }
0x40: {  	[tilespmem:s26], [sflag:$0x2] =	stream.linear.gather [hbm4b:s11+s8], $0x4000, $0x38;
	[tilespmem:$0x1C080] =	vst v63  }
0x41: {  	s12 =	rddreg [dreg:$0x9]  }
0x42: {  	v13 =	vimm.f32 $0.0e+00;
	v7 =	vimm.f32 $0.0e+00;
	[tilespmem:s28], [sflag:$0x3] =	stream.strided.gather [hbm4b:s12+s21], $0x4000, s22, s21, $0x38;
	[tilespmem:$0x1C080] =	vst v63  }
0x43: {  	v6 =	vimm.f32 $0.0e+00;
	v4 =	vimm.f32 $0.0e+00;
	v2 =	vimm.f32 $0.0e+00  }
0x44: {  	v3 =	vimm.f32 $0.0e+00;
	v5 =	vimm.f32 $0.0e+00;
	v1 =	vimm.f32 $0.0e+00;
	[tilespmem:s29], [sflag:$0x3] =	stream.linear.gather [hbm4b:s13+s8], $0x4000, $0x38;
	[tilespmem:$0x1C080] =	vst v63  }
.LBB2_4:
0x45: {  	_ =	swait.ge [sflag:s30], $0x4000  }
0x46: {  	[sflag:s30] =	ssyncset.done $0x0  }
0x47: {  	[sflag:s30] =	ssyncadd.s32 $0xFFFFC000  }
0x48: {  	_ =	swait.ge [sflag:s30], $0x4000  }
0x49: {  	[sflag:s30] =	ssyncset.done $0x0  }
0x4a: {  	s10 =	simm.s32 $0x0;
	[sflag:s30] =	ssyncadd.s32 $0xFFFFC000  }
0x4b: {  	v15 =	vld [tilespmem:s10+$0x10]  }
0x4c: {  	v9 =	vld [tilespmem:s10+$0x40]  }
0x4d: {  	v10 =	vld [tilespmem:s10+$0x50]  }
0x4e: {  	v8 =	vld [tilespmem:s10+$0x10030]  }
0x4f: {  	v16 =	vld [tilespmem:s10+$0x10010]  }
0x50: {  	v19 =	vld [tilespmem:s10+$0x10050]  }
0x51: {  	v11 =	vld [tilespmem:s10+$0x4050]  }
0x52: {  	v20 =	vld [tilespmem:s10+$0x4040]  }
0x53: {  	v22 =	vld [tilespmem:s10+$0x4010]  }
0x54: {  	v26 =	vld [tilespmem:s10+$0x4000]  }
0x55: {  	v18 =	vld [tilespmem:s10+$0x4020]  }
0x56: {  	v21 =	vld [tilespmem:s10+$0x10040]  }
0x57: {  	v12 =	vld [tilespmem:s10+$0x10070]  }
0x58: {  	v29 =	vld [tilespmem:s10+$0x4070];
	vm1 =	veq.f32 v11, v11  }
0x59: {  	v24 =	vld [tilespmem:s10+$0x4030];
	vm2 =	veq.f32 v20, v20;
	vm3 =	veq.f32 v22, v22;
	vm5 =	veq.f32 v26, v26  }
0x5a: {  	v14 =	vld [tilespmem:s10+$0x4060];
	vm6 =	veq.f32 v18, v18;
	vm1 =	vmand vm1, vm0;
	vm3 =	vmand vm3, vm0  }
0x5b: {  	v23 =	vld [tilespmem:s10+$0x10020];
	vm2 =	vmand vm2, vm0;
	v25 =	vsel vm1, v11, v19;
	v22 =	vsel vm3, v22, v16  }
0x5c: {  	v17 =	vnsel vm1, $0x0, v10;
	v11 =	vsel vm2, v20, v21;
	v20 =	vld [tilespmem:s10+$0x10000];
	v22 =	vsub.f32 v22, v16  }
0x5d: {  	vm1 =	veq.f32 v29, v29;
	v11 =	vsub.f32 v11, v21;
	v21 =	vsub.f32 v25, v19;
	v19 =	vld [tilespmem:s10+$0x20]  }
0x5e: {  	v25 =	vnsel vm3, $0x0, v15;
	vm3 =	veq.f32 v24, v24;
	v16 =	vld [tilespmem:s10+$0x0];
	v27 =	vmul.f32 v22, v15  }
0x5f: {  	vm1 =	vmand vm1, vm0;
	v25 =	vadd.f32 v25, v13;
	vm4 =	vmand vm3, vm0;
	v13 =	vld [tilespmem:s10+$0x60]  }
0x60: {  	vm3 =	vmand vm5, vm0;
	vm5 =	vmand vm6, vm0;
	v15 =	vld [tilespmem:s10+$0x30];
	v28 =	vmul.f32 v27, v22  }
0x61: {  	s9 =	simm.s32 $0x200;
	v24 =	vsel vm4, v24, v8;
	v22 =	vld [tilespmem:s10+$0x10060];
	v27 =	vsel vm3, v26, v20;
	v26 =	vsel vm1, v29, v12  }
.LBB2_5:
0x62: {  	p0 =	sne.s32 s9, $0xFE00;
	v7 =	vadd.f32 v28, v7;
	v18 =	vsel vm5, v18, v23;
	v10 =	vmul.f32 v21, v10;
	v28 =	vld [tilespmem:s10+$0x70];
	s10 =	sshra.s32 s9, $0x2;
	s9 =	sadd.s32 $0x200, s9  }
0x63: {  	v20 =	vsub.f32 v27, v20;
	v29 =	vld [tilespmem:s10+$0x10];
	v18 =	vsub.f32 v18, v23;
	v23 =	vnsel vm2, $0x0, v9  }
0x64: {  	v25 =	vadd.f32 v17, v25;
	vm2 =	veq.f32 v14, v14;
	v27 =	vld [tilespmem:s10+$0x40];
	v21 =	vmul.f32 v10, v21  }
0x65: {  	v17 =	vnsel vm5, $0x0, v19;
	v30 =	vnsel vm4, $0x0, v15;
	vm2 =	vmand vm2, vm0;
	v10 =	vld [tilespmem:s10+$0x50]  }
0x66: {  	v24 =	vsub.f32 v24, v8;
	v12 =	vsub.f32 v26, v12;
	v19 =	vmul.f32 v18, v19;
	v8 =	vld [tilespmem:s10+$0x10030]  }
0x67: {  	v31 =	vmul.f32 v20, v16;
	v14 =	vsel vm2, v14, v22;
	v32 =	vnsel vm2, $0x0, v13;
	v26 =	vld [tilespmem:s10+$0x10010]  }
0x68: {  	v7 =	vadd.f32 v21, v7;
	v14 =	vsub.f32 v14, v22;
	v21 =	vmul.f32 v12, v28;
	v33 =	vld [tilespmem:s10+$0x10050]  }
0x69: {  	v4 =	vadd.f32 v17, v4;
	v15 =	vmul.f32 v24, v15;
	v20 =	vmul.f32 v31, v20;
	v22 =	vld [tilespmem:s10+$0x4050]  }
0x6a: {  	v16 =	vnsel vm3, $0x0, v16;
	v17 =	vmul.f32 v19, v18;
	v19 =	vmul.f32 v21, v12;
	v31 =	vld [tilespmem:s10+$0x10040]  }
0x6b: {  	v2 =	vadd.f32 v16, v2;
	v15 =	vmul.f32 v15, v24;
	v13 =	vmul.f32 v14, v13;
	v21 =	vld [tilespmem:s10+$0x4040]  }
0x6c: {  	v4 =	vadd.f32 v32, v4;
	v6 =	vadd.f32 v17, v6;
	v17 =	vmul.f32 v11, v9;
	v9 =	vmovc v27;
	v16 =	vld [tilespmem:s10+$0x4010]  }
0x6d: {  	v1 =	vadd.f32 v30, v1;
	v2 =	vadd.f32 v23, v2;
	v18 =	vnsel vm1, $0x0, v28;
	v12 =	vld [tilespmem:s10+$0x10070]  }
0x6e: {  	v3 =	vadd.f32 v15, v3;
	v24 =	vmul.f32 v17, v11;
	v27 =	vld [tilespmem:s10+$0x4000];
	vm1 =	veq.f32 v22, v22  }
0x6f: {  	v5 =	vadd.f32 v20, v5;
	v1 =	vadd.f32 v18, v1;
	vm1 =	vmand vm1, vm0;
	v30 =	vld [tilespmem:s10+$0x4070]  }
0x70: {  	v32 =	vld [tilespmem:s10+$0x4030];
	vm2 =	veq.f32 v21, v21;
	v15 =	vsel vm1, v22, v33;
	v17 =	vnsel vm1, $0x0, v10  }
0x71: {  	v13 =	vmul.f32 v13, v14;
	vm1 =	veq.f32 v16, v16;
	v18 =	vld [tilespmem:s10+$0x4020];
	vm2 =	vmand vm2, vm0  }
0x72: {  	v3 =	vadd.f32 v19, v3;
	vm1 =	vmand vm1, vm0;
	v11 =	vsel vm2, v21, v31;
	v14 =	vld [tilespmem:s10+$0x4060]  }
0x73: {  	v20 =	vld [tilespmem:s10+$0x10000];
	vm3 =	veq.f32 v27, v27;
	v16 =	vsel vm1, v16, v26;
	v11 =	vsub.f32 v11, v31  }
0x74: {  	v21 =	vsub.f32 v15, v33;
	v22 =	vsub.f32 v16, v26;
	v23 =	vld [tilespmem:s10+$0x10020];
	vm4 =	veq.f32 v30, v30  }
.Ltmp1:
0x75: {  	v6 =	vadd.f32 v13, v6;
	v26 =	vnsel vm1, $0x0, v29;
	v19 =	vld [tilespmem:s10+$0x20];
	vm5 =	veq.f32 v32, v32;
	(pc) =	sbr.rel @p0 .LBB2_5-.Ltmp1, $4  }
0x76: {  	v5 =	vadd.f32 v24, v5;
	vm1 =	vmand vm4, vm0;
	v13 =	vmul.f32 v22, v29;
	v15 =	vld [tilespmem:s10+$0x30]  }
0x77: {  	v25 =	vadd.f32 v26, v25;
	vm6 =	veq.f32 v18, v18;
	vm4 =	vmand vm5, vm0;
	v16 =	vld [tilespmem:s10+$0x0]  }
0x78: {  	vm3 =	vmand vm3, vm0;
	v24 =	vsel vm4, v32, v8;
	v28 =	vmul.f32 v13, v22;
	v22 =	vld [tilespmem:s10+$0x10060]  }
0x79: {  	v26 =	vsel vm1, v30, v12;
	vm5 =	vmand vm6, vm0;
	v27 =	vsel vm3, v27, v20;
	v13 =	vld [tilespmem:s10+$0x60]  }
0x7a: {  	s9 =	smul.u32 $0x3, s8;
	_ =	sdelay $0x1  }
0x7b: {  	s3 =	sadd.s32 s9, s14  }
0x7c: {  	s11 =	sshll.u32 s3, $0xE  }
0x7d: {  	s3 =	sshll.u32 s3, $0x7;
	s12 =	sand.u32 $0x3E0000, s11  }
0x7e: {  	s3 =	sand.u32 $0x380, s3;
	s12 =	sadd.s32 s5, s12  }
0x7f: {  	s3 =	sor.u32 s3, s12  }
0x80: {  	s3 =	sshrl.u32 s3, $0x3  }
0x81: {  	s11 =	sadd.s32 s6, s11;
	s3 =	sadd.s32 s4, s3  }
0x82: {  	v29 =	vld [tilespmem:s10+$0x70];
	[tilespmem:s23], [sflag:$0x1] =	stream.strided.gather [hbm4b:s3+s21], $0x4000, s22, s21, $0x38  }
0x83: {  	s3 =	sshrl.u32 s11, $0x3  }
0x84: {  	s12 =	simm.s32 $0x0;
	s3 =	sadd.s32 s1, s3  }
0x85: {  	[tilespmem:s24], [sflag:$0x1] =	stream.linear.gather [hbm4b:s3+s12], $0x4000, $0x38;
	[tilespmem:$0x1C080] =	vst v63  }
0x86: {  	_ =	swait.ge [sflag:s31], $0x4000  }
0x87: {  	[sflag:s31] =	ssyncset.done $0x0  }
0x88: {  	[sflag:s31] =	ssyncadd.s32 $0xFFFFC000  }
0x89: {  	_ =	swait.ge [sflag:s31], $0x4000  }
0x8a: {  	v28 =	vadd.f32 v28, v7;
	v7 =	vsel vm5, v18, v23;
	v18 =	vsub.f32 v27, v20;
	[sflag:s31] =	ssyncset.done $0x0  }
0x8b: {  	v10 =	vmul.f32 v21, v10;
	s10 =	simm.s32 $0x0;
	v17 =	vadd.f32 v17, v25;
	v24 =	vsub.f32 v24, v8;
	[sflag:s31] =	ssyncadd.s32 $0xFFFFC000  }
0x8c: {  	v20 =	vsub.f32 v7, v23;
	v23 =	vnsel vm5, $0x0, v19;
	vm5 =	veq.f32 v14, v14;
	v27 =	vld [tilespmem:s10+$0x10]  }
0x8d: {  	v25 =	vsub.f32 v26, v12;
	v21 =	vmul.f32 v10, v21;
	vm5 =	vmand vm5, vm0;
	v7 =	vld [tilespmem:s10+$0x40]  }
0x8e: {  	v26 =	vmul.f32 v18, v16;
	v4 =	vadd.f32 v23, v4;
	v23 =	vmul.f32 v24, v15;
	v10 =	vld [tilespmem:s10+$0x50]  }
0x8f: {  	v16 =	vnsel vm3, $0x0, v16;
	v19 =	vmul.f32 v20, v19;
	v14 =	vsel vm5, v14, v22;
	v8 =	vld [tilespmem:s10+$0x14030]  }
0x90: {  	v12 =	vadd.f32 v21, v28;
	v14 =	vsub.f32 v14, v22;
	v21 =	vmul.f32 v25, v29;
	v22 =	vld [tilespmem:s10+$0x14010]  }
0x91: {  	v15 =	vnsel vm4, $0x0, v15;
	v2 =	vadd.f32 v16, v2;
	v18 =	vmul.f32 v26, v18;
	v26 =	vld [tilespmem:s10+$0x14050]  }
0x92: {  	v1 =	vadd.f32 v15, v1;
	v19 =	vmul.f32 v19, v20;
	v21 =	vmul.f32 v21, v25;
	v25 =	vld [tilespmem:s10+$0x8050]  }
0x93: {  	v16 =	vmul.f32 v23, v24;
	v24 =	vnsel vm5, $0x0, v13;
	v20 =	vnsel vm2, $0x0, v9;
	v28 =	vld [tilespmem:s10+$0x8040]  }
0x94: {  	v9 =	vmul.f32 v11, v9;
	v13 =	vmul.f32 v14, v13;
	v19 =	vadd.f32 v19, v6;
	v15 =	vld [tilespmem:s10+$0x8010]  }
0x95: {  	v6 =	vadd.f32 v24, v4;
	v4 =	vadd.f32 v20, v2;
	v2 =	vnsel vm1, $0x0, v29;
	v29 =	vld [tilespmem:s10+$0x8000]  }
0x96: {  	v16 =	vadd.f32 v16, v3;
	v9 =	vmul.f32 v9, v11;
	v11 =	vadd.f32 v18, v5;
	v18 =	vld [tilespmem:s10+$0x8020]  }
0x97: {  	v13 =	vmul.f32 v13, v14;
	v23 =	vld [tilespmem:s10+$0x14040]  }
0x98: {  	v2 =	vadd.f32 v2, v1;
	v5 =	vadd.f32 v21, v16;
	v3 =	vld [tilespmem:s10+$0x14070]  }
0x99: {  	v9 =	vadd.f32 v9, v11;
	v13 =	vadd.f32 v13, v19;
	v30 =	vld [tilespmem:s10+$0x8070];
	vm1 =	veq.f32 v25, v25  }
0x9a: {  	v24 =	vld [tilespmem:s10+$0x8030];
	vm2 =	veq.f32 v28, v28;
	vm3 =	veq.f32 v15, v15;
	vm5 =	veq.f32 v29, v29  }
0x9b: {  	v14 =	vld [tilespmem:s10+$0x8060];
	vm6 =	veq.f32 v18, v18;
	vm1 =	vmand vm1, vm0;
	vm3 =	vmand vm3, vm0  }
0x9c: {  	v20 =	vld [tilespmem:s10+$0x14000];
	vm2 =	vmand vm2, vm0;
	v16 =	vsel vm1, v25, v26;
	v15 =	vsel vm3, v15, v22  }
0x9d: {  	v19 =	vld [tilespmem:s10+$0x20];
	v1 =	vnsel vm1, $0x0, v10;
	v11 =	vsel vm2, v28, v23;
	v22 =	vsub.f32 v15, v22  }
0x9e: {  	vm1 =	veq.f32 v30, v30;
	v25 =	vnsel vm3, $0x0, v27;
	v11 =	vsub.f32 v11, v23;
	v23 =	vld [tilespmem:s10+$0x14020]  }
0x9f: {  	vm3 =	veq.f32 v24, v24;
	v21 =	vsub.f32 v16, v26;
	v15 =	vld [tilespmem:s10+$0x30];
	v26 =	vmul.f32 v22, v27  }
0xa0: {  	vm1 =	vmand vm1, vm0;
	v16 =	vld [tilespmem:s10+$0x0];
	v25 =	vadd.f32 v25, v17;
	vm4 =	vmand vm3, vm0  }
0xa1: {  	vm3 =	vmand vm5, vm0;
	vm5 =	vmand vm6, vm0;
	v17 =	vld [tilespmem:s10+$0x60];
	v28 =	vmul.f32 v26, v22  }
0xa2: {  	s3 =	simm.s32 $0x200;
	v24 =	vsel vm4, v24, v8;
	v27 =	vsel vm3, v29, v20;
	v22 =	vld [tilespmem:s10+$0x14060];
	v26 =	vsel vm1, v30, v3  }
.LBB2_7:
0xa3: {  	p0 =	sne.s32 s3, $0xFE00;
	v12 =	vadd.f32 v28, v12;
	v18 =	vsel vm5, v18, v23;
	v10 =	vmul.f32 v21, v10;
	v28 =	vld [tilespmem:s10+$0x70];
	s10 =	sshra.s32 s3, $0x2;
	s3 =	sadd.s32 $0x200, s3  }
0xa4: {  	v20 =	vsub.f32 v27, v20;
	v29 =	vld [tilespmem:s10+$0x10];
	v18 =	vsub.f32 v18, v23;
	v23 =	vnsel vm2, $0x0, v7  }
0xa5: {  	v25 =	vadd.f32 v1, v25;
	vm2 =	veq.f32 v14, v14;
	v27 =	vld [tilespmem:s10+$0x40];
	v21 =	vmul.f32 v10, v21  }
0xa6: {  	v1 =	vnsel vm5, $0x0, v19;
	v30 =	vnsel vm4, $0x0, v15;
	vm2 =	vmand vm2, vm0;
	v10 =	vld [tilespmem:s10+$0x50]  }
0xa7: {  	v24 =	vsub.f32 v24, v8;
	v3 =	vsub.f32 v26, v3;
	v19 =	vmul.f32 v18, v19;
	v8 =	vld [tilespmem:s10+$0x14030]  }
0xa8: {  	v31 =	vmul.f32 v20, v16;
	v14 =	vsel vm2, v14, v22;
	v32 =	vnsel vm2, $0x0, v17;
	v26 =	vld [tilespmem:s10+$0x14010]  }
0xa9: {  	v12 =	vadd.f32 v21, v12;
	v14 =	vsub.f32 v14, v22;
	v21 =	vmul.f32 v3, v28;
	v33 =	vld [tilespmem:s10+$0x14050]  }
0xaa: {  	v1 =	vadd.f32 v1, v6;
	v6 =	vmul.f32 v24, v15;
	v20 =	vmul.f32 v31, v20;
	v22 =	vld [tilespmem:s10+$0x8050]  }
0xab: {  	v16 =	vnsel vm3, $0x0, v16;
	v18 =	vmul.f32 v19, v18;
	v19 =	vmul.f32 v21, v3;
	v15 =	vld [tilespmem:s10+$0x14040]  }
0xac: {  	v4 =	vadd.f32 v16, v4;
	v16 =	vmul.f32 v6, v24;
	v17 =	vmul.f32 v14, v17;
	v21 =	vld [tilespmem:s10+$0x8040]  }
0xad: {  	v6 =	vadd.f32 v32, v1;
	v13 =	vadd.f32 v18, v13;
	v18 =	vmul.f32 v11, v7;
	v7 =	vmovc v27;
	v24 =	vld [tilespmem:s10+$0x8010]  }
0xae: {  	v1 =	vadd.f32 v30, v2;
	v4 =	vadd.f32 v23, v4;
	v2 =	vnsel vm1, $0x0, v28;
	v3 =	vld [tilespmem:s10+$0x14070]  }
0xaf: {  	v5 =	vadd.f32 v16, v5;
	v16 =	vmul.f32 v18, v11;
	v27 =	vld [tilespmem:s10+$0x8000];
	vm1 =	veq.f32 v22, v22  }
0xb0: {  	v9 =	vadd.f32 v20, v9;
	v2 =	vadd.f32 v2, v1;
	vm1 =	vmand vm1, vm0;
	v30 =	vld [tilespmem:s10+$0x8070]  }
0xb1: {  	v31 =	vld [tilespmem:s10+$0x8030];
	vm2 =	veq.f32 v21, v21;
	v22 =	vsel vm1, v22, v33;
	v1 =	vnsel vm1, $0x0, v10  }
0xb2: {  	v17 =	vmul.f32 v17, v14;
	vm1 =	veq.f32 v24, v24;
	v18 =	vld [tilespmem:s10+$0x8020];
	vm2 =	vmand vm2, vm0  }
0xb3: {  	v5 =	vadd.f32 v19, v5;
	vm1 =	vmand vm1, vm0;
	v11 =	vsel vm2, v21, v15;
	v14 =	vld [tilespmem:s10+$0x8060]  }
0xb4: {  	v20 =	vld [tilespmem:s10+$0x14000];
	vm3 =	veq.f32 v27, v27;
	v19 =	vsel vm1, v24, v26;
	v11 =	vsub.f32 v11, v15  }
0xb5: {  	v21 =	vsub.f32 v22, v33;
	v24 =	vsub.f32 v19, v26;
	v23 =	vld [tilespmem:s10+$0x14020];
	vm4 =	veq.f32 v30, v30  }
.Ltmp2:
0xb6: {  	v13 =	vadd.f32 v17, v13;
	v22 =	vnsel vm1, $0x0, v29;
	v19 =	vld [tilespmem:s10+$0x20];
	vm5 =	veq.f32 v31, v31;
	(pc) =	sbr.rel @p0 .LBB2_7-.Ltmp2, $4  }
0xb7: {  	v9 =	vadd.f32 v16, v9;
	vm1 =	vmand vm4, vm0;
	v17 =	vmul.f32 v24, v29;
	v15 =	vld [tilespmem:s10+$0x30]  }
0xb8: {  	v25 =	vadd.f32 v22, v25;
	vm6 =	veq.f32 v18, v18;
	vm4 =	vmand vm5, vm0;
	v16 =	vld [tilespmem:s10+$0x0]  }
0xb9: {  	vm3 =	vmand vm3, vm0;
	v28 =	vmul.f32 v17, v24;
	v24 =	vsel vm4, v31, v8;
	v22 =	vld [tilespmem:s10+$0x14060]  }
0xba: {  	v26 =	vsel vm1, v30, v3;
	vm5 =	vmand vm6, vm0;
	v27 =	vsel vm3, v27, v20;
	v17 =	vld [tilespmem:s10+$0x60]  }
0xbb: {  	s3 =	sadd.s32 s9, s15  }
0xbc: {  	s11 =	sshll.u32 s3, $0xE  }
0xbd: {  	s3 =	sshll.u32 s3, $0x7;
	s12 =	sand.u32 $0x3E0000, s11  }
0xbe: {  	s3 =	sand.u32 $0x380, s3;
	s12 =	sadd.s32 s5, s12  }
0xbf: {  	s3 =	sor.u32 s3, s12  }
0xc0: {  	s3 =	sshrl.u32 s3, $0x3  }
0xc1: {  	s11 =	sadd.s32 s6, s11;
	s3 =	sadd.s32 s4, s3  }
0xc2: {  	v29 =	vld [tilespmem:s10+$0x70];
	[tilespmem:s25], [sflag:$0x2] =	stream.strided.gather [hbm4b:s3+s21], $0x4000, s22, s21, $0x38  }
0xc3: {  	s3 =	sshrl.u32 s11, $0x3  }
0xc4: {  	s12 =	simm.s32 $0x0;
	s3 =	sadd.s32 s1, s3  }
0xc5: {  	[tilespmem:s26], [sflag:$0x2] =	stream.linear.gather [hbm4b:s3+s12], $0x4000, $0x38;
	[tilespmem:$0x1C080] =	vst v63  }
0xc6: {  	_ =	swait.ge [sflag:s0], $0x4000  }
0xc7: {  	[sflag:s0] =	ssyncset.done $0x0  }
0xc8: {  	v12 =	vadd.f32 v28, v12;
	v18 =	vsel vm5, v18, v23;
	v20 =	vsub.f32 v27, v20;
	[sflag:s0] =	ssyncadd.s32 $0xFFFFC000  }
0xc9: {  	v10 =	vmul.f32 v21, v10;
	v25 =	vadd.f32 v1, v25;
	v26 =	vsub.f32 v26, v3;
	_ =	swait.ge [sflag:s0], $0x4000  }
0xca: {  	v8 =	vsub.f32 v24, v8;
	v24 =	vnsel vm2, $0x0, v7;
	v18 =	vsub.f32 v18, v23;
	[sflag:s0] =	ssyncset.done $0x0  }
0xcb: {  	s10 =	simm.s32 $0x0;
	v23 =	vnsel vm5, $0x0, v19;
	vm5 =	veq.f32 v14, v14;
	v21 =	vmul.f32 v10, v21;
	[sflag:s0] =	ssyncadd.s32 $0xFFFFC000  }
0xcc: {  	vm5 =	vmand vm5, vm0;
	v28 =	vmul.f32 v20, v16;
	v6 =	vadd.f32 v23, v6;
	v27 =	vld [tilespmem:s10+$0x10]  }
0xcd: {  	v23 =	vmul.f32 v8, v15;
	v16 =	vnsel vm3, $0x0, v16;
	v15 =	vnsel vm4, $0x0, v15;
	v1 =	vld [tilespmem:s10+$0x40]  }
0xce: {  	v19 =	vmul.f32 v18, v19;
	v14 =	vsel vm5, v14, v22;
	v16 =	vadd.f32 v16, v4;
	v10 =	vld [tilespmem:s10+$0x50]  }
0xcf: {  	v12 =	vadd.f32 v21, v12;
	v14 =	vsub.f32 v14, v22;
	v20 =	vmul.f32 v28, v20;
	v3 =	vld [tilespmem:s10+$0x18030]  }
0xd0: {  	v4 =	vnsel vm5, $0x0, v17;
	v21 =	vmul.f32 v26, v29;
	v18 =	vmul.f32 v19, v18;
	v22 =	vld [tilespmem:s10+$0x18010]  }
0xd1: {  	v8 =	vmul.f32 v23, v8;
	v4 =	vadd.f32 v4, v6;
	v6 =	vadd.f32 v15, v2;
	v19 =	vld [tilespmem:s10+$0x18050]  }
0xd2: {  	v21 =	vmul.f32 v21, v26;
	v13 =	vadd.f32 v18, v13;
	v18 =	vmul.f32 v11, v7;
	v26 =	vld [tilespmem:s10+$0xC050]  }
0xd3: {  	v2 =	vadd.f32 v24, v16;
	v16 =	vnsel vm1, $0x0, v29;
	v17 =	vmul.f32 v14, v17;
	v28 =	vld [tilespmem:s10+$0xC040]  }
0xd4: {  	v8 =	vadd.f32 v8, v5;
	v9 =	vadd.f32 v20, v9;
	v18 =	vmul.f32 v18, v11;
	v15 =	vld [tilespmem:s10+$0xC010]  }
0xd5: {  	v5 =	vadd.f32 v16, v6;
	v11 =	vmul.f32 v17, v14;
	v17 =	vld [tilespmem:s10+$0xC000]  }
0xd6: {  	v6 =	vadd.f32 v21, v8;
	v8 =	vadd.f32 v18, v9;
	v18 =	vld [tilespmem:s10+$0xC020]  }
0xd7: {  	v23 =	vld [tilespmem:s10+$0x18040]  }
0xd8: {  	v7 =	vld [tilespmem:s10+$0x18070]  }
0xd9: {  	v11 =	vadd.f32 v11, v13;
	v29 =	vld [tilespmem:s10+$0xC070];
	vm1 =	veq.f32 v26, v26  }
0xda: {  	v20 =	vld [tilespmem:s10+$0xC030];
	vm2 =	veq.f32 v28, v28;
	vm4 =	veq.f32 v15, v15;
	vm5 =	veq.f32 v17, v17  }
0xdb: {  	v14 =	vld [tilespmem:s10+$0xC060];
	vm6 =	veq.f32 v18, v18;
	vm3 =	vmand vm2, vm0;
	vm2 =	vmand vm4, vm0  }
0xdc: {  	v21 =	vld [tilespmem:s10+$0x18000];
	vm1 =	vmand vm1, vm0;
	v9 =	vsel vm3, v28, v23;
	v15 =	vsel vm2, v15, v22  }
0xdd: {  	v16 =	vsel vm1, v26, v19;
	v9 =	vsub.f32 v9, v23;
	v24 =	vsub.f32 v15, v22;
	v23 =	vld [tilespmem:s10+$0x18020]  }
0xde: {  	v13 =	vnsel vm1, $0x0, v10;
	vm1 =	veq.f32 v29, v29;
	v22 =	vsub.f32 v16, v19;
	v19 =	vld [tilespmem:s10+$0x20]  }
0xdf: {  	v26 =	vnsel vm2, $0x0, v27;
	vm2 =	veq.f32 v20, v20;
	v15 =	vld [tilespmem:s10+$0x30];
	v27 =	vmul.f32 v24, v27  }
0xe0: {  	vm1 =	vmand vm1, vm0;
	v16 =	vld [tilespmem:s10+$0x0];
	v25 =	vadd.f32 v26, v25;
	vm4 =	vmand vm2, vm0  }
0xe1: {  	vm2 =	vmand vm5, vm0;
	v28 =	vmul.f32 v27, v24;
	v24 =	vsel vm4, v20, v3;
	v20 =	vld [tilespmem:s10+$0x18060]  }
0xe2: {  	s3 =	simm.s32 $0x200;
	vm5 =	vmand vm6, vm0;
	v26 =	vsel vm1, v29, v7;
	v27 =	vsel vm2, v17, v21;
	v17 =	vld [tilespmem:s10+$0x60]  }
.LBB2_9:
0xe3: {  	p0 =	sne.s32 s3, $0xFE00;
	v12 =	vadd.f32 v28, v12;
	v18 =	vsel vm5, v18, v23;
	v10 =	vmul.f32 v22, v10;
	v28 =	vld [tilespmem:s10+$0x70];
	s10 =	sshra.s32 s3, $0x2;
	s3 =	sadd.s32 $0x200, s3  }
0xe4: {  	v21 =	vsub.f32 v27, v21;
	v29 =	vld [tilespmem:s10+$0x10];
	v18 =	vsub.f32 v18, v23;
	v23 =	vnsel vm3, $0x0, v1  }
0xe5: {  	v25 =	vadd.f32 v13, v25;
	vm3 =	veq.f32 v14, v14;
	v27 =	vld [tilespmem:s10+$0x40];
	v22 =	vmul.f32 v10, v22  }
0xe6: {  	v13 =	vnsel vm5, $0x0, v19;
	v30 =	vnsel vm4, $0x0, v15;
	vm3 =	vmand vm3, vm0;
	v10 =	vld [tilespmem:s10+$0x50]  }
0xe7: {  	v24 =	vsub.f32 v24, v3;
	v7 =	vsub.f32 v26, v7;
	v19 =	vmul.f32 v18, v19;
	v3 =	vld [tilespmem:s10+$0x18030]  }
0xe8: {  	v31 =	vmul.f32 v21, v16;
	v14 =	vsel vm3, v14, v20;
	v32 =	vnsel vm3, $0x0, v17;
	v26 =	vld [tilespmem:s10+$0x18010]  }
0xe9: {  	v12 =	vadd.f32 v22, v12;
	v14 =	vsub.f32 v14, v20;
	v20 =	vmul.f32 v7, v28;
	v33 =	vld [tilespmem:s10+$0x18050]  }
0xea: {  	v4 =	vadd.f32 v13, v4;
	v13 =	vmul.f32 v24, v15;
	v21 =	vmul.f32 v31, v21;
	v22 =	vld [tilespmem:s10+$0xC050]  }
0xeb: {  	v16 =	vnsel vm2, $0x0, v16;
	v18 =	vmul.f32 v19, v18;
	v19 =	vmul.f32 v20, v7;
	v15 =	vld [tilespmem:s10+$0x18040]  }
0xec: {  	v2 =	vadd.f32 v16, v2;
	v13 =	vmul.f32 v13, v24;
	v16 =	vmul.f32 v14, v17;
	v20 =	vld [tilespmem:s10+$0xC040]  }
0xed: {  	v4 =	vadd.f32 v32, v4;
	v11 =	vadd.f32 v18, v11;
	v18 =	vmul.f32 v9, v1;
	v1 =	vmovc v27;
	v17 =	vld [tilespmem:s10+$0xC010]  }
0xee: {  	v5 =	vadd.f32 v30, v5;
	v2 =	vadd.f32 v23, v2;
	v23 =	vnsel vm1, $0x0, v28;
	v7 =	vld [tilespmem:s10+$0x18070]  }
0xef: {  	v6 =	vadd.f32 v13, v6;
	v24 =	vmul.f32 v18, v9;
	v27 =	vld [tilespmem:s10+$0xC000];
	vm1 =	veq.f32 v22, v22  }
0xf0: {  	v8 =	vadd.f32 v21, v8;
	v5 =	vadd.f32 v23, v5;
	vm1 =	vmand vm1, vm0;
	v30 =	vld [tilespmem:s10+$0xC070]  }
0xf1: {  	v31 =	vld [tilespmem:s10+$0xC030];
	vm2 =	veq.f32 v20, v20;
	v22 =	vsel vm1, v22, v33;
	v13 =	vnsel vm1, $0x0, v10  }
0xf2: {  	v16 =	vmul.f32 v16, v14;
	vm1 =	veq.f32 v17, v17;
	v18 =	vld [tilespmem:s10+$0xC020];
	vm3 =	vmand vm2, vm0  }
0xf3: {  	v6 =	vadd.f32 v19, v6;
	vm1 =	vmand vm1, vm0;
	v9 =	vsel vm3, v20, v15;
	v14 =	vld [tilespmem:s10+$0xC060]  }
0xf4: {  	v21 =	vld [tilespmem:s10+$0x18000];
	vm2 =	veq.f32 v27, v27;
	v17 =	vsel vm1, v17, v26;
	v9 =	vsub.f32 v9, v15  }
0xf5: {  	v22 =	vsub.f32 v22, v33;
	v17 =	vsub.f32 v17, v26;
	v23 =	vld [tilespmem:s10+$0x18020];
	vm4 =	veq.f32 v30, v30  }
.Ltmp3:
0xf6: {  	v11 =	vadd.f32 v16, v11;
	v20 =	vnsel vm1, $0x0, v29;
	v19 =	vld [tilespmem:s10+$0x20];
	vm5 =	veq.f32 v31, v31;
	(pc) =	sbr.rel @p0 .LBB2_9-.Ltmp3, $4  }
0xf7: {  	v8 =	vadd.f32 v24, v8;
	vm1 =	vmand vm4, vm0;
	v26 =	vmul.f32 v17, v29;
	v15 =	vld [tilespmem:s10+$0x30]  }
0xf8: {  	v25 =	vadd.f32 v20, v25;
	vm6 =	veq.f32 v18, v18;
	vm4 =	vmand vm5, vm0;
	v16 =	vld [tilespmem:s10+$0x0]  }
0xf9: {  	vm2 =	vmand vm2, vm0;
	v24 =	vsel vm4, v31, v3;
	v28 =	vmul.f32 v26, v17;
	v20 =	vld [tilespmem:s10+$0x18060]  }
0xfa: {  	vm5 =	vmand vm6, vm0;
	v27 =	vsel vm2, v27, v21;
	v26 =	vsel vm1, v30, v7;
	v17 =	vld [tilespmem:s10+$0x60]  }
0xfb: {  	v10 =	vmul.f32 v22, v10  }
0xfc: {  	v12 =	vadd.f32 v28, v12;
	v18 =	vsel vm5, v18, v23;
	v21 =	vsub.f32 v27, v21  }
0xfd: {  	v54 =	vnsel vm3, $0x0, v1;
	v13 =	vadd.f32 v13, v25;
	vm3 =	veq.f32 v14, v14  }
0xfe: {  	v55 =	vnsel vm5, $0x0, v19;
	v3 =	vsub.f32 v24, v3;
	v58 =	vsub.f32 v26, v7  }
0xff: {  	v1 =	vmul.f32 v9, v1;
	v18 =	vsub.f32 v18, v23;
	v56 =	vnsel vm4, $0x0, v15  }
0x100: {  	s3 =	sadd.s32 s9, s16;
	v53 =	vld [tilespmem:s10+$0x70];
	vm3 =	vmand vm3, vm0;
	v4 =	vadd.f32 v55, v4;
	v10 =	vmul.f32 v10, v22  }
0x101: {  	s9 =	sshll.u32 s3, $0xE;
	v59 =	vmul.f32 v21, v16;
	v15 =	vmul.f32 v3, v15;
	v62 =	vnsel vm2, $0x0, v16  }
0x102: {  	s3 =	sshll.u32 s3, $0x7;
	s11 =	sand.u32 $0x3E0000, s9;
	v5 =	vadd.f32 v56, v5;
	v9 =	vmul.f32 v1, v9;
	v57 =	vmul.f32 v18, v19  }
0x103: {  	s3 =	sand.u32 $0x380, s3;
	s10 =	sadd.s32 s5, s11;
	v14 =	vsel vm3, v14, v20;
	v2 =	vadd.f32 v62, v2;
	v60 =	vnsel vm3, $0x0, v17  }
0x104: {  	s8 =	sadd.s32 $0x1, s8;
	s3 =	sor.u32 s3, s10;
	v61 =	vsub.f32 v14, v20;
	v14 =	vmul.f32 v59, v21;
	v3 =	vmul.f32 v15, v3  }
0x105: {  	p0 =	sne.s32 s8, $0xE;
	v7 =	vadd.f32 v10, v12;
	s3 =	sshrl.u32 s3, $0x3;
	v12 =	vmul.f32 v58, v53;
	v18 =	vmul.f32 v57, v18  }
.Ltmp4:
0x106: {  	s12 =	sadd.s32 s6, s9;
	v4 =	vadd.f32 v60, v4;
	v2 =	vadd.f32 v54, v2;
	s3 =	sadd.s32 s4, s3;
	v15 =	vmul.f32 v61, v17;
	(pc) =	sbr.rel @p0 .LBB2_4-.Ltmp4, $4  }
0x107: {  	v63 =	vnsel vm1, $0x0, v53;
	v3 =	vadd.f32 v3, v6;
	v8 =	vadd.f32 v14, v8;
	[tilespmem:s28], [sflag:$0x3] =	stream.strided.gather [hbm4b:s3+s21], $0x4000, s22, s21, $0x38;
	[tilespmem:$0x1C080] =	vst v63  }
0x108: {  	v12 =	vmul.f32 v12, v58;
	v11 =	vadd.f32 v18, v11;
	s3 =	sshrl.u32 s12, $0x3;
	v6 =	vmul.f32 v15, v61  }
0x109: {  	v1 =	vadd.f32 v63, v5;
	s3 =	sadd.s32 s1, s3;
	v5 =	vadd.f32 v9, v8  }
0x10a: {  	[tilespmem:s29], [sflag:$0x3] =	stream.linear.gather [hbm4b:s3+s2], $0x4000, $0x38;
	v3 =	vadd.f32 v12, v3;
	v6 =	vadd.f32 v6, v11;
	[tilespmem:$0x1C080] =	vst v63  }
0x10b: {  	_ =	swait.ge [sflag:s30], $0x4000  }
0x10c: {  	[sflag:s30] =	ssyncset.done $0x0  }
0x10d: {  	[sflag:s30] =	ssyncadd.s32 $0xFFFFC000  }
0x10e: {  	_ =	swait.ge [sflag:s30], $0x4000  }
0x10f: {  	[sflag:s30] =	ssyncset.done $0x0  }
0x110: {  	s8 =	simm.s32 $0x0;
	[sflag:s30] =	ssyncadd.s32 $0xFFFFC000  }
0x111: {  	v15 =	vld [tilespmem:s8+$0x10]  }
0x112: {  	v9 =	vld [tilespmem:s8+$0x40]  }
0x113: {  	v10 =	vld [tilespmem:s8+$0x50]  }
0x114: {  	v8 =	vld [tilespmem:s8+$0x10030]  }
0x115: {  	v16 =	vld [tilespmem:s8+$0x10010]  }
0x116: {  	v18 =	vld [tilespmem:s8+$0x10050]  }
0x117: {  	v11 =	vld [tilespmem:s8+$0x4050]  }
0x118: {  	v21 =	vld [tilespmem:s8+$0x4040]  }
0x119: {  	v22 =	vld [tilespmem:s8+$0x4010]  }
0x11a: {  	v26 =	vld [tilespmem:s8+$0x4000]  }
0x11b: {  	v19 =	vld [tilespmem:s8+$0x4020]  }
0x11c: {  	v20 =	vld [tilespmem:s8+$0x10040]  }
0x11d: {  	v12 =	vld [tilespmem:s8+$0x10070]  }
0x11e: {  	v29 =	vld [tilespmem:s8+$0x4070];
	vm1 =	veq.f32 v11, v11  }
0x11f: {  	v23 =	vld [tilespmem:s8+$0x4030];
	vm2 =	veq.f32 v21, v21;
	vm3 =	veq.f32 v22, v22;
	vm5 =	veq.f32 v26, v26  }
0x120: {  	v14 =	vld [tilespmem:s8+$0x4060];
	vm6 =	veq.f32 v19, v19;
	vm1 =	vmand vm1, vm0;
	vm3 =	vmand vm3, vm0  }
0x121: {  	v24 =	vld [tilespmem:s8+$0x10020];
	vm2 =	vmand vm2, vm0;
	v25 =	vsel vm1, v11, v18;
	v22 =	vsel vm3, v22, v16  }
0x122: {  	v17 =	vnsel vm1, $0x0, v10;
	v11 =	vsel vm2, v21, v20;
	v21 =	vld [tilespmem:s8+$0x10000];
	v27 =	vsub.f32 v22, v16  }
0x123: {  	vm1 =	veq.f32 v29, v29;
	v11 =	vsub.f32 v11, v20;
	v22 =	vsub.f32 v25, v18;
	v20 =	vld [tilespmem:s8+$0x20]  }
0x124: {  	v18 =	vnsel vm3, $0x0, v15;
	vm3 =	veq.f32 v23, v23;
	v16 =	vld [tilespmem:s8+$0x0];
	v28 =	vmul.f32 v27, v15  }
0x125: {  	vm1 =	vmand vm1, vm0;
	v25 =	vadd.f32 v18, v13;
	vm4 =	vmand vm3, vm0;
	v18 =	vld [tilespmem:s8+$0x60]  }
0x126: {  	vm3 =	vmand vm5, vm0;
	vm5 =	vmand vm6, vm0;
	v15 =	vld [tilespmem:s8+$0x30];
	v28 =	vmul.f32 v28, v27  }
0x127: {  	s3 =	simm.s32 $0x200;
	v13 =	vsel vm4, v23, v8;
	v23 =	vld [tilespmem:s8+$0x10060];
	v27 =	vsel vm3, v26, v21;
	v26 =	vsel vm1, v29, v12  }
.LBB2_12:
0x128: {  	p0 =	sne.s32 s3, $0xFE00;
	v7 =	vadd.f32 v28, v7;
	v19 =	vsel vm5, v19, v24;
	v10 =	vmul.f32 v22, v10;
	v28 =	vld [tilespmem:s8+$0x70];
	s8 =	sshra.s32 s3, $0x2;
	s3 =	sadd.s32 $0x200, s3  }
0x129: {  	v21 =	vsub.f32 v27, v21;
	v29 =	vld [tilespmem:s8+$0x10];
	v19 =	vsub.f32 v19, v24;
	v24 =	vnsel vm2, $0x0, v9  }
0x12a: {  	v25 =	vadd.f32 v17, v25;
	vm2 =	veq.f32 v14, v14;
	v27 =	vld [tilespmem:s8+$0x40];
	v22 =	vmul.f32 v10, v22  }
0x12b: {  	v17 =	vnsel vm5, $0x0, v20;
	v30 =	vnsel vm4, $0x0, v15;
	vm2 =	vmand vm2, vm0;
	v10 =	vld [tilespmem:s8+$0x50]  }
0x12c: {  	v13 =	vsub.f32 v13, v8;
	v12 =	vsub.f32 v26, v12;
	v20 =	vmul.f32 v19, v20;
	v8 =	vld [tilespmem:s8+$0x10030]  }
0x12d: {  	v31 =	vmul.f32 v21, v16;
	v14 =	vsel vm2, v14, v23;
	v32 =	vnsel vm2, $0x0, v18;
	v26 =	vld [tilespmem:s8+$0x10010]  }
0x12e: {  	v7 =	vadd.f32 v22, v7;
	v14 =	vsub.f32 v14, v23;
	v22 =	vmul.f32 v12, v28;
	v33 =	vld [tilespmem:s8+$0x10050]  }
0x12f: {  	v4 =	vadd.f32 v17, v4;
	v15 =	vmul.f32 v13, v15;
	v21 =	vmul.f32 v31, v21;
	v23 =	vld [tilespmem:s8+$0x4050]  }
0x130: {  	v16 =	vnsel vm3, $0x0, v16;
	v17 =	vmul.f32 v20, v19;
	v20 =	vmul.f32 v22, v12;
	v31 =	vld [tilespmem:s8+$0x10040]  }
0x131: {  	v2 =	vadd.f32 v16, v2;
	v13 =	vmul.f32 v15, v13;
	v15 =	vmul.f32 v14, v18;
	v22 =	vld [tilespmem:s8+$0x4040]  }
0x132: {  	v4 =	vadd.f32 v32, v4;
	v6 =	vadd.f32 v17, v6;
	v17 =	vmul.f32 v11, v9;
	v9 =	vmovc v27;
	v16 =	vld [tilespmem:s8+$0x4010]  }
0x133: {  	v1 =	vadd.f32 v30, v1;
	v2 =	vadd.f32 v24, v2;
	v18 =	vnsel vm1, $0x0, v28;
	v12 =	vld [tilespmem:s8+$0x10070]  }
0x134: {  	v3 =	vadd.f32 v13, v3;
	v13 =	vmul.f32 v17, v11;
	v27 =	vld [tilespmem:s8+$0x4000];
	vm1 =	veq.f32 v23, v23  }
0x135: {  	v5 =	vadd.f32 v21, v5;
	v1 =	vadd.f32 v18, v1;
	vm1 =	vmand vm1, vm0;
	v30 =	vld [tilespmem:s8+$0x4070]  }
0x136: {  	v18 =	vld [tilespmem:s8+$0x4030];
	vm2 =	veq.f32 v22, v22;
	v23 =	vsel vm1, v23, v33;
	v17 =	vnsel vm1, $0x0, v10  }
0x137: {  	v15 =	vmul.f32 v15, v14;
	vm1 =	veq.f32 v16, v16;
	v19 =	vld [tilespmem:s8+$0x4020];
	vm2 =	vmand vm2, vm0  }
0x138: {  	v3 =	vadd.f32 v20, v3;
	vm1 =	vmand vm1, vm0;
	v11 =	vsel vm2, v22, v31;
	v14 =	vld [tilespmem:s8+$0x4060]  }
0x139: {  	v21 =	vld [tilespmem:s8+$0x10000];
	vm3 =	veq.f32 v27, v27;
	v16 =	vsel vm1, v16, v26;
	v11 =	vsub.f32 v11, v31  }
0x13a: {  	v22 =	vsub.f32 v23, v33;
	v26 =	vsub.f32 v16, v26;
	v24 =	vld [tilespmem:s8+$0x10020];
	vm4 =	veq.f32 v30, v30  }
.Ltmp5:
0x13b: {  	v6 =	vadd.f32 v15, v6;
	v23 =	vnsel vm1, $0x0, v29;
	v20 =	vld [tilespmem:s8+$0x20];
	vm5 =	veq.f32 v18, v18;
	(pc) =	sbr.rel @p0 .LBB2_12-.Ltmp5, $4  }
0x13c: {  	v5 =	vadd.f32 v13, v5;
	vm1 =	vmand vm4, vm0;
	v28 =	vmul.f32 v26, v29;
	v15 =	vld [tilespmem:s8+$0x30]  }
0x13d: {  	v25 =	vadd.f32 v23, v25;
	vm6 =	veq.f32 v19, v19;
	vm4 =	vmand vm5, vm0;
	v16 =	vld [tilespmem:s8+$0x0]  }
0x13e: {  	vm3 =	vmand vm3, vm0;
	v13 =	vsel vm4, v18, v8;
	v28 =	vmul.f32 v28, v26;
	v23 =	vld [tilespmem:s8+$0x10060]  }
0x13f: {  	vm5 =	vmand vm6, vm0;
	v27 =	vsel vm3, v27, v21;
	v26 =	vsel vm1, v30, v12;
	v18 =	vld [tilespmem:s8+$0x60]  }
0x140: {  	v29 =	vld [tilespmem:s8+$0x70];
	_ =	swait.ge [sflag:s31], $0x4000  }
0x141: {  	[sflag:s31] =	ssyncset.done $0x0  }
0x142: {  	[sflag:s31] =	ssyncadd.s32 $0xFFFFC000  }
0x143: {  	_ =	swait.ge [sflag:s31], $0x4000  }
0x144: {  	v28 =	vadd.f32 v28, v7;
	[sflag:s31] =	ssyncset.done $0x0  }
0x145: {  	v7 =	vsel vm5, v19, v24;
	v19 =	vsub.f32 v27, v21;
	s8 =	simm.s32 $0x0;
	v25 =	vadd.f32 v17, v25;
	[sflag:s31] =	ssyncadd.s32 $0xFFFFC000  }
0x146: {  	v10 =	vmul.f32 v22, v10;
	v12 =	vsub.f32 v26, v12;
	v26 =	vsub.f32 v13, v8;
	v27 =	vld [tilespmem:s8+$0x10]  }
0x147: {  	v21 =	vsub.f32 v7, v24;
	v24 =	vnsel vm5, $0x0, v20;
	vm5 =	veq.f32 v14, v14;
	v7 =	vld [tilespmem:s8+$0x40]  }
0x148: {  	v22 =	vmul.f32 v10, v22;
	vm5 =	vmand vm5, vm0;
	v4 =	vadd.f32 v24, v4;
	v10 =	vld [tilespmem:s8+$0x50]  }
0x149: {  	v24 =	vnsel vm2, $0x0, v9;
	v17 =	vmul.f32 v21, v20;
	v14 =	vsel vm5, v14, v23;
	v8 =	vld [tilespmem:s8+$0x14030]  }
0x14a: {  	v20 =	vmul.f32 v19, v16;
	v16 =	vnsel vm3, $0x0, v16;
	v14 =	vsub.f32 v14, v23;
	v23 =	vld [tilespmem:s8+$0x14010]  }
0x14b: {  	v13 =	vadd.f32 v22, v28;
	v22 =	vmul.f32 v12, v29;
	v17 =	vmul.f32 v17, v21;
	v21 =	vld [tilespmem:s8+$0x14050]  }
0x14c: {  	v19 =	vmul.f32 v20, v19;
	v20 =	vmul.f32 v26, v15;
	v15 =	vnsel vm4, $0x0, v15;
	v28 =	vld [tilespmem:s8+$0x8040]  }
0x14d: {  	v9 =	vmul.f32 v11, v9;
	v2 =	vadd.f32 v16, v2;
	v1 =	vadd.f32 v15, v1;
	v30 =	vld [tilespmem:s8+$0x8010]  }
0x14e: {  	v15 =	vnsel vm1, $0x0, v29;
	v29 =	vld [tilespmem:s8+$0x8070];
	v12 =	vmul.f32 v22, v12;
	v16 =	vmul.f32 v20, v26  }
0x14f: {  	v22 =	vld [tilespmem:s8+$0x8050];
	v20 =	vnsel vm5, $0x0, v18;
	v18 =	vmul.f32 v14, v18;
	v17 =	vadd.f32 v17, v6  }
0x150: {  	v9 =	vmul.f32 v9, v11;
	v26 =	vld [tilespmem:s8+$0x14040];
	v11 =	vadd.f32 v19, v5;
	v6 =	vadd.f32 v20, v4  }
0x151: {  	v19 =	vld [tilespmem:s8+$0x20];
	v4 =	vadd.f32 v24, v2;
	v16 =	vadd.f32 v16, v3;
	v14 =	vmul.f32 v18, v14  }
0x152: {  	v18 =	vld [tilespmem:s8+$0x8000];
	v3 =	vadd.f32 v15, v1;
	v11 =	vadd.f32 v9, v11  }
0x153: {  	v24 =	vld [tilespmem:s8+$0x8030];
	v5 =	vadd.f32 v12, v16;
	v14 =	vadd.f32 v14, v17;
	vm2 =	veq.f32 v28, v28  }
0x154: {  	v9 =	vld [tilespmem:s8+$0x8020];
	vm3 =	veq.f32 v30, v30;
	vm1 =	veq.f32 v22, v22;
	vm2 =	vmand vm2, vm0  }
0x155: {  	v2 =	vld [tilespmem:s8+$0x14070];
	vm3 =	vmand vm3, vm0;
	vm1 =	vmand vm1, vm0;
	v12 =	vsel vm2, v28, v26  }
0x156: {  	v20 =	vld [tilespmem:s8+$0x14000];
	v17 =	vsel vm3, v30, v23;
	v16 =	vsel vm1, v22, v21;
	v1 =	vnsel vm1, $0x0, v10  }
0x157: {  	v15 =	vld [tilespmem:s8+$0x8060];
	vm5 =	veq.f32 v18, v18;
	v12 =	vsub.f32 v12, v26;
	v22 =	vsub.f32 v17, v23  }
0x158: {  	v23 =	vld [tilespmem:s8+$0x14020];
	vm1 =	veq.f32 v29, v29;
	v26 =	vnsel vm3, $0x0, v27;
	vm3 =	veq.f32 v24, v24  }
0x159: {  	v17 =	vld [tilespmem:s8+$0x0];
	vm6 =	veq.f32 v9, v9;
	v21 =	vsub.f32 v16, v21;
	v27 =	vmul.f32 v22, v27  }
0x15a: {  	v16 =	vld [tilespmem:s8+$0x30];
	vm1 =	vmand vm1, vm0;
	v25 =	vadd.f32 v26, v25;
	vm4 =	vmand vm3, vm0  }
0x15b: {  	vm3 =	vmand vm5, vm0;
	vm5 =	vmand vm6, vm0;
	v28 =	vmul.f32 v27, v22;
	v22 =	vld [tilespmem:s8+$0x14060]  }
0x15c: {  	s3 =	simm.s32 $0x200;
	v24 =	vsel vm4, v24, v8;
	v26 =	vsel vm1, v29, v2;
	v27 =	vsel vm3, v18, v20;
	v18 =	vld [tilespmem:s8+$0x60]  }
.LBB2_14:
0x15d: {  	p0 =	sne.s32 s3, $0xFE00;
	v13 =	vadd.f32 v28, v13;
	v9 =	vsel vm5, v9, v23;
	v10 =	vmul.f32 v21, v10;
	v28 =	vld [tilespmem:s8+$0x70];
	s8 =	sshra.s32 s3, $0x2;
	s3 =	sadd.s32 $0x200, s3  }
0x15e: {  	v20 =	vsub.f32 v27, v20;
	v29 =	vld [tilespmem:s8+$0x10];
	v9 =	vsub.f32 v9, v23;
	v23 =	vnsel vm2, $0x0, v7  }
0x15f: {  	v25 =	vadd.f32 v1, v25;
	vm2 =	veq.f32 v15, v15;
	v27 =	vld [tilespmem:s8+$0x40];
	v21 =	vmul.f32 v10, v21  }
0x160: {  	v1 =	vnsel vm5, $0x0, v19;
	v30 =	vnsel vm4, $0x0, v16;
	vm2 =	vmand vm2, vm0;
	v10 =	vld [tilespmem:s8+$0x50]  }
0x161: {  	v24 =	vsub.f32 v24, v8;
	v2 =	vsub.f32 v26, v2;
	v19 =	vmul.f32 v9, v19;
	v8 =	vld [tilespmem:s8+$0x14030]  }
0x162: {  	v31 =	vmul.f32 v20, v17;
	v15 =	vsel vm2, v15, v22;
	v32 =	vnsel vm2, $0x0, v18;
	v26 =	vld [tilespmem:s8+$0x14010]  }
0x163: {  	v13 =	vadd.f32 v21, v13;
	v15 =	vsub.f32 v15, v22;
	v21 =	vmul.f32 v2, v28;
	v33 =	vld [tilespmem:s8+$0x14050]  }
0x164: {  	v1 =	vadd.f32 v1, v6;
	v6 =	vmul.f32 v24, v16;
	v20 =	vmul.f32 v31, v20;
	v22 =	vld [tilespmem:s8+$0x8050]  }
0x165: {  	v17 =	vnsel vm3, $0x0, v17;
	v9 =	vmul.f32 v19, v9;
	v19 =	vmul.f32 v21, v2;
	v16 =	vld [tilespmem:s8+$0x14040]  }
0x166: {  	v4 =	vadd.f32 v17, v4;
	v17 =	vmul.f32 v6, v24;
	v18 =	vmul.f32 v15, v18;
	v21 =	vld [tilespmem:s8+$0x8040]  }
0x167: {  	v6 =	vadd.f32 v32, v1;
	v14 =	vadd.f32 v9, v14;
	v9 =	vmul.f32 v12, v7;
	v7 =	vmovc v27;
	v24 =	vld [tilespmem:s8+$0x8010]  }
0x168: {  	v1 =	vadd.f32 v30, v3;
	v4 =	vadd.f32 v23, v4;
	v3 =	vnsel vm1, $0x0, v28;
	v2 =	vld [tilespmem:s8+$0x14070]  }
0x169: {  	v5 =	vadd.f32 v17, v5;
	v17 =	vmul.f32 v9, v12;
	v27 =	vld [tilespmem:s8+$0x8000];
	vm1 =	veq.f32 v22, v22  }
0x16a: {  	v11 =	vadd.f32 v20, v11;
	v3 =	vadd.f32 v3, v1;
	vm1 =	vmand vm1, vm0;
	v30 =	vld [tilespmem:s8+$0x8070]  }
0x16b: {  	v31 =	vld [tilespmem:s8+$0x8030];
	vm2 =	veq.f32 v21, v21;
	v22 =	vsel vm1, v22, v33;
	v1 =	vnsel vm1, $0x0, v10  }
0x16c: {  	v18 =	vmul.f32 v18, v15;
	vm1 =	veq.f32 v24, v24;
	v9 =	vld [tilespmem:s8+$0x8020];
	vm2 =	vmand vm2, vm0  }
0x16d: {  	v5 =	vadd.f32 v19, v5;
	vm1 =	vmand vm1, vm0;
	v12 =	vsel vm2, v21, v16;
	v15 =	vld [tilespmem:s8+$0x8060]  }
0x16e: {  	v20 =	vld [tilespmem:s8+$0x14000];
	vm3 =	veq.f32 v27, v27;
	v19 =	vsel vm1, v24, v26;
	v12 =	vsub.f32 v12, v16  }
0x16f: {  	v21 =	vsub.f32 v22, v33;
	v24 =	vsub.f32 v19, v26;
	v23 =	vld [tilespmem:s8+$0x14020];
	vm4 =	veq.f32 v30, v30  }
.Ltmp6:
0x170: {  	v14 =	vadd.f32 v18, v14;
	v22 =	vnsel vm1, $0x0, v29;
	v19 =	vld [tilespmem:s8+$0x20];
	vm5 =	veq.f32 v31, v31;
	(pc) =	sbr.rel @p0 .LBB2_14-.Ltmp6, $4  }
0x171: {  	v11 =	vadd.f32 v17, v11;
	vm1 =	vmand vm4, vm0;
	v18 =	vmul.f32 v24, v29;
	v16 =	vld [tilespmem:s8+$0x30]  }
0x172: {  	v25 =	vadd.f32 v22, v25;
	vm6 =	veq.f32 v9, v9;
	vm4 =	vmand vm5, vm0;
	v17 =	vld [tilespmem:s8+$0x0]  }
0x173: {  	vm3 =	vmand vm3, vm0;
	v28 =	vmul.f32 v18, v24;
	v24 =	vsel vm4, v31, v8;
	v22 =	vld [tilespmem:s8+$0x14060]  }
0x174: {  	v26 =	vsel vm1, v30, v2;
	vm5 =	vmand vm6, vm0;
	v27 =	vsel vm3, v27, v20;
	v18 =	vld [tilespmem:s8+$0x60]  }
0x175: {  	v29 =	vld [tilespmem:s8+$0x70];
	_ =	swait.ge [sflag:s0], $0x4000  }
0x176: {  	[sflag:s0] =	ssyncset.done $0x0  }
0x177: {  	[sflag:s0] =	ssyncadd.s32 $0xFFFFC000  }
0x178: {  	_ =	swait.ge [sflag:s0], $0x4000  }
0x179: {  	v13 =	vadd.f32 v28, v13;
	[sflag:s0] =	ssyncset.done $0x0  }
0x17a: {  	v9 =	vsel vm5, v9, v23;
	v10 =	vmul.f32 v21, v10;
	v20 =	vsub.f32 v27, v20;
	s8 =	simm.s32 $0x0;
	[sflag:s0] =	ssyncadd.s32 $0xFFFFC000  }
0x17b: {  	v27 =	vnsel vm5, $0x0, v19;
	vm5 =	veq.f32 v15, v15;
	v25 =	vadd.f32 v1, v25;
	v28 =	vld [tilespmem:s8+$0x10]  }
0x17c: {  	v24 =	vsub.f32 v24, v8;
	v23 =	vsub.f32 v9, v23;
	vm5 =	vmand vm5, vm0;
	v1 =	vld [tilespmem:s8+$0x40]  }
0x17d: {  	v10 =	vmul.f32 v10, v21;
	v21 =	vsub.f32 v26, v2;
	v26 =	vmul.f32 v20, v17;
	v9 =	vld [tilespmem:s8+$0x50]  }
0x17e: {  	v6 =	vadd.f32 v27, v6;
	v19 =	vmul.f32 v23, v19;
	v15 =	vsel vm5, v15, v22;
	v2 =	vld [tilespmem:s8+$0x18030]  }
0x17f: {  	v8 =	vadd.f32 v10, v13;
	v13 =	vsub.f32 v15, v22;
	v15 =	vmul.f32 v26, v20;
	v20 =	vld [tilespmem:s8+$0x18010]  }
0x180: {  	v17 =	vnsel vm3, $0x0, v17;
	v22 =	vmul.f32 v24, v16;
	v10 =	vmul.f32 v21, v29;
	v26 =	vld [tilespmem:s8+$0x18050]  }
0x181: {  	v19 =	vmul.f32 v19, v23;
	v23 =	vnsel vm2, $0x0, v7;
	v7 =	vmul.f32 v12, v7;
	v27 =	vld [tilespmem:s8+$0xC050]  }
0x182: {  	v30 =	vld [tilespmem:s8+$0xC010];
	v11 =	vadd.f32 v15, v11;
	v21 =	vmul.f32 v10, v21;
	v10 =	vnsel vm4, $0x0, v16  }
0x183: {  	v31 =	vld [tilespmem:s8+$0xC030];
	v16 =	vadd.f32 v17, v4;
	v17 =	vmul.f32 v22, v24;
	v4 =	vnsel vm5, $0x0, v18  }
0x184: {  	v18 =	vmul.f32 v13, v18;
	v14 =	vadd.f32 v19, v14;
	v24 =	vld [tilespmem:s8+$0xC040];
	v4 =	vadd.f32 v4, v6  }
0x185: {  	v7 =	vmul.f32 v7, v12;
	v19 =	vld [tilespmem:s8+$0xC020];
	v6 =	vadd.f32 v10, v3;
	v3 =	vadd.f32 v23, v16  }
0x186: {  	v22 =	vld [tilespmem:s8+$0x18040];
	v16 =	vnsel vm1, $0x0, v29;
	v17 =	vadd.f32 v17, v5;
	v12 =	vmul.f32 v18, v13  }
0x187: {  	v18 =	vld [tilespmem:s8+$0xC000];
	v7 =	vadd.f32 v7, v11;
	v5 =	vadd.f32 v16, v6  }
0x188: {  	v29 =	vld [tilespmem:s8+$0xC070];
	v6 =	vadd.f32 v21, v17;
	v12 =	vadd.f32 v12, v14;
	vm1 =	veq.f32 v27, v27  }
0x189: {  	v10 =	vld [tilespmem:s8+$0x18070];
	vm3 =	veq.f32 v30, v30;
	vm1 =	vmand vm1, vm0;
	vm2 =	veq.f32 v24, v24  }
0x18a: {  	v23 =	vld [tilespmem:s8+$0x18020];
	vm3 =	vmand vm3, vm0;
	vm6 =	veq.f32 v19, v19;
	v15 =	vsel vm1, v27, v26  }
0x18b: {  	v21 =	vld [tilespmem:s8+$0x18000];
	vm2 =	vmand vm2, vm0;
	v13 =	vnsel vm1, $0x0, v9;
	v16 =	vsel vm3, v30, v20  }
0x18c: {  	v14 =	vld [tilespmem:s8+$0xC060];
	v11 =	vsel vm2, v24, v22;
	vm5 =	veq.f32 v18, v18;
	v24 =	vsub.f32 v16, v20  }
0x18d: {  	v17 =	vld [tilespmem:s8+$0x20];
	vm1 =	veq.f32 v29, v29;
	v20 =	vnsel vm3, $0x0, v28;
	vm3 =	veq.f32 v31, v31  }
0x18e: {  	v16 =	vld [tilespmem:s8+$0x0];
	v11 =	vsub.f32 v11, v22;
	v22 =	vsub.f32 v15, v26;
	v26 =	vmul.f32 v24, v28  }
0x18f: {  	v15 =	vld [tilespmem:s8+$0x30];
	vm1 =	vmand vm1, vm0;
	vm4 =	vmand vm3, vm0;
	vm3 =	vmand vm5, vm0  }
0x190: {  	v20 =	vadd.f32 v20, v25;
	v28 =	vsel vm3, v18, v21;
	v18 =	vld [tilespmem:s8+$0x60];
	v27 =	vmul.f32 v26, v24  }
0x191: {  	s3 =	simm.s32 $0x200;
	vm5 =	vmand vm6, vm0;
	v25 =	vsel vm4, v31, v2;
	v24 =	vld [tilespmem:s8+$0x18060];
	v26 =	vsel vm1, v29, v10  }
.LBB2_16:
0x192: {  	p0 =	sne.s32 s3, $0xFE00;
	v8 =	vadd.f32 v27, v8;
	v19 =	vsel vm5, v19, v23;
	v9 =	vmul.f32 v22, v9;
	v27 =	vld [tilespmem:s8+$0x70];
	s8 =	sshra.s32 s3, $0x2;
	s3 =	sadd.s32 $0x200, s3  }
0x193: {  	v21 =	vsub.f32 v28, v21;
	v29 =	vld [tilespmem:s8+$0x10];
	v19 =	vsub.f32 v19, v23;
	v23 =	vnsel vm2, $0x0, v1  }
0x194: {  	v20 =	vadd.f32 v13, v20;
	vm2 =	veq.f32 v14, v14;
	v28 =	vld [tilespmem:s8+$0x40];
	v22 =	vmul.f32 v9, v22  }
0x195: {  	v13 =	vnsel vm5, $0x0, v17;
	v30 =	vnsel vm4, $0x0, v15;
	vm2 =	vmand vm2, vm0;
	v9 =	vld [tilespmem:s8+$0x50]  }
0x196: {  	v25 =	vsub.f32 v25, v2;
	v10 =	vsub.f32 v26, v10;
	v17 =	vmul.f32 v19, v17;
	v2 =	vld [tilespmem:s8+$0x18030]  }
0x197: {  	v31 =	vmul.f32 v21, v16;
	v14 =	vsel vm2, v14, v24;
	v32 =	vnsel vm2, $0x0, v18;
	v26 =	vld [tilespmem:s8+$0x18010]  }
0x198: {  	v8 =	vadd.f32 v22, v8;
	v14 =	vsub.f32 v14, v24;
	v22 =	vmul.f32 v10, v27;
	v33 =	vld [tilespmem:s8+$0x18050]  }
0x199: {  	v4 =	vadd.f32 v13, v4;
	v13 =	vmul.f32 v25, v15;
	v21 =	vmul.f32 v31, v21;
	v24 =	vld [tilespmem:s8+$0xC050]  }
0x19a: {  	v16 =	vnsel vm3, $0x0, v16;
	v17 =	vmul.f32 v17, v19;
	v22 =	vmul.f32 v22, v10;
	v15 =	vld [tilespmem:s8+$0x18040]  }
0x19b: {  	v3 =	vadd.f32 v16, v3;
	v13 =	vmul.f32 v13, v25;
	v16 =	vmul.f32 v14, v18;
	v31 =	vld [tilespmem:s8+$0xC040]  }
0x19c: {  	v4 =	vadd.f32 v32, v4;
	v12 =	vadd.f32 v17, v12;
	v17 =	vmul.f32 v11, v1;
	v1 =	vmovc v28;
	v18 =	vld [tilespmem:s8+$0xC010]  }
0x19d: {  	v5 =	vadd.f32 v30, v5;
	v3 =	vadd.f32 v23, v3;
	v19 =	vnsel vm1, $0x0, v27;
	v10 =	vld [tilespmem:s8+$0x18070]  }
0x19e: {  	v6 =	vadd.f32 v13, v6;
	v25 =	vmul.f32 v17, v11;
	v28 =	vld [tilespmem:s8+$0xC000];
	vm1 =	veq.f32 v24, v24  }
0x19f: {  	v7 =	vadd.f32 v21, v7;
	v5 =	vadd.f32 v19, v5;
	vm1 =	vmand vm1, vm0;
	v30 =	vld [tilespmem:s8+$0xC070]  }
0x1a0: {  	v32 =	vld [tilespmem:s8+$0xC030];
	vm2 =	veq.f32 v31, v31;
	v17 =	vsel vm1, v24, v33;
	v13 =	vnsel vm1, $0x0, v9  }
0x1a1: {  	v16 =	vmul.f32 v16, v14;
	vm1 =	veq.f32 v18, v18;
	v19 =	vld [tilespmem:s8+$0xC020];
	vm2 =	vmand vm2, vm0  }
0x1a2: {  	v6 =	vadd.f32 v22, v6;
	vm1 =	vmand vm1, vm0;
	v11 =	vsel vm2, v31, v15;
	v14 =	vld [tilespmem:s8+$0xC060]  }
0x1a3: {  	v21 =	vld [tilespmem:s8+$0x18000];
	vm3 =	veq.f32 v28, v28;
	v18 =	vsel vm1, v18, v26;
	v11 =	vsub.f32 v11, v15  }
0x1a4: {  	v22 =	vsub.f32 v17, v33;
	v18 =	vsub.f32 v18, v26;
	v23 =	vld [tilespmem:s8+$0x18020];
	vm4 =	veq.f32 v30, v30  }
.Ltmp7:
0x1a5: {  	v12 =	vadd.f32 v16, v12;
	v24 =	vnsel vm1, $0x0, v29;
	v17 =	vld [tilespmem:s8+$0x20];
	vm5 =	veq.f32 v32, v32;
	(pc) =	sbr.rel @p0 .LBB2_16-.Ltmp7, $4  }
0x1a6: {  	v7 =	vadd.f32 v25, v7;
	vm1 =	vmand vm4, vm0;
	v26 =	vmul.f32 v18, v29;
	v15 =	vld [tilespmem:s8+$0x30]  }
0x1a7: {  	v20 =	vadd.f32 v24, v20;
	vm6 =	veq.f32 v19, v19;
	vm4 =	vmand vm5, vm0;
	v16 =	vld [tilespmem:s8+$0x0]  }
0x1a8: {  	vm3 =	vmand vm3, vm0;
	v25 =	vsel vm4, v32, v2;
	v27 =	vmul.f32 v26, v18;
	v24 =	vld [tilespmem:s8+$0x18060]  }
0x1a9: {  	vm5 =	vmand vm6, vm0;
	v28 =	vsel vm3, v28, v21;
	v26 =	vsel vm1, v30, v10;
	v18 =	vld [tilespmem:s8+$0x60]  }
0x1aa: {  	v19 =	vsel vm5, v19, v23  }
0x1ab: {  	v9 =	vmul.f32 v22, v9;
	v29 =	vld [tilespmem:s8+$0x70];
	v21 =	vsub.f32 v28, v21;
	vm6 =	veq.f32 v14, v14  }
0x1ac: {  	v2 =	vsub.f32 v25, v2;
	v10 =	vsub.f32 v26, v10;
	v54 =	vmul.f32 v11, v1  }
0x1ad: {  	v19 =	vsub.f32 v19, v23;
	vm6 =	vmand vm6, vm0;
	v50 =	vmul.f32 v21, v16  }
0x1ae: {  	v9 =	vmul.f32 v9, v22;
	v25 =	vmul.f32 v2, v15;
	v51 =	vsel vm6, v14, v24  }
0x1af: {  	v23 =	vmul.f32 v19, v17;
	v14 =	vsub.f32 v51, v24;
	v21 =	vmul.f32 v50, v21  }
0x1b0: {  	v2 =	vmul.f32 v25, v2;
	v52 =	vmul.f32 v10, v29  }
0x1b1: {  	v8 =	vadd.f32 v27, v8;
	v19 =	vmul.f32 v23, v19;
	v53 =	vmul.f32 v14, v18  }
0x1b2: {  	v55 =	vmul.f32 v54, v11;
	v2 =	vadd.f32 v2, v6;
	v7 =	vadd.f32 v21, v7  }
0x1b3: {  	v10 =	vmul.f32 v52, v10;
	v12 =	vadd.f32 v19, v12;
	v56 =	vmul.f32 v53, v14  }
0x1b4: {  	v1 =	vnsel vm2, $0x0, v1;
	v8 =	vadd.f32 v9, v8;
	v6 =	vadd.f32 v55, v7  }
0x1b5: {  	v57 =	vnsel vm5, $0x0, v17;
	v2 =	vadd.f32 v10, v2;
	v58 =	vadd.f32 v56, v12  }
0x1b6: {  	v59 =	vadd.f32 v13, v20;
	v60 =	vnsel vm4, $0x0, v15;
	v4 =	vadd.f32 v57, v4  }
0x1b7: {  	v61 =	vnsel vm3, $0x0, v16;
	v6 =	vadd.f32 v8, v6;
	v2 =	vadd.f32 v2, v58  }
0x1b8: {  	v5 =	vadd.f32 v60, v5;
	v3 =	vadd.f32 v61, v3;
	v62 =	vnsel vm6, $0x0, v18  }
0x1b9: {  	v4 =	vadd.f32 v62, v4;
	v63 =	vnsel vm1, $0x0, v29;
	v2 =	vadd.f32 v2, v6  }
0x1ba: {  	v1 =	vadd.f32 v1, v3;
	v3 =	vadd.f32 v63, v5  }
0x1bb: {  	s3 =	simm.s32 $0x1C000;
	[tilespmem:$0x1C000] =	vst v2  }
0x1bc: {  	v1 =	vadd.f32 v59, v1;
	v2 =	vadd.f32 v3, v4;
	[hbm4b:s17+s2] =	stream.linear.scatter [tilespmem:s3], [sflag:$0x4], $0x80, $0x38;
	[tilespmem:$0x1C080] =	vst v63  }
0x1bd: {  	_ =	swait.ge [sflag:s20], $0x80  }
0x1be: {  	s7 =	sadd.s32 $0x1, s7;
	v1 =	vadd.f32 v2, v1;
	[sflag:s20] =	ssyncset.done $0x0  }
0x1bf: {  	p0 =	sne.s32 s7, s19;
	[sflag:s20] =	ssyncadd.s32 $0xFFFFFF80  }
.Ltmp8:
0x1c0: {  	[tilespmem:$0x1C000] =	vst v1;
	(pc) =	sbr.rel @p0 .LBB2_1-.Ltmp8, $4  }
0x1c1: {  	[hbm4b:s18+s2] =	stream.linear.scatter [tilespmem:s3], [sflag:$0x4], $0x80, $0x38;
	[tilespmem:$0x1C080] =	vst v63  }
0x1c2: {  	_ =	swait.ge [sflag:s20], $0x80  }
0x1c3: {  	[sflag:s20] =	ssyncset.done $0x0  }
0x1c4: {  	[sflag:s20] =	ssyncadd.s32 $0xFFFFFF80  }
0x1c5: {  	_ =	sfence.sel $0x180000  }
0x1c6: {  	[bflag:$0x0] =	sbarrier.arrive $0xFFFF  }
0x1c7: {  	_ =	strace $0x90000047  }
0x1c8: {  	s0 =	stileid.u32;
	[bflag:$0x2] =	sbarrier.arrive $0xFFFF  }
0x1c9: {  	p0 =	sne.s32 s0, $0x0;
	s0 =	rddreg [dreg:$0x3]  }
0x1ca: {  	s0 =	sadd.s32 @!p0 $0x100000, s0  }
0x1cb: {  	[sflag:s0] =	ssyncadd.tile.s32 @!p0 $0x1;
	_ =	shalt  }
.Lfunc_end2:
_tile_overlayer_lowered:
.L_overlay_start_2:
0x1cc: {  	(tag) =	ssettag $0x2  }
0x1cd: {  	s0 =	rddreg [dreg:$0x0];
	s2 =	stileid.u32  }
0x1ce: {  	s1 =	rddreg [dreg:$0x1];
	p0 =	sne.s32 s2, $0x0  }
0x1cf: {  	s3 =	rddreg [dreg:$0x2];
	[bflag:$0x3] =	sbarrier.arrive $0xFFFF;
	s2 =	simm.s32 @!p0 $0x1C04  }
0x1d0: {  	[timem:s3], [sflag:s2] =	dma.local @!p0 [hbm:s0], s1  }
0x1d1: {  	s0 =	simm.s32 @!p0 $0x4  }
0x1d2: {  	_ =	swait.ge @!p0 [sflag:s0], s1  }
0x1d3: {  	s1 =	ssub.s32 @!p0 $0x0, s1;
	[sflag:s0] =	ssyncset.done @!p0 $0x0  }
0x1d4: {  	[sflag:s0] =	ssyncadd.s32 @!p0 s1  }
0x1d5: {  	[bflag:$0x3] =	sbarrier.arrive $0xFFFF  }
0x1d6: {  	_ =	shalt  }

</sc_bundles>
